<compile_context>
chip_gen: v7x
topology: tpu7x:2x2x1
jax: 0.10.2.dev20260603
libtpu: 0.0.44.dev20260713+nightly
codegen_flags: <defaults>
</compile_context>

<pallas_src>
import jax
import jax.numpy as jnp
from jax import lax
from jax.experimental import pallas as pl
from jax.experimental.pallas import tpu as pltpu
from jax.experimental.pallas import tpu_sc as plsc

N_NODES = 10000
N_PAD = 10240
D_FEAT = 128
F = 16
F3 = 8
N_EDGES = 320000
NC, NS = 2, 16
NW = NC * NS
B = 128
EP = 10240
C = EP // B
E_PAD = NW * EP
EPS = (C + 2) * B
ROWS = N_PAD // NS


def _make_sc_propagate(f):

    def body(g_hbm, src_hbm, dst_hbm, zero_hbm, out_hbm,
             src_v, dst_v, buf_v, gtab, acc, gsemA, gsemB):
        c = lax.axis_index("c")
        s = lax.axis_index("s")
        w = c * NS + s
        pltpu.sync_copy(zero_hbm, acc.at[pl.ds(s * ROWS, ROWS)])
        pltpu.sync_copy(g_hbm.at[pl.ds(s * ROWS, ROWS)],
                        gtab.at[pl.ds(s * ROWS, ROWS)])
        pltpu.sync_copy(src_hbm.at[w], src_v)
        pltpu.sync_copy(dst_hbm.at[w], dst_v)
        plsc.subcore_barrier()

        bufA = buf_v.at[0]
        bufB = buf_v.at[1]
        pltpu.async_copy(gtab.at[src_v.at[pl.ds(0, B)]], bufA, gsemA)
        pltpu.async_copy(gtab.at[src_v.at[pl.ds(B, B)]], bufB, gsemB)

        def pair(jp, carry):
            j0 = jp * 2
            offA = pl.multiple_of((j0 + 2) * B, B)
            offB = pl.multiple_of((j0 + 3) * B, B)
            pltpu.make_async_copy(gtab.at[src_v.at[pl.ds(0, B)]],
                                  bufA, gsemA).wait()
            pltpu.sync_copy(bufA, acc.at[dst_v.at[j0]], add=True)
            pltpu.async_copy(gtab.at[src_v.at[pl.ds(offA, B)]], bufA, gsemA)
            pltpu.make_async_copy(gtab.at[src_v.at[pl.ds(0, B)]],
                                  bufB, gsemB).wait()
            pltpu.sync_copy(bufB, acc.at[dst_v.at[j0 + 1]], add=True)
            pltpu.async_copy(gtab.at[src_v.at[pl.ds(offB, B)]], bufB, gsemB)
            return carry

        lax.fori_loop(0, C // 2, pair, 0)
        pltpu.make_async_copy(gtab.at[src_v.at[pl.ds(0, B)]],
                              bufA, gsemA).wait()
        pltpu.make_async_copy(gtab.at[src_v.at[pl.ds(0, B)]],
                              bufB, gsemB).wait()
        plsc.subcore_barrier()
        pltpu.sync_copy(acc.at[pl.ds(s * ROWS, ROWS)],
                        out_hbm.at[c, pl.ds(s * ROWS, ROWS)])

    return pl.kernel(
        body,
        out_type=jax.ShapeDtypeStruct((NC, N_PAD, f), jnp.float32),
        mesh=plsc.VectorSubcoreMesh(core_axis_name="c", subcore_axis_name="s"),
        compiler_params=pltpu.CompilerParams(use_tc_tiling_on_sc=False),
        scratch_types=[
            pltpu.VMEM((EPS,), jnp.int32),
            pltpu.VMEM((C, B), jnp.int32),
            pltpu.VMEM((2, B, f), jnp.float32),
            pltpu.VMEM_SHARED((N_PAD, f), jnp.float32),
            pltpu.VMEM_SHARED((N_PAD, f), jnp.float32),
            pltpu.SemaphoreType.DMA,
            pltpu.SemaphoreType.DMA,
        ],
    )


_sc_propagate16 = _make_sc_propagate(F)
_sc_propagate8 = _make_sc_propagate(F3)

SK = 8


def _sc_degree_body(ones_hbm, dst_hbm, zero_hbm, out_hbm,
                    dst_v, buf_v, acc, ssem):
    c = lax.axis_index("c")
    s = lax.axis_index("s")
    w = c * NS + s
    pltpu.sync_copy(zero_hbm, acc.at[pl.ds(s * ROWS, ROWS)])
    pltpu.sync_copy(dst_hbm.at[w], dst_v)
    pltpu.sync_copy(ones_hbm, buf_v)
    plsc.subcore_barrier()

    def group(jq, carry):
        j0 = jq * SK
        for b in range(SK):
            pltpu.async_copy(buf_v, acc.at[dst_v.at[j0 + b]], ssem, add=True)
        for b in range(SK):
            pltpu.make_async_copy(buf_v, acc.at[dst_v.at[j0]], ssem).wait()
        return carry

    lax.fori_loop(0, C // SK, group, 0)
    plsc.subcore_barrier()
    pltpu.sync_copy(acc.at[pl.ds(s * ROWS, ROWS)],
                    out_hbm.at[c, pl.ds(s * ROWS, ROWS)])


_sc_degree = pl.kernel(
    _sc_degree_body,
    out_type=jax.ShapeDtypeStruct((NC, N_PAD, F), jnp.float32),
    mesh=plsc.VectorSubcoreMesh(core_axis_name="c", subcore_axis_name="s"),
    compiler_params=pltpu.CompilerParams(use_tc_tiling_on_sc=False),
    scratch_types=[
        pltpu.VMEM((C, B), jnp.int32),
        pltpu.VMEM((B, F), jnp.float32),
        pltpu.VMEM_SHARED((N_PAD, F), jnp.float32),
        pltpu.SemaphoreType.DMA,
    ],
)


def _prep_body(deg0_ref, deg1_ref, x_ref, w1_ref, dinv_ref, g1_ref):
    dinv = lax.rsqrt(deg0_ref[...] + deg1_ref[...] + 1.0)
    dinv_ref[...] = dinv
    h = jnp.dot(x_ref[...], w1_ref[...], preferred_element_type=jnp.float32)
    g1_ref[...] = dinv * h


_prep = pl.pallas_call(
    _prep_body,
    out_shape=(jax.ShapeDtypeStruct((N_PAD, F), jnp.float32),
               jax.ShapeDtypeStruct((N_PAD, F), jnp.float32)),
)


def _mid1_body(s0_ref, s1_ref, g_ref, dinv_ref, b_ref, w_ref, gout_ref):
    dinv = dinv_ref[...]
    a = jnp.maximum(dinv * (s0_ref[...] + s1_ref[...] + g_ref[...])
                    + b_ref[...], 0.0)
    gout_ref[...] = dinv * jnp.dot(a, w_ref[...],
                                   preferred_element_type=jnp.float32)


_mid1 = pl.pallas_call(
    _mid1_body,
    out_shape=jax.ShapeDtypeStruct((N_PAD, F), jnp.float32),
)


def _mid2_body(s0_ref, s1_ref, g_ref, dinv_ref, b_ref, w_ref, gout_ref):
    dinv = dinv_ref[...]
    a = jnp.maximum(dinv * (s0_ref[...] + s1_ref[...] + g_ref[...])
                    + b_ref[...], 0.0)
    gout_ref[...] = dinv[:, :F3] * jnp.dot(a, w_ref[...],
                                           preferred_element_type=jnp.float32)


_mid2 = pl.pallas_call(
    _mid2_body,
    out_shape=jax.ShapeDtypeStruct((N_PAD, F3), jnp.float32),
)


def _final_body(s0_ref, s1_ref, g_ref, dinv_ref, b_ref, out_ref):
    z = (dinv_ref[...][:, :F3] * (s0_ref[...] + s1_ref[...] + g_ref[...])
         + b_ref[...])
    mask = lax.broadcasted_iota(jnp.int32, (N_PAD, F3), 1) < 6
    zm = jnp.where(mask, z, -1e30)
    zmax = jnp.max(zm, axis=1, keepdims=True)
    e = jnp.where(mask, jnp.exp(zm - zmax), 0.0)
    p = e / jnp.sum(e, axis=1, keepdims=True)
    ep = jnp.where(mask, jnp.exp(p), 0.0)
    out_ref[...] = p - jnp.log(jnp.sum(ep, axis=1, keepdims=True))


_final = pl.pallas_call(
    _final_body,
    out_shape=jax.ShapeDtypeStruct((N_PAD, F3), jnp.float32),
)


def kernel(x, edge_index, W1, b1, W2, b2, W3, b3):
    ei = edge_index.astype(jnp.int32)
    pad = jnp.full((E_PAD - N_EDGES,), N_NODES, jnp.int32)
    src_t = jnp.concatenate([ei[0], pad]).reshape(NW, EP)
    src_t = jnp.pad(src_t, ((0, 0), (0, EPS - EP)),
                    constant_values=N_NODES)
    dst_t = jnp.concatenate([ei[1], pad]).reshape(NW, C, B)
    xp = jnp.pad(x, ((0, N_PAD - N_NODES), (0, 0)))
    w3p = jnp.pad(W3, ((0, 0), (0, F3 - W3.shape[1])))
    b1r = b1.reshape(1, F)
    b2r = b2.reshape(1, F)
    b3r = jnp.pad(b3, (0, F3 - b3.shape[0])).reshape(1, F3)
    zeros = jnp.zeros((ROWS, F), jnp.float32)
    zeros8 = jnp.zeros((ROWS, F3), jnp.float32)
    ones = jnp.ones((B, F), jnp.float32)

    deg = _sc_degree(ones, dst_t, zeros)
    dinv, g1 = _prep(deg[0], deg[1], xp, W1)
    s1 = _sc_propagate16(g1, src_t, dst_t, zeros)
    g2 = _mid1(s1[0], s1[1], g1, dinv, b1r, W2)
    s2 = _sc_propagate16(g2, src_t, dst_t, zeros)
    g3 = _mid2(s2[0], s2[1], g2, dinv, b2r, w3p)
    s3 = _sc_propagate8(g3, src_t, dst_t, zeros8)
    out = _final(s3[0], s3[1], g3, dinv, b3r)
    return out[:N_NODES, :6]

# --- scband reference (transcript-rebuilt; emitter-appended) ---
"""Pipeline reference for scband-gcn3-6158983102957 (READ-ONLY COPY).

The authoritative reference and input builder live on the scoring server;
editing this copy changes nothing except your own understanding.
"""

import jax, jax.numpy as jnp
import numpy as np

N_NODES = 10000
N_EDGES = 320000
D_FEAT = 128
HIDDEN = (16, 16)
N_CLASSES = 6


def setup_inputs(seed: int = 0) -> dict:
    key = jax.random.key(seed)
    ks = jax.random.split(key, 8)
    x = jax.random.normal(ks[0], (N_NODES, D_FEAT), dtype=jnp.float32)
    edge_index = jax.random.randint(ks[1], (2, N_EDGES), 0, N_NODES, dtype=jnp.int64)
    W1 = jax.random.normal(ks[2], (D_FEAT, HIDDEN[0]), dtype=jnp.float32) * (1.0 / np.sqrt(D_FEAT))
    b1 = jnp.zeros((HIDDEN[0],), dtype=jnp.float32)
    W2 = jax.random.normal(ks[3], (HIDDEN[0], HIDDEN[1]), dtype=jnp.float32) * (1.0 / np.sqrt(HIDDEN[0]))
    b2 = jnp.zeros((HIDDEN[1],), dtype=jnp.float32)
    W3 = jax.random.normal(ks[4], (HIDDEN[1], N_CLASSES), dtype=jnp.float32) * (1.0 / np.sqrt(HIDDEN[1]))
    b3 = jnp.zeros((N_CLASSES,), dtype=jnp.float32)
    return {"x": x, "edge_index": edge_index, "W1": W1, "b1": b1, "W2": W2, "b2": b2, "W3": W3, "b3": b3}


def _gcn_conv(x, edge_index, W, b, num_nodes):
    # GCNConv: add self-loops, symmetric normalization D^{-1/2}(A+I)D^{-1/2} x W + b
    src = edge_index[0]
    dst = edge_index[1]
    loop = jnp.arange(num_nodes, dtype=edge_index.dtype)
    src = jnp.concatenate([src, loop])
    dst = jnp.concatenate([dst, loop])
    deg = jnp.zeros((num_nodes,), dtype=x.dtype).at[dst].add(1.0)
    dinv = jnp.where(deg > 0, deg ** -0.5, 0.0)
    norm = dinv[src] * dinv[dst]
    h = x @ W
    msg = h[src] * norm[:, None]
    out = jnp.zeros((num_nodes, W.shape[1]), dtype=x.dtype).at[dst].add(msg)
    return out + b


def reference(x, edge_index, W1, b1, W2, b2, W3, b3):
    n = x.shape[0]
    # conv1 + relu (dropout is no-op in eval mode / training=False)
    h = jax.nn.relu(_gcn_conv(x, edge_index, W1, b1, n))
    # conv2 + relu
    h = jax.nn.relu(_gcn_conv(h, edge_index, W2, b2, n))
    # conv3
    h = _gcn_conv(h, edge_index, W3, b3, n)
    # faithful to original: softmax then log_softmax
    h = jax.nn.softmax(h, axis=1)
    return jax.nn.log_softmax(h, axis=1)

if __name__ == "__main__":
    import jax
    _d = setup_inputs()
    print(jax.jit(kernel)(*tuple(_d.values())))

</pallas_src>

<mosaic_0001>
#map = affine_map<(d0, d1) -> (0, 0)>
#map1 = affine_map<(d0, d1) -> (0, 0, 0)>
module attributes {stable_mosaic.version = 14 : i64} {
  func.func @_sc_degree_body(%arg0: i32, %arg1: i32, %arg2: memref<128x16xf32, #tpu.memory_space<hbm>>, %arg3: memref<32x80x128xi32, #tpu.memory_space<hbm>>, %arg4: memref<640x16xf32, #tpu.memory_space<hbm>>, %arg5: memref<2x10240x16xf32, #tpu.memory_space<hbm>>, %arg6: memref<80x128xi32, #tpu.memory_space<vmem>>, %arg7: memref<128x16xf32, #tpu.memory_space<vmem>>, %arg8: memref<10240x16xf32, #tpu.memory_space<vmem_shared>>, %arg9: memref<!tpu.dma_semaphore, #tpu.memory_space<semaphore_mem>>) attributes {dimension_semantics = [#tpu.dimension_semantics<core_parallel>, #tpu.dimension_semantics<subcore_parallel>], iteration_bounds = array<i64: 2, 16>, scalar_prefetch = 0 : i64, scratch_operands = 4 : i64, tpu.core_type = #tpu.core_type<sc_vector_subcore>, window_params = [{transform_indices = #map}, {transform_indices = #map1}, {transform_indices = #map}, {transform_indices = #map1}]} {
    %mul3A = arith.constant 16 : i32
    %mul3A_0 = arith.muli %arg0, %mul3A : i32
    %add3A = arith.addi %mul3A_0, %arg1 : i32
    %mul3A_1 = arith.constant 640 : i32
    %mul3A_2 = arith.muli %arg1, %mul3A_1 : i32
    "tpu.region"() ({
      %run_scoped3A = tpu.sem_alloc : memref<!tpu.dma_semaphore, #tpu.memory_space<semaphore_mem>>
      %dma_start3A = arith.constant 0 : i32
      %dma_start3A_13 = tpu.memref_slice %arg8[%mul3A_2, %dma_start3A] : memref<10240x16xf32, #tpu.memory_space<vmem_shared>> -> memref<640x16xf32, #tpu.memory_space<vmem_shared>>
      tpu.enqueue_dma source(%arg4 : memref<640x16xf32, #tpu.memory_space<hbm>>) target(%dma_start3A_13 : memref<640x16xf32, #tpu.memory_space<vmem_shared>>) target_semaphore(%run_scoped3A : memref<!tpu.dma_semaphore, #tpu.memory_space<semaphore_mem>>)
      %dma_wait3A = arith.constant 0 : i32
      %dma_wait3A_14 = tpu.memref_slice %arg8[%mul3A_2, %dma_wait3A] : memref<10240x16xf32, #tpu.memory_space<vmem_shared>> -> memref<640x16xf32, #tpu.memory_space<vmem_shared>>
      tpu.wait_dma2 semaphore(%run_scoped3A : memref<!tpu.dma_semaphore, #tpu.memory_space<semaphore_mem>>) src(%arg4 : memref<640x16xf32, #tpu.memory_space<hbm>>) dst(%dma_wait3A_14 : memref<640x16xf32, #tpu.memory_space<vmem_shared>>)
      tpu.yield
    }) : () -> ()
    "tpu.region"() ({
      %run_scoped3A = tpu.sem_alloc : memref<!tpu.dma_semaphore, #tpu.memory_space<semaphore_mem>>
      %dma_start3A = arith.constant 0 : i32
      %dma_start3A_13 = arith.constant 0 : i32
      %dma_start3A_14 = tpu.memref_slice %arg3[%add3A, %dma_start3A, %dma_start3A_13] : memref<32x80x128xi32, #tpu.memory_space<hbm>> -> memref<1x80x128xi32, #tpu.memory_space<hbm>>
      %dma_start3A_15 = tpu.memref_squeeze %dma_start3A_14 : memref<1x80x128xi32, #tpu.memory_space<hbm>> -> memref<80x128xi32, #tpu.memory_space<hbm>>
      %dma_start3A_16 = arith.constant 0 : i32
      %dma_start3A_17 = arith.constant 0 : i32
      %dma_start3A_18 = tpu.memref_slice %arg3[%add3A, %dma_start3A_16, %dma_start3A_17] : memref<32x80x128xi32, #tpu.memory_space<hbm>> -> memref<1x80x128xi32, #tpu.memory_space<hbm>>
      %dma_start3A_19 = tpu.memref_squeeze %dma_start3A_18 : memref<1x80x128xi32, #tpu.memory_space<hbm>> -> memref<80x128xi32, #tpu.memory_space<hbm>>
      tpu.enqueue_dma source(%dma_start3A_19 : memref<80x128xi32, #tpu.memory_space<hbm>>) target(%arg6 : memref<80x128xi32, #tpu.memory_space<vmem>>) target_semaphore(%run_scoped3A : memref<!tpu.dma_semaphore, #tpu.memory_space<semaphore_mem>>)
      %dma_wait3A = arith.constant 0 : i32
      %dma_wait3A_20 = arith.constant 0 : i32
      %dma_wait3A_21 = tpu.memref_slice %arg3[%add3A, %dma_wait3A, %dma_wait3A_20] : memref<32x80x128xi32, #tpu.memory_space<hbm>> -> memref<1x80x128xi32, #tpu.memory_space<hbm>>
      %dma_wait3A_22 = tpu.memref_squeeze %dma_wait3A_21 : memref<1x80x128xi32, #tpu.memory_space<hbm>> -> memref<80x128xi32, #tpu.memory_space<hbm>>
      %dma_wait3A_23 = arith.constant 0 : i32
      %dma_wait3A_24 = arith.constant 0 : i32
      %dma_wait3A_25 = tpu.memref_slice %arg3[%add3A, %dma_wait3A_23, %dma_wait3A_24] : memref<32x80x128xi32, #tpu.memory_space<hbm>> -> memref<1x80x128xi32, #tpu.memory_space<hbm>>
      %dma_wait3A_26 = tpu.memref_squeeze %dma_wait3A_25 : memref<1x80x128xi32, #tpu.memory_space<hbm>> -> memref<80x128xi32, #tpu.memory_space<hbm>>
      tpu.wait_dma2 semaphore(%run_scoped3A : memref<!tpu.dma_semaphore, #tpu.memory_space<semaphore_mem>>) src(%dma_wait3A_26 : memref<80x128xi32, #tpu.memory_space<hbm>>) dst(%arg6 : memref<80x128xi32, #tpu.memory_space<vmem>>)
      tpu.yield
    }) : () -> ()
    "tpu.region"() ({
      %run_scoped3A = tpu.sem_alloc : memref<!tpu.dma_semaphore, #tpu.memory_space<semaphore_mem>>
      tpu.enqueue_dma source(%arg2 : memref<128x16xf32, #tpu.memory_space<hbm>>) target(%arg7 : memref<128x16xf32, #tpu.memory_space<vmem>>) target_semaphore(%run_scoped3A : memref<!tpu.dma_semaphore, #tpu.memory_space<semaphore_mem>>)
      tpu.wait_dma2 semaphore(%run_scoped3A : memref<!tpu.dma_semaphore, #tpu.memory_space<semaphore_mem>>) src(%arg2 : memref<128x16xf32, #tpu.memory_space<hbm>>) dst(%arg7 : memref<128x16xf32, #tpu.memory_space<vmem>>)
      tpu.yield
    }) : () -> ()
    %barrier3A = arith.constant 0 : index
    tpu.barrier barrier_id(%barrier3A)
    %scan3A = arith.constant 0 : i32
    %scan3A_3 = arith.constant 0 : i32
    %scan3A_4 = arith.constant 10 : i32
    %scan3A_5 = arith.addi %scan3A_3, %scan3A_4 : i32
    %scan3A_6 = arith.constant 1 : i32
    scf.for %scan3A_13 = %scan3A_3 to %scan3A_5 step %scan3A_6  : i32 {
      %mul3A_14 = arith.constant 8 : i32
      %mul3A_15 = arith.muli %scan3A_13, %mul3A_14 : i32
      %add3A_16 = arith.constant 0 : i32
      %add3A_17 = arith.addi %mul3A_15, %add3A_16 : i32
      %dma_start3A = arith.constant 0 : i32
      %dma_start3A_18 = tpu.memref_slice %arg6[%add3A_17, %dma_start3A] : memref<80x128xi32, #tpu.memory_space<vmem>> -> memref<1x128xi32, #tpu.memory_space<vmem>>
      %dma_start3A_19 = tpu.memref_squeeze %dma_start3A_18 : memref<1x128xi32, #tpu.memory_space<vmem>> -> memref<128xi32, #tpu.memory_space<vmem>>
      %dma_start3A_20 = arith.constant 0 : i32
      %dma_start3A_21 = arith.constant 0 : i32
      %dma_start3A_22 = tpu.memref_slice %arg8[%dma_start3A_20, %dma_start3A_21] : memref<10240x16xf32, #tpu.memory_space<vmem_shared>> -> memref<10240x16xf32, #tpu.memory_space<vmem_shared>>
      tpu.enqueue_indirect_dma source(%arg7 : memref<128x16xf32, #tpu.memory_space<vmem>>) target(%dma_start3A_22 : memref<10240x16xf32, #tpu.memory_space<vmem_shared>>) offsets(%dma_start3A_19 : memref<128xi32, #tpu.memory_space<vmem>>) semaphore(%arg9 : memref<!tpu.dma_semaphore, #tpu.memory_space<semaphore_mem>>) {add = true}
      %add3A_23 = arith.constant 1 : i32
      %add3A_24 = arith.addi %mul3A_15, %add3A_23 : i32
      %dma_start3A_25 = arith.constant 0 : i32
      %dma_start3A_26 = tpu.memref_slice %arg6[%add3A_24, %dma_start3A_25] : memref<80x128xi32, #tpu.memory_space<vmem>> -> memref<1x128xi32, #tpu.memory_space<vmem>>
      %dma_start3A_27 = tpu.memref_squeeze %dma_start3A_26 : memref<1x128xi32, #tpu.memory_space<vmem>> -> memref<128xi32, #tpu.memory_space<vmem>>
      %dma_start3A_28 = arith.constant 0 : i32
      %dma_start3A_29 = arith.constant 0 : i32
      %dma_start3A_30 = tpu.memref_slice %arg8[%dma_start3A_28, %dma_start3A_29] : memref<10240x16xf32, #tpu.memory_space<vmem_shared>> -> memref<10240x16xf32, #tpu.memory_space<vmem_shared>>
      tpu.enqueue_indirect_dma source(%arg7 : memref<128x16xf32, #tpu.memory_space<vmem>>) target(%dma_start3A_30 : memref<10240x16xf32, #tpu.memory_space<vmem_shared>>) offsets(%dma_start3A_27 : memref<128xi32, #tpu.memory_space<vmem>>) semaphore(%arg9 : memref<!tpu.dma_semaphore, #tpu.memory_space<semaphore_mem>>) {add = true}
      %add3A_31 = arith.constant 2 : i32
      %add3A_32 = arith.addi %mul3A_15, %add3A_31 : i32
      %dma_start3A_33 = arith.constant 0 : i32
      %dma_start3A_34 = tpu.memref_slice %arg6[%add3A_32, %dma_start3A_33] : memref<80x128xi32, #tpu.memory_space<vmem>> -> memref<1x128xi32, #tpu.memory_space<vmem>>
      %dma_start3A_35 = tpu.memref_squeeze %dma_start3A_34 : memref<1x128xi32, #tpu.memory_space<vmem>> -> memref<128xi32, #tpu.memory_space<vmem>>
      %dma_start3A_36 = arith.constant 0 : i32
      %dma_start3A_37 = arith.constant 0 : i32
      %dma_start3A_38 = tpu.memref_slice %arg8[%dma_start3A_36, %dma_start3A_37] : memref<10240x16xf32, #tpu.memory_space<vmem_shared>> -> memref<10240x16xf32, #tpu.memory_space<vmem_shared>>
      tpu.enqueue_indirect_dma source(%arg7 : memref<128x16xf32, #tpu.memory_space<vmem>>) target(%dma_start3A_38 : memref<10240x16xf32, #tpu.memory_space<vmem_shared>>) offsets(%dma_start3A_35 : memref<128xi32, #tpu.memory_space<vmem>>) semaphore(%arg9 : memref<!tpu.dma_semaphore, #tpu.memory_space<semaphore_mem>>) {add = true}
      %add3A_39 = arith.constant 3 : i32
      %add3A_40 = arith.addi %mul3A_15, %add3A_39 : i32
      %dma_start3A_41 = arith.constant 0 : i32
      %dma_start3A_42 = tpu.memref_slice %arg6[%add3A_40, %dma_start3A_41] : memref<80x128xi32, #tpu.memory_space<vmem>> -> memref<1x128xi32, #tpu.memory_space<vmem>>
      %dma_start3A_43 = tpu.memref_squeeze %dma_start3A_42 : memref<1x128xi32, #tpu.memory_space<vmem>> -> memref<128xi32, #tpu.memory_space<vmem>>
      %dma_start3A_44 = arith.constant 0 : i32
      %dma_start3A_45 = arith.constant 0 : i32
      %dma_start3A_46 = tpu.memref_slice %arg8[%dma_start3A_44, %dma_start3A_45] : memref<10240x16xf32, #tpu.memory_space<vmem_shared>> -> memref<10240x16xf32, #tpu.memory_space<vmem_shared>>
      tpu.enqueue_indirect_dma source(%arg7 : memref<128x16xf32, #tpu.memory_space<vmem>>) target(%dma_start3A_46 : memref<10240x16xf32, #tpu.memory_space<vmem_shared>>) offsets(%dma_start3A_43 : memref<128xi32, #tpu.memory_space<vmem>>) semaphore(%arg9 : memref<!tpu.dma_semaphore, #tpu.memory_space<semaphore_mem>>) {add = true}
      %add3A_47 = arith.constant 4 : i32
      %add3A_48 = arith.addi %mul3A_15, %add3A_47 : i32
      %dma_start3A_49 = arith.constant 0 : i32
      %dma_start3A_50 = tpu.memref_slice %arg6[%add3A_48, %dma_start3A_49] : memref<80x128xi32, #tpu.memory_space<vmem>> -> memref<1x128xi32, #tpu.memory_space<vmem>>
      %dma_start3A_51 = tpu.memref_squeeze %dma_start3A_50 : memref<1x128xi32, #tpu.memory_space<vmem>> -> memref<128xi32, #tpu.memory_space<vmem>>
      %dma_start3A_52 = arith.constant 0 : i32
      %dma_start3A_53 = arith.constant 0 : i32
      %dma_start3A_54 = tpu.memref_slice %arg8[%dma_start3A_52, %dma_start3A_53] : memref<10240x16xf32, #tpu.memory_space<vmem_shared>> -> memref<10240x16xf32, #tpu.memory_space<vmem_shared>>
      tpu.enqueue_indirect_dma source(%arg7 : memref<128x16xf32, #tpu.memory_space<vmem>>) target(%dma_start3A_54 : memref<10240x16xf32, #tpu.memory_space<vmem_shared>>) offsets(%dma_start3A_51 : memref<128xi32, #tpu.memory_space<vmem>>) semaphore(%arg9 : memref<!tpu.dma_semaphore, #tpu.memory_space<semaphore_mem>>) {add = true}
      %add3A_55 = arith.constant 5 : i32
      %add3A_56 = arith.addi %mul3A_15, %add3A_55 : i32
      %dma_start3A_57 = arith.constant 0 : i32
      %dma_start3A_58 = tpu.memref_slice %arg6[%add3A_56, %dma_start3A_57] : memref<80x128xi32, #tpu.memory_space<vmem>> -> memref<1x128xi32, #tpu.memory_space<vmem>>
      %dma_start3A_59 = tpu.memref_squeeze %dma_start3A_58 : memref<1x128xi32, #tpu.memory_space<vmem>> -> memref<128xi32, #tpu.memory_space<vmem>>
      %dma_start3A_60 = arith.constant 0 : i32
      %dma_start3A_61 = arith.constant 0 : i32
      %dma_start3A_62 = tpu.memref_slice %arg8[%dma_start3A_60, %dma_start3A_61] : memref<10240x16xf32, #tpu.memory_space<vmem_shared>> -> memref<10240x16xf32, #tpu.memory_space<vmem_shared>>
      tpu.enqueue_indirect_dma source(%arg7 : memref<128x16xf32, #tpu.memory_space<vmem>>) target(%dma_start3A_62 : memref<10240x16xf32, #tpu.memory_space<vmem_shared>>) offsets(%dma_start3A_59 : memref<128xi32, #tpu.memory_space<vmem>>) semaphore(%arg9 : memref<!tpu.dma_semaphore, #tpu.memory_space<semaphore_mem>>) {add = true}
      %add3A_63 = arith.constant 6 : i32
      %add3A_64 = arith.addi %mul3A_15, %add3A_63 : i32
      %dma_start3A_65 = arith.constant 0 : i32
      %dma_start3A_66 = tpu.memref_slice %arg6[%add3A_64, %dma_start3A_65] : memref<80x128xi32, #tpu.memory_space<vmem>> -> memref<1x128xi32, #tpu.memory_space<vmem>>
      %dma_start3A_67 = tpu.memref_squeeze %dma_start3A_66 : memref<1x128xi32, #tpu.memory_space<vmem>> -> memref<128xi32, #tpu.memory_space<vmem>>
      %dma_start3A_68 = arith.constant 0 : i32
      %dma_start3A_69 = arith.constant 0 : i32
      %dma_start3A_70 = tpu.memref_slice %arg8[%dma_start3A_68, %dma_start3A_69] : memref<10240x16xf32, #tpu.memory_space<vmem_shared>> -> memref<10240x16xf32, #tpu.memory_space<vmem_shared>>
      tpu.enqueue_indirect_dma source(%arg7 : memref<128x16xf32, #tpu.memory_space<vmem>>) target(%dma_start3A_70 : memref<10240x16xf32, #tpu.memory_space<vmem_shared>>) offsets(%dma_start3A_67 : memref<128xi32, #tpu.memory_space<vmem>>) semaphore(%arg9 : memref<!tpu.dma_semaphore, #tpu.memory_space<semaphore_mem>>) {add = true}
      %add3A_71 = arith.constant 7 : i32
      %add3A_72 = arith.addi %mul3A_15, %add3A_71 : i32
      %dma_start3A_73 = arith.constant 0 : i32
      %dma_start3A_74 = tpu.memref_slice %arg6[%add3A_72, %dma_start3A_73] : memref<80x128xi32, #tpu.memory_space<vmem>> -> memref<1x128xi32, #tpu.memory_space<vmem>>
      %dma_start3A_75 = tpu.memref_squeeze %dma_start3A_74 : memref<1x128xi32, #tpu.memory_space<vmem>> -> memref<128xi32, #tpu.memory_space<vmem>>
      %dma_start3A_76 = arith.constant 0 : i32
      %dma_start3A_77 = arith.constant 0 : i32
      %dma_start3A_78 = tpu.memref_slice %arg8[%dma_start3A_76, %dma_start3A_77] : memref<10240x16xf32, #tpu.memory_space<vmem_shared>> -> memref<10240x16xf32, #tpu.memory_space<vmem_shared>>
      tpu.enqueue_indirect_dma source(%arg7 : memref<128x16xf32, #tpu.memory_space<vmem>>) target(%dma_start3A_78 : memref<10240x16xf32, #tpu.memory_space<vmem_shared>>) offsets(%dma_start3A_75 : memref<128xi32, #tpu.memory_space<vmem>>) semaphore(%arg9 : memref<!tpu.dma_semaphore, #tpu.memory_space<semaphore_mem>>) {add = true}
      %dma_wait3A = arith.constant 0 : i32
      %dma_wait3A_79 = tpu.memref_slice %arg6[%mul3A_15, %dma_wait3A] : memref<80x128xi32, #tpu.memory_space<vmem>> -> memref<1x128xi32, #tpu.memory_space<vmem>>
      %dma_wait3A_80 = tpu.memref_squeeze %dma_wait3A_79 : memref<1x128xi32, #tpu.memory_space<vmem>> -> memref<128xi32, #tpu.memory_space<vmem>>
      %dma_wait3A_81 = arith.constant 0 : i32
      %dma_wait3A_82 = arith.constant 0 : i32
      %dma_wait3A_83 = tpu.memref_slice %arg8[%dma_wait3A_81, %dma_wait3A_82] : memref<10240x16xf32, #tpu.memory_space<vmem_shared>> -> memref<10240x16xf32, #tpu.memory_space<vmem_shared>>
      tpu.wait_indirect_dma semaphore(%arg9 : memref<!tpu.dma_semaphore, #tpu.memory_space<semaphore_mem>>) src(%arg7 : memref<128x16xf32, #tpu.memory_space<vmem>>) dst(%dma_wait3A_83 : memref<10240x16xf32, #tpu.memory_space<vmem_shared>>)
      %dma_wait3A_84 = arith.constant 0 : i32
      %dma_wait3A_85 = tpu.memref_slice %arg6[%mul3A_15, %dma_wait3A_84] : memref<80x128xi32, #tpu.memory_space<vmem>> -> memref<1x128xi32, #tpu.memory_space<vmem>>
      %dma_wait3A_86 = tpu.memref_squeeze %dma_wait3A_85 : memref<1x128xi32, #tpu.memory_space<vmem>> -> memref<128xi32, #tpu.memory_space<vmem>>
      %dma_wait3A_87 = arith.constant 0 : i32
      %dma_wait3A_88 = arith.constant 0 : i32
      %dma_wait3A_89 = tpu.memref_slice %arg8[%dma_wait3A_87, %dma_wait3A_88] : memref<10240x16xf32, #tpu.memory_space<vmem_shared>> -> memref<10240x16xf32, #tpu.memory_space<vmem_shared>>
      tpu.wait_indirect_dma semaphore(%arg9 : memref<!tpu.dma_semaphore, #tpu.memory_space<semaphore_mem>>) src(%arg7 : memref<128x16xf32, #tpu.memory_space<vmem>>) dst(%dma_wait3A_89 : memref<10240x16xf32, #tpu.memory_space<vmem_shared>>)
      %dma_wait3A_90 = arith.constant 0 : i32
      %dma_wait3A_91 = tpu.memref_slice %arg6[%mul3A_15, %dma_wait3A_90] : memref<80x128xi32, #tpu.memory_space<vmem>> -> memref<1x128xi32, #tpu.memory_space<vmem>>
      %dma_wait3A_92 = tpu.memref_squeeze %dma_wait3A_91 : memref<1x128xi32, #tpu.memory_space<vmem>> -> memref<128xi32, #tpu.memory_space<vmem>>
      %dma_wait3A_93 = arith.constant 0 : i32
      %dma_wait3A_94 = arith.constant 0 : i32
      %dma_wait3A_95 = tpu.memref_slice %arg8[%dma_wait3A_93, %dma_wait3A_94] : memref<10240x16xf32, #tpu.memory_space<vmem_shared>> -> memref<10240x16xf32, #tpu.memory_space<vmem_shared>>
      tpu.wait_indirect_dma semaphore(%arg9 : memref<!tpu.dma_semaphore, #tpu.memory_space<semaphore_mem>>) src(%arg7 : memref<128x16xf32, #tpu.memory_space<vmem>>) dst(%dma_wait3A_95 : memref<10240x16xf32, #tpu.memory_space<vmem_shared>>)
      %dma_wait3A_96 = arith.constant 0 : i32
      %dma_wait3A_97 = tpu.memref_slice %arg6[%mul3A_15, %dma_wait3A_96] : memref<80x128xi32, #tpu.memory_space<vmem>> -> memref<1x128xi32, #tpu.memory_space<vmem>>
      %dma_wait3A_98 = tpu.memref_squeeze %dma_wait3A_97 : memref<1x128xi32, #tpu.memory_space<vmem>> -> memref<128xi32, #tpu.memory_space<vmem>>
      %dma_wait3A_99 = arith.constant 0 : i32
      %dma_wait3A_100 = arith.constant 0 : i32
      %dma_wait3A_101 = tpu.memref_slice %arg8[%dma_wait3A_99, %dma_wait3A_100] : memref<10240x16xf32, #tpu.memory_space<vmem_shared>> -> memref<10240x16xf32, #tpu.memory_space<vmem_shared>>
      tpu.wait_indirect_dma semaphore(%arg9 : memref<!tpu.dma_semaphore, #tpu.memory_space<semaphore_mem>>) src(%arg7 : memref<128x16xf32, #tpu.memory_space<vmem>>) dst(%dma_wait3A_101 : memref<10240x16xf32, #tpu.memory_space<vmem_shared>>)
      %dma_wait3A_102 = arith.constant 0 : i32
      %dma_wait3A_103 = tpu.memref_slice %arg6[%mul3A_15, %dma_wait3A_102] : memref<80x128xi32, #tpu.memory_space<vmem>> -> memref<1x128xi32, #tpu.memory_space<vmem>>
      %dma_wait3A_104 = tpu.memref_squeeze %dma_wait3A_103 : memref<1x128xi32, #tpu.memory_space<vmem>> -> memref<128xi32, #tpu.memory_space<vmem>>
      %dma_wait3A_105 = arith.constant 0 : i32
      %dma_wait3A_106 = arith.constant 0 : i32
      %dma_wait3A_107 = tpu.memref_slice %arg8[%dma_wait3A_105, %dma_wait3A_106] : memref<10240x16xf32, #tpu.memory_space<vmem_shared>> -> memref<10240x16xf32, #tpu.memory_space<vmem_shared>>
      tpu.wait_indirect_dma semaphore(%arg9 : memref<!tpu.dma_semaphore, #tpu.memory_space<semaphore_mem>>) src(%arg7 : memref<128x16xf32, #tpu.memory_space<vmem>>) dst(%dma_wait3A_107 : memref<10240x16xf32, #tpu.memory_space<vmem_shared>>)
      %dma_wait3A_108 = arith.constant 0 : i32
      %dma_wait3A_109 = tpu.memref_slice %arg6[%mul3A_15, %dma_wait3A_108] : memref<80x128xi32, #tpu.memory_space<vmem>> -> memref<1x128xi32, #tpu.memory_space<vmem>>
      %dma_wait3A_110 = tpu.memref_squeeze %dma_wait3A_109 : memref<1x128xi32, #tpu.memory_space<vmem>> -> memref<128xi32, #tpu.memory_space<vmem>>
      %dma_wait3A_111 = arith.constant 0 : i32
      %dma_wait3A_112 = arith.constant 0 : i32
      %dma_wait3A_113 = tpu.memref_slice %arg8[%dma_wait3A_111, %dma_wait3A_112] : memref<10240x16xf32, #tpu.memory_space<vmem_shared>> -> memref<10240x16xf32, #tpu.memory_space<vmem_shared>>
      tpu.wait_indirect_dma semaphore(%arg9 : memref<!tpu.dma_semaphore, #tpu.memory_space<semaphore_mem>>) src(%arg7 : memref<128x16xf32, #tpu.memory_space<vmem>>) dst(%dma_wait3A_113 : memref<10240x16xf32, #tpu.memory_space<vmem_shared>>)
      %dma_wait3A_114 = arith.constant 0 : i32
      %dma_wait3A_115 = tpu.memref_slice %arg6[%mul3A_15, %dma_wait3A_114] : memref<80x128xi32, #tpu.memory_space<vmem>> -> memref<1x128xi32, #tpu.memory_space<vmem>>
      %dma_wait3A_116 = tpu.memref_squeeze %dma_wait3A_115 : memref<1x128xi32, #tpu.memory_space<vmem>> -> memref<128xi32, #tpu.memory_space<vmem>>
      %dma_wait3A_117 = arith.constant 0 : i32
      %dma_wait3A_118 = arith.constant 0 : i32
      %dma_wait3A_119 = tpu.memref_slice %arg8[%dma_wait3A_117, %dma_wait3A_118] : memref<10240x16xf32, #tpu.memory_space<vmem_shared>> -> memref<10240x16xf32, #tpu.memory_space<vmem_shared>>
      tpu.wait_indirect_dma semaphore(%arg9 : memref<!tpu.dma_semaphore, #tpu.memory_space<semaphore_mem>>) src(%arg7 : memref<128x16xf32, #tpu.memory_space<vmem>>) dst(%dma_wait3A_119 : memref<10240x16xf32, #tpu.memory_space<vmem_shared>>)
      %dma_wait3A_120 = arith.constant 0 : i32
      %dma_wait3A_121 = tpu.memref_slice %arg6[%mul3A_15, %dma_wait3A_120] : memref<80x128xi32, #tpu.memory_space<vmem>> -> memref<1x128xi32, #tpu.memory_space<vmem>>
      %dma_wait3A_122 = tpu.memref_squeeze %dma_wait3A_121 : memref<1x128xi32, #tpu.memory_space<vmem>> -> memref<128xi32, #tpu.memory_space<vmem>>
      %dma_wait3A_123 = arith.constant 0 : i32
      %dma_wait3A_124 = arith.constant 0 : i32
      %dma_wait3A_125 = tpu.memref_slice %arg8[%dma_wait3A_123, %dma_wait3A_124] : memref<10240x16xf32, #tpu.memory_space<vmem_shared>> -> memref<10240x16xf32, #tpu.memory_space<vmem_shared>>
      tpu.wait_indirect_dma semaphore(%arg9 : memref<!tpu.dma_semaphore, #tpu.memory_space<semaphore_mem>>) src(%arg7 : memref<128x16xf32, #tpu.memory_space<vmem>>) dst(%dma_wait3A_125 : memref<10240x16xf32, #tpu.memory_space<vmem_shared>>)
    }
    %scan3A_7 = arith.constant 10 : i32
    %barrier3A_8 = arith.constant 0 : index
    tpu.barrier barrier_id(%barrier3A_8)
    %mul3A_9 = arith.constant 640 : i32
    %mul3A_10 = arith.muli %arg1, %mul3A_9 : i32
    %mul3A_11 = arith.constant 640 : i32
    %mul3A_12 = arith.muli %arg1, %mul3A_11 : i32
    "tpu.region"() ({
      %run_scoped3A = tpu.sem_alloc : memref<!tpu.dma_semaphore, #tpu.memory_space<semaphore_mem>>
      %dma_start3A = arith.constant 0 : i32
      %dma_start3A_13 = tpu.memref_slice %arg5[%arg0, %mul3A_12, %dma_start3A] : memref<2x10240x16xf32, #tpu.memory_space<hbm>> -> memref<1x640x16xf32, #tpu.memory_space<hbm>>
      %dma_start3A_14 = tpu.memref_squeeze %dma_start3A_13 : memref<1x640x16xf32, #tpu.memory_space<hbm>> -> memref<640x16xf32, #tpu.memory_space<hbm>>
      %dma_start3A_15 = arith.constant 0 : i32
      %dma_start3A_16 = tpu.memref_slice %arg8[%mul3A_10, %dma_start3A_15] : memref<10240x16xf32, #tpu.memory_space<vmem_shared>> -> memref<640x16xf32, #tpu.memory_space<vmem_shared>>
      tpu.enqueue_dma source(%dma_start3A_16 : memref<640x16xf32, #tpu.memory_space<vmem_shared>>) target(%dma_start3A_14 : memref<640x16xf32, #tpu.memory_space<hbm>>) target_semaphore(%run_scoped3A : memref<!tpu.dma_semaphore, #tpu.memory_space<semaphore_mem>>)
      %dma_wait3A = arith.constant 0 : i32
      %dma_wait3A_17 = tpu.memref_slice %arg5[%arg0, %mul3A_12, %dma_wait3A] : memref<2x10240x16xf32, #tpu.memory_space<hbm>> -> memref<1x640x16xf32, #tpu.memory_space<hbm>>
      %dma_wait3A_18 = tpu.memref_squeeze %dma_wait3A_17 : memref<1x640x16xf32, #tpu.memory_space<hbm>> -> memref<640x16xf32, #tpu.memory_space<hbm>>
      %dma_wait3A_19 = arith.constant 0 : i32
      %dma_wait3A_20 = tpu.memref_slice %arg8[%mul3A_10, %dma_wait3A_19] : memref<10240x16xf32, #tpu.memory_space<vmem_shared>> -> memref<640x16xf32, #tpu.memory_space<vmem_shared>>
      tpu.wait_dma2 semaphore(%run_scoped3A : memref<!tpu.dma_semaphore, #tpu.memory_space<semaphore_mem>>) src(%dma_wait3A_20 : memref<640x16xf32, #tpu.memory_space<vmem_shared>>) dst(%dma_wait3A_18 : memref<640x16xf32, #tpu.memory_space<hbm>>)
      tpu.yield
    }) : () -> ()
    return
  }
}

#map = affine_map<(d0, d1) -> (0, 0)>
#map1 = affine_map<(d0, d1) -> (0, 0, 0)>
module attributes {stable_mosaic.version = 14 : i64} {
  func.func @body(%arg0: i32, %arg1: i32, %arg2: memref<10240x8xf32, #tpu.memory_space<hbm>>, %arg3: memref<32x10496xi32, #tpu.memory_space<hbm>>, %arg4: memref<32x80x128xi32, #tpu.memory_space<hbm>>, %arg5: memref<640x8xf32, #tpu.memory_space<hbm>>, %arg6: memref<2x10240x8xf32, #tpu.memory_space<hbm>>, %arg7: memref<10496xi32, #tpu.memory_space<vmem>>, %arg8: memref<80x128xi32, #tpu.memory_space<vmem>>, %arg9: memref<2x128x8xf32, #tpu.memory_space<vmem>>, %arg10: memref<10240x8xf32, #tpu.memory_space<vmem_shared>>, %arg11: memref<10240x8xf32, #tpu.memory_space<vmem_shared>>, %arg12: memref<!tpu.dma_semaphore, #tpu.memory_space<semaphore_mem>>, %arg13: memref<!tpu.dma_semaphore, #tpu.memory_space<semaphore_mem>>) attributes {dimension_semantics = [#tpu.dimension_semantics<core_parallel>, #tpu.dimension_semantics<subcore_parallel>], iteration_bounds = array<i64: 2, 16>, scalar_prefetch = 0 : i64, scratch_operands = 7 : i64, tpu.core_type = #tpu.core_type<sc_vector_subcore>, window_params = [{transform_indices = #map}, {transform_indices = #map}, {transform_indices = #map1}, {transform_indices = #map}, {transform_indices = #map1}]} {
    %mul3A = arith.constant 16 : i32
    %mul3A_0 = arith.muli %arg0, %mul3A : i32
    %add3A = arith.addi %mul3A_0, %arg1 : i32
    %mul3A_1 = arith.constant 640 : i32
    %mul3A_2 = arith.muli %arg1, %mul3A_1 : i32
    "tpu.region"() ({
      %run_scoped3A = tpu.sem_alloc : memref<!tpu.dma_semaphore, #tpu.memory_space<semaphore_mem>>
      %dma_start3A_57 = arith.constant 0 : i32
      %dma_start3A_58 = tpu.memref_slice %arg11[%mul3A_2, %dma_start3A_57] : memref<10240x8xf32, #tpu.memory_space<vmem_shared>> -> memref<640x8xf32, #tpu.memory_space<vmem_shared>>
      tpu.enqueue_dma source(%arg5 : memref<640x8xf32, #tpu.memory_space<hbm>>) target(%dma_start3A_58 : memref<640x8xf32, #tpu.memory_space<vmem_shared>>) target_semaphore(%run_scoped3A : memref<!tpu.dma_semaphore, #tpu.memory_space<semaphore_mem>>)
      %dma_wait3A_59 = arith.constant 0 : i32
      %dma_wait3A_60 = tpu.memref_slice %arg11[%mul3A_2, %dma_wait3A_59] : memref<10240x8xf32, #tpu.memory_space<vmem_shared>> -> memref<640x8xf32, #tpu.memory_space<vmem_shared>>
      tpu.wait_dma2 semaphore(%run_scoped3A : memref<!tpu.dma_semaphore, #tpu.memory_space<semaphore_mem>>) src(%arg5 : memref<640x8xf32, #tpu.memory_space<hbm>>) dst(%dma_wait3A_60 : memref<640x8xf32, #tpu.memory_space<vmem_shared>>)
      tpu.yield
    }) : () -> ()
    %mul3A_3 = arith.constant 640 : i32
    %mul3A_4 = arith.muli %arg1, %mul3A_3 : i32
    %mul3A_5 = arith.constant 640 : i32
    %mul3A_6 = arith.muli %arg1, %mul3A_5 : i32
    "tpu.region"() ({
      %run_scoped3A = tpu.sem_alloc : memref<!tpu.dma_semaphore, #tpu.memory_space<semaphore_mem>>
      %dma_start3A_57 = arith.constant 0 : i32
      %dma_start3A_58 = tpu.memref_slice %arg10[%mul3A_6, %dma_start3A_57] : memref<10240x8xf32, #tpu.memory_space<vmem_shared>> -> memref<640x8xf32, #tpu.memory_space<vmem_shared>>
      %dma_start3A_59 = arith.constant 0 : i32
      %dma_start3A_60 = tpu.memref_slice %arg2[%mul3A_4, %dma_start3A_59] : memref<10240x8xf32, #tpu.memory_space<hbm>> -> memref<640x8xf32, #tpu.memory_space<hbm>>
      tpu.enqueue_dma source(%dma_start3A_60 : memref<640x8xf32, #tpu.memory_space<hbm>>) target(%dma_start3A_58 : memref<640x8xf32, #tpu.memory_space<vmem_shared>>) target_semaphore(%run_scoped3A : memref<!tpu.dma_semaphore, #tpu.memory_space<semaphore_mem>>)
      %dma_wait3A_61 = arith.constant 0 : i32
      %dma_wait3A_62 = tpu.memref_slice %arg10[%mul3A_6, %dma_wait3A_61] : memref<10240x8xf32, #tpu.memory_space<vmem_shared>> -> memref<640x8xf32, #tpu.memory_space<vmem_shared>>
      %dma_wait3A_63 = arith.constant 0 : i32
      %dma_wait3A_64 = tpu.memref_slice %arg2[%mul3A_4, %dma_wait3A_63] : memref<10240x8xf32, #tpu.memory_space<hbm>> -> memref<640x8xf32, #tpu.memory_space<hbm>>
      tpu.wait_dma2 semaphore(%run_scoped3A : memref<!tpu.dma_semaphore, #tpu.memory_space<semaphore_mem>>) src(%dma_wait3A_64 : memref<640x8xf32, #tpu.memory_space<hbm>>) dst(%dma_wait3A_62 : memref<640x8xf32, #tpu.memory_space<vmem_shared>>)
      tpu.yield
    }) : () -> ()
    "tpu.region"() ({
      %run_scoped3A = tpu.sem_alloc : memref<!tpu.dma_semaphore, #tpu.memory_space<semaphore_mem>>
      %dma_start3A_57 = arith.constant 0 : i32
      %dma_start3A_58 = tpu.memref_slice %arg3[%add3A, %dma_start3A_57] : memref<32x10496xi32, #tpu.memory_space<hbm>> -> memref<1x10496xi32, #tpu.memory_space<hbm>>
      %dma_start3A_59 = tpu.memref_squeeze %dma_start3A_58 : memref<1x10496xi32, #tpu.memory_space<hbm>> -> memref<10496xi32, #tpu.memory_space<hbm>>
      %dma_start3A_60 = arith.constant 0 : i32
      %dma_start3A_61 = tpu.memref_slice %arg3[%add3A, %dma_start3A_60] : memref<32x10496xi32, #tpu.memory_space<hbm>> -> memref<1x10496xi32, #tpu.memory_space<hbm>>
      %dma_start3A_62 = tpu.memref_squeeze %dma_start3A_61 : memref<1x10496xi32, #tpu.memory_space<hbm>> -> memref<10496xi32, #tpu.memory_space<hbm>>
      tpu.enqueue_dma source(%dma_start3A_62 : memref<10496xi32, #tpu.memory_space<hbm>>) target(%arg7 : memref<10496xi32, #tpu.memory_space<vmem>>) target_semaphore(%run_scoped3A : memref<!tpu.dma_semaphore, #tpu.memory_space<semaphore_mem>>)
      %dma_wait3A_63 = arith.constant 0 : i32
      %dma_wait3A_64 = tpu.memref_slice %arg3[%add3A, %dma_wait3A_63] : memref<32x10496xi32, #tpu.memory_space<hbm>> -> memref<1x10496xi32, #tpu.memory_space<hbm>>
      %dma_wait3A_65 = tpu.memref_squeeze %dma_wait3A_64 : memref<1x10496xi32, #tpu.memory_space<hbm>> -> memref<10496xi32, #tpu.memory_space<hbm>>
      %dma_wait3A_66 = arith.constant 0 : i32
      %dma_wait3A_67 = tpu.memref_slice %arg3[%add3A, %dma_wait3A_66] : memref<32x10496xi32, #tpu.memory_space<hbm>> -> memref<1x10496xi32, #tpu.memory_space<hbm>>
      %dma_wait3A_68 = tpu.memref_squeeze %dma_wait3A_67 : memref<1x10496xi32, #tpu.memory_space<hbm>> -> memref<10496xi32, #tpu.memory_space<hbm>>
      tpu.wait_dma2 semaphore(%run_scoped3A : memref<!tpu.dma_semaphore, #tpu.memory_space<semaphore_mem>>) src(%dma_wait3A_68 : memref<10496xi32, #tpu.memory_space<hbm>>) dst(%arg7 : memref<10496xi32, #tpu.memory_space<vmem>>)
      tpu.yield
    }) : () -> ()
    "tpu.region"() ({
      %run_scoped3A = tpu.sem_alloc : memref<!tpu.dma_semaphore, #tpu.memory_space<semaphore_mem>>
      %dma_start3A_57 = arith.constant 0 : i32
      %dma_start3A_58 = arith.constant 0 : i32
      %dma_start3A_59 = tpu.memref_slice %arg4[%add3A, %dma_start3A_57, %dma_start3A_58] : memref<32x80x128xi32, #tpu.memory_space<hbm>> -> memref<1x80x128xi32, #tpu.memory_space<hbm>>
      %dma_start3A_60 = tpu.memref_squeeze %dma_start3A_59 : memref<1x80x128xi32, #tpu.memory_space<hbm>> -> memref<80x128xi32, #tpu.memory_space<hbm>>
      %dma_start3A_61 = arith.constant 0 : i32
      %dma_start3A_62 = arith.constant 0 : i32
      %dma_start3A_63 = tpu.memref_slice %arg4[%add3A, %dma_start3A_61, %dma_start3A_62] : memref<32x80x128xi32, #tpu.memory_space<hbm>> -> memref<1x80x128xi32, #tpu.memory_space<hbm>>
      %dma_start3A_64 = tpu.memref_squeeze %dma_start3A_63 : memref<1x80x128xi32, #tpu.memory_space<hbm>> -> memref<80x128xi32, #tpu.memory_space<hbm>>
      tpu.enqueue_dma source(%dma_start3A_64 : memref<80x128xi32, #tpu.memory_space<hbm>>) target(%arg8 : memref<80x128xi32, #tpu.memory_space<vmem>>) target_semaphore(%run_scoped3A : memref<!tpu.dma_semaphore, #tpu.memory_space<semaphore_mem>>)
      %dma_wait3A_65 = arith.constant 0 : i32
      %dma_wait3A_66 = arith.constant 0 : i32
      %dma_wait3A_67 = tpu.memref_slice %arg4[%add3A, %dma_wait3A_65, %dma_wait3A_66] : memref<32x80x128xi32, #tpu.memory_space<hbm>> -> memref<1x80x128xi32, #tpu.memory_space<hbm>>
      %dma_wait3A_68 = tpu.memref_squeeze %dma_wait3A_67 : memref<1x80x128xi32, #tpu.memory_space<hbm>> -> memref<80x128xi32, #tpu.memory_space<hbm>>
      %dma_wait3A_69 = arith.constant 0 : i32
      %dma_wait3A_70 = arith.constant 0 : i32
      %dma_wait3A_71 = tpu.memref_slice %arg4[%add3A, %dma_wait3A_69, %dma_wait3A_70] : memref<32x80x128xi32, #tpu.memory_space<hbm>> -> memref<1x80x128xi32, #tpu.memory_space<hbm>>
      %dma_wait3A_72 = tpu.memref_squeeze %dma_wait3A_71 : memref<1x80x128xi32, #tpu.memory_space<hbm>> -> memref<80x128xi32, #tpu.memory_space<hbm>>
      tpu.wait_dma2 semaphore(%run_scoped3A : memref<!tpu.dma_semaphore, #tpu.memory_space<semaphore_mem>>) src(%dma_wait3A_72 : memref<80x128xi32, #tpu.memory_space<hbm>>) dst(%arg8 : memref<80x128xi32, #tpu.memory_space<vmem>>)
      tpu.yield
    }) : () -> ()
    %barrier3A = arith.constant 0 : index
    tpu.barrier barrier_id(%barrier3A)
    %dma_start3A = arith.constant 0 : i32
    %dma_start3A_7 = arith.constant 0 : i32
    %dma_start3A_8 = arith.constant 0 : i32
    %dma_start3A_9 = tpu.memref_slice %arg9[%dma_start3A, %dma_start3A_7, %dma_start3A_8] : memref<2x128x8xf32, #tpu.memory_space<vmem>> -> memref<1x128x8xf32, #tpu.memory_space<vmem>>
    %dma_start3A_10 = tpu.memref_squeeze %dma_start3A_9 : memref<1x128x8xf32, #tpu.memory_space<vmem>> -> memref<128x8xf32, #tpu.memory_space<vmem>>
    %dma_start3A_11 = arith.constant 0 : i32
    %dma_start3A_12 = tpu.memref_slice %arg7[%dma_start3A_11] : memref<10496xi32, #tpu.memory_space<vmem>> -> memref<128xi32, #tpu.memory_space<vmem>>
    %dma_start3A_13 = arith.constant 0 : i32
    %dma_start3A_14 = arith.constant 0 : i32
    %dma_start3A_15 = tpu.memref_slice %arg10[%dma_start3A_13, %dma_start3A_14] : memref<10240x8xf32, #tpu.memory_space<vmem_shared>> -> memref<10240x8xf32, #tpu.memory_space<vmem_shared>>
    tpu.enqueue_indirect_dma source(%dma_start3A_15 : memref<10240x8xf32, #tpu.memory_space<vmem_shared>>) target(%dma_start3A_10 : memref<128x8xf32, #tpu.memory_space<vmem>>) offsets(%dma_start3A_12 : memref<128xi32, #tpu.memory_space<vmem>>) semaphore(%arg12 : memref<!tpu.dma_semaphore, #tpu.memory_space<semaphore_mem>>)
    %dma_start3A_16 = arith.constant 1 : i32
    %dma_start3A_17 = arith.constant 0 : i32
    %dma_start3A_18 = arith.constant 0 : i32
    %dma_start3A_19 = tpu.memref_slice %arg9[%dma_start3A_16, %dma_start3A_17, %dma_start3A_18] : memref<2x128x8xf32, #tpu.memory_space<vmem>> -> memref<1x128x8xf32, #tpu.memory_space<vmem>>
    %dma_start3A_20 = tpu.memref_squeeze %dma_start3A_19 : memref<1x128x8xf32, #tpu.memory_space<vmem>> -> memref<128x8xf32, #tpu.memory_space<vmem>>
    %dma_start3A_21 = arith.constant 128 : i32
    %dma_start3A_22 = tpu.memref_slice %arg7[%dma_start3A_21] : memref<10496xi32, #tpu.memory_space<vmem>> -> memref<128xi32, #tpu.memory_space<vmem>>
    %dma_start3A_23 = arith.constant 0 : i32
    %dma_start3A_24 = arith.constant 0 : i32
    %dma_start3A_25 = tpu.memref_slice %arg10[%dma_start3A_23, %dma_start3A_24] : memref<10240x8xf32, #tpu.memory_space<vmem_shared>> -> memref<10240x8xf32, #tpu.memory_space<vmem_shared>>
    tpu.enqueue_indirect_dma source(%dma_start3A_25 : memref<10240x8xf32, #tpu.memory_space<vmem_shared>>) target(%dma_start3A_20 : memref<128x8xf32, #tpu.memory_space<vmem>>) offsets(%dma_start3A_22 : memref<128xi32, #tpu.memory_space<vmem>>) semaphore(%arg13 : memref<!tpu.dma_semaphore, #tpu.memory_space<semaphore_mem>>)
    %scan3A = arith.constant 0 : i32
    %scan3A_26 = arith.constant 0 : i32
    %scan3A_27 = arith.constant 1 : i32
    %scan3A_28 = arith.constant 0 : i32
    %scan3A_29 = arith.constant 40 : i32
    %scan3A_30 = arith.addi %scan3A_28, %scan3A_29 : i32
    %scan3A_31 = arith.constant 1 : i32
    scf.for %scan3A_57 = %scan3A_28 to %scan3A_30 step %scan3A_31  : i32 {
      %mul3A_58 = arith.constant 2 : i32
      %mul3A_59 = arith.muli %scan3A_57, %mul3A_58 : i32
      %add3A_60 = arith.constant 2 : i32
      %add3A_61 = arith.addi %mul3A_59, %add3A_60 : i32
      %mul3A_62 = arith.constant 128 : i32
      %mul3A_63 = arith.muli %add3A_61, %mul3A_62 : i32
      %multiple_of3A = tpu.assume_multiple %mul3A_63, 128 : i32
      %add3A_64 = arith.constant 3 : i32
      %add3A_65 = arith.addi %mul3A_59, %add3A_64 : i32
      %mul3A_66 = arith.constant 128 : i32
      %mul3A_67 = arith.muli %add3A_65, %mul3A_66 : i32
      %multiple_of3A_68 = tpu.assume_multiple %mul3A_67, 128 : i32
      %dma_wait3A_69 = arith.constant 0 : i32
      %dma_wait3A_70 = arith.constant 0 : i32
      %dma_wait3A_71 = tpu.memref_slice %arg9[%scan3A_26, %dma_wait3A_69, %dma_wait3A_70] : memref<2x128x8xf32, #tpu.memory_space<vmem>> -> memref<1x128x8xf32, #tpu.memory_space<vmem>>
      %dma_wait3A_72 = tpu.memref_squeeze %dma_wait3A_71 : memref<1x128x8xf32, #tpu.memory_space<vmem>> -> memref<128x8xf32, #tpu.memory_space<vmem>>
      %dma_wait3A_73 = arith.constant 0 : i32
      %dma_wait3A_74 = tpu.memref_slice %arg7[%dma_wait3A_73] : memref<10496xi32, #tpu.memory_space<vmem>> -> memref<128xi32, #tpu.memory_space<vmem>>
      %dma_wait3A_75 = arith.constant 0 : i32
      %dma_wait3A_76 = arith.constant 0 : i32
      %dma_wait3A_77 = tpu.memref_slice %arg10[%dma_wait3A_75, %dma_wait3A_76] : memref<10240x8xf32, #tpu.memory_space<vmem_shared>> -> memref<10240x8xf32, #tpu.memory_space<vmem_shared>>
      tpu.wait_indirect_dma semaphore(%arg12 : memref<!tpu.dma_semaphore, #tpu.memory_space<semaphore_mem>>) src(%dma_wait3A_77 : memref<10240x8xf32, #tpu.memory_space<vmem_shared>>) dst(%dma_wait3A_72 : memref<128x8xf32, #tpu.memory_space<vmem>>)
      "tpu.region"() ({
        %run_scoped3A = tpu.sem_alloc : memref<!tpu.dma_semaphore, #tpu.memory_space<semaphore_mem>>
        %dma_start3A_105 = arith.constant 0 : i32
        %dma_start3A_106 = arith.constant 0 : i32
        %dma_start3A_107 = tpu.memref_slice %arg9[%scan3A_26, %dma_start3A_105, %dma_start3A_106] : memref<2x128x8xf32, #tpu.memory_space<vmem>> -> memref<1x128x8xf32, #tpu.memory_space<vmem>>
        %dma_start3A_108 = tpu.memref_squeeze %dma_start3A_107 : memref<1x128x8xf32, #tpu.memory_space<vmem>> -> memref<128x8xf32, #tpu.memory_space<vmem>>
        %dma_start3A_109 = arith.constant 0 : i32
        %dma_start3A_110 = tpu.memref_slice %arg8[%mul3A_59, %dma_start3A_109] : memref<80x128xi32, #tpu.memory_space<vmem>> -> memref<1x128xi32, #tpu.memory_space<vmem>>
        %dma_start3A_111 = tpu.memref_squeeze %dma_start3A_110 : memref<1x128xi32, #tpu.memory_space<vmem>> -> memref<128xi32, #tpu.memory_space<vmem>>
        %dma_start3A_112 = arith.constant 0 : i32
        %dma_start3A_113 = arith.constant 0 : i32
        %dma_start3A_114 = tpu.memref_slice %arg11[%dma_start3A_112, %dma_start3A_113] : memref<10240x8xf32, #tpu.memory_space<vmem_shared>> -> memref<10240x8xf32, #tpu.memory_space<vmem_shared>>
        tpu.enqueue_indirect_dma source(%dma_start3A_108 : memref<128x8xf32, #tpu.memory_space<vmem>>) target(%dma_start3A_114 : memref<10240x8xf32, #tpu.memory_space<vmem_shared>>) offsets(%dma_start3A_111 : memref<128xi32, #tpu.memory_space<vmem>>) semaphore(%run_scoped3A : memref<!tpu.dma_semaphore, #tpu.memory_space<semaphore_mem>>) {add = true}
        %dma_wait3A_115 = arith.constant 0 : i32
        %dma_wait3A_116 = arith.constant 0 : i32
        %dma_wait3A_117 = tpu.memref_slice %arg9[%scan3A_26, %dma_wait3A_115, %dma_wait3A_116] : memref<2x128x8xf32, #tpu.memory_space<vmem>> -> memref<1x128x8xf32, #tpu.memory_space<vmem>>
        %dma_wait3A_118 = tpu.memref_squeeze %dma_wait3A_117 : memref<1x128x8xf32, #tpu.memory_space<vmem>> -> memref<128x8xf32, #tpu.memory_space<vmem>>
        %dma_wait3A_119 = arith.constant 0 : i32
        %dma_wait3A_120 = tpu.memref_slice %arg8[%mul3A_59, %dma_wait3A_119] : memref<80x128xi32, #tpu.memory_space<vmem>> -> memref<1x128xi32, #tpu.memory_space<vmem>>
        %dma_wait3A_121 = tpu.memref_squeeze %dma_wait3A_120 : memref<1x128xi32, #tpu.memory_space<vmem>> -> memref<128xi32, #tpu.memory_space<vmem>>
        %dma_wait3A_122 = arith.constant 0 : i32
        %dma_wait3A_123 = arith.constant 0 : i32
        %dma_wait3A_124 = tpu.memref_slice %arg11[%dma_wait3A_122, %dma_wait3A_123] : memref<10240x8xf32, #tpu.memory_space<vmem_shared>> -> memref<10240x8xf32, #tpu.memory_space<vmem_shared>>
        tpu.wait_indirect_dma semaphore(%run_scoped3A : memref<!tpu.dma_semaphore, #tpu.memory_space<semaphore_mem>>) src(%dma_wait3A_118 : memref<128x8xf32, #tpu.memory_space<vmem>>) dst(%dma_wait3A_124 : memref<10240x8xf32, #tpu.memory_space<vmem_shared>>)
        tpu.yield
      }) : () -> ()
      %dma_start3A_78 = arith.constant 0 : i32
      %dma_start3A_79 = arith.constant 0 : i32
      %dma_start3A_80 = tpu.memref_slice %arg9[%scan3A_26, %dma_start3A_78, %dma_start3A_79] : memref<2x128x8xf32, #tpu.memory_space<vmem>> -> memref<1x128x8xf32, #tpu.memory_space<vmem>>
      %dma_start3A_81 = tpu.memref_squeeze %dma_start3A_80 : memref<1x128x8xf32, #tpu.memory_space<vmem>> -> memref<128x8xf32, #tpu.memory_space<vmem>>
      %dma_start3A_82 = tpu.memref_slice %arg7[%multiple_of3A] : memref<10496xi32, #tpu.memory_space<vmem>> -> memref<128xi32, #tpu.memory_space<vmem>>
      %dma_start3A_83 = arith.constant 0 : i32
      %dma_start3A_84 = arith.constant 0 : i32
      %dma_start3A_85 = tpu.memref_slice %arg10[%dma_start3A_83, %dma_start3A_84] : memref<10240x8xf32, #tpu.memory_space<vmem_shared>> -> memref<10240x8xf32, #tpu.memory_space<vmem_shared>>
      tpu.enqueue_indirect_dma source(%dma_start3A_85 : memref<10240x8xf32, #tpu.memory_space<vmem_shared>>) target(%dma_start3A_81 : memref<128x8xf32, #tpu.memory_space<vmem>>) offsets(%dma_start3A_82 : memref<128xi32, #tpu.memory_space<vmem>>) semaphore(%arg12 : memref<!tpu.dma_semaphore, #tpu.memory_space<semaphore_mem>>)
      %dma_wait3A_86 = arith.constant 0 : i32
      %dma_wait3A_87 = arith.constant 0 : i32
      %dma_wait3A_88 = tpu.memref_slice %arg9[%scan3A_27, %dma_wait3A_86, %dma_wait3A_87] : memref<2x128x8xf32, #tpu.memory_space<vmem>> -> memref<1x128x8xf32, #tpu.memory_space<vmem>>
      %dma_wait3A_89 = tpu.memref_squeeze %dma_wait3A_88 : memref<1x128x8xf32, #tpu.memory_space<vmem>> -> memref<128x8xf32, #tpu.memory_space<vmem>>
      %dma_wait3A_90 = arith.constant 0 : i32
      %dma_wait3A_91 = tpu.memref_slice %arg7[%dma_wait3A_90] : memref<10496xi32, #tpu.memory_space<vmem>> -> memref<128xi32, #tpu.memory_space<vmem>>
      %dma_wait3A_92 = arith.constant 0 : i32
      %dma_wait3A_93 = arith.constant 0 : i32
      %dma_wait3A_94 = tpu.memref_slice %arg10[%dma_wait3A_92, %dma_wait3A_93] : memref<10240x8xf32, #tpu.memory_space<vmem_shared>> -> memref<10240x8xf32, #tpu.memory_space<vmem_shared>>
      tpu.wait_indirect_dma semaphore(%arg13 : memref<!tpu.dma_semaphore, #tpu.memory_space<semaphore_mem>>) src(%dma_wait3A_94 : memref<10240x8xf32, #tpu.memory_space<vmem_shared>>) dst(%dma_wait3A_89 : memref<128x8xf32, #tpu.memory_space<vmem>>)
      %add3A_95 = arith.constant 1 : i32
      %add3A_96 = arith.addi %mul3A_59, %add3A_95 : i32
      "tpu.region"() ({
        %run_scoped3A = tpu.sem_alloc : memref<!tpu.dma_semaphore, #tpu.memory_space<semaphore_mem>>
        %dma_start3A_105 = arith.constant 0 : i32
        %dma_start3A_106 = arith.constant 0 : i32
        %dma_start3A_107 = tpu.memref_slice %arg9[%scan3A_27, %dma_start3A_105, %dma_start3A_106] : memref<2x128x8xf32, #tpu.memory_space<vmem>> -> memref<1x128x8xf32, #tpu.memory_space<vmem>>
        %dma_start3A_108 = tpu.memref_squeeze %dma_start3A_107 : memref<1x128x8xf32, #tpu.memory_space<vmem>> -> memref<128x8xf32, #tpu.memory_space<vmem>>
        %dma_start3A_109 = arith.constant 0 : i32
        %dma_start3A_110 = tpu.memref_slice %arg8[%add3A_96, %dma_start3A_109] : memref<80x128xi32, #tpu.memory_space<vmem>> -> memref<1x128xi32, #tpu.memory_space<vmem>>
        %dma_start3A_111 = tpu.memref_squeeze %dma_start3A_110 : memref<1x128xi32, #tpu.memory_space<vmem>> -> memref<128xi32, #tpu.memory_space<vmem>>
        %dma_start3A_112 = arith.constant 0 : i32
        %dma_start3A_113 = arith.constant 0 : i32
        %dma_start3A_114 = tpu.memref_slice %arg11[%dma_start3A_112, %dma_start3A_113] : memref<10240x8xf32, #tpu.memory_space<vmem_shared>> -> memref<10240x8xf32, #tpu.memory_space<vmem_shared>>
        tpu.enqueue_indirect_dma source(%dma_start3A_108 : memref<128x8xf32, #tpu.memory_space<vmem>>) target(%dma_start3A_114 : memref<10240x8xf32, #tpu.memory_space<vmem_shared>>) offsets(%dma_start3A_111 : memref<128xi32, #tpu.memory_space<vmem>>) semaphore(%run_scoped3A : memref<!tpu.dma_semaphore, #tpu.memory_space<semaphore_mem>>) {add = true}
        %dma_wait3A_115 = arith.constant 0 : i32
        %dma_wait3A_116 = arith.constant 0 : i32
        %dma_wait3A_117 = tpu.memref_slice %arg9[%scan3A_27, %dma_wait3A_115, %dma_wait3A_116] : memref<2x128x8xf32, #tpu.memory_space<vmem>> -> memref<1x128x8xf32, #tpu.memory_space<vmem>>
        %dma_wait3A_118 = tpu.memref_squeeze %dma_wait3A_117 : memref<1x128x8xf32, #tpu.memory_space<vmem>> -> memref<128x8xf32, #tpu.memory_space<vmem>>
        %dma_wait3A_119 = arith.constant 0 : i32
        %dma_wait3A_120 = tpu.memref_slice %arg8[%add3A_96, %dma_wait3A_119] : memref<80x128xi32, #tpu.memory_space<vmem>> -> memref<1x128xi32, #tpu.memory_space<vmem>>
        %dma_wait3A_121 = tpu.memref_squeeze %dma_wait3A_120 : memref<1x128xi32, #tpu.memory_space<vmem>> -> memref<128xi32, #tpu.memory_space<vmem>>
        %dma_wait3A_122 = arith.constant 0 : i32
        %dma_wait3A_123 = arith.constant 0 : i32
        %dma_wait3A_124 = tpu.memref_slice %arg11[%dma_wait3A_122, %dma_wait3A_123] : memref<10240x8xf32, #tpu.memory_space<vmem_shared>> -> memref<10240x8xf32, #tpu.memory_space<vmem_shared>>
        tpu.wait_indirect_dma semaphore(%run_scoped3A : memref<!tpu.dma_semaphore, #tpu.memory_space<semaphore_mem>>) src(%dma_wait3A_118 : memref<128x8xf32, #tpu.memory_space<vmem>>) dst(%dma_wait3A_124 : memref<10240x8xf32, #tpu.memory_space<vmem_shared>>)
        tpu.yield
      }) : () -> ()
      %dma_start3A_97 = arith.constant 0 : i32
      %dma_start3A_98 = arith.constant 0 : i32
      %dma_start3A_99 = tpu.memref_slice %arg9[%scan3A_27, %dma_start3A_97, %dma_start3A_98] : memref<2x128x8xf32, #tpu.memory_space<vmem>> -> memref<1x128x8xf32, #tpu.memory_space<vmem>>
      %dma_start3A_100 = tpu.memref_squeeze %dma_start3A_99 : memref<1x128x8xf32, #tpu.memory_space<vmem>> -> memref<128x8xf32, #tpu.memory_space<vmem>>
      %dma_start3A_101 = tpu.memref_slice %arg7[%multiple_of3A_68] : memref<10496xi32, #tpu.memory_space<vmem>> -> memref<128xi32, #tpu.memory_space<vmem>>
      %dma_start3A_102 = arith.constant 0 : i32
      %dma_start3A_103 = arith.constant 0 : i32
      %dma_start3A_104 = tpu.memref_slice %arg10[%dma_start3A_102, %dma_start3A_103] : memref<10240x8xf32, #tpu.memory_space<vmem_shared>> -> memref<10240x8xf32, #tpu.memory_space<vmem_shared>>
      tpu.enqueue_indirect_dma source(%dma_start3A_104 : memref<10240x8xf32, #tpu.memory_space<vmem_shared>>) target(%dma_start3A_100 : memref<128x8xf32, #tpu.memory_space<vmem>>) offsets(%dma_start3A_101 : memref<128xi32, #tpu.memory_space<vmem>>) semaphore(%arg13 : memref<!tpu.dma_semaphore, #tpu.memory_space<semaphore_mem>>)
    }
    %scan3A_32 = arith.constant 40 : i32
    %dma_wait3A = arith.constant 0 : i32
    %dma_wait3A_33 = arith.constant 0 : i32
    %dma_wait3A_34 = arith.constant 0 : i32
    %dma_wait3A_35 = tpu.memref_slice %arg9[%dma_wait3A, %dma_wait3A_33, %dma_wait3A_34] : memref<2x128x8xf32, #tpu.memory_space<vmem>> -> memref<1x128x8xf32, #tpu.memory_space<vmem>>
    %dma_wait3A_36 = tpu.memref_squeeze %dma_wait3A_35 : memref<1x128x8xf32, #tpu.memory_space<vmem>> -> memref<128x8xf32, #tpu.memory_space<vmem>>
    %dma_wait3A_37 = arith.constant 0 : i32
    %dma_wait3A_38 = tpu.memref_slice %arg7[%dma_wait3A_37] : memref<10496xi32, #tpu.memory_space<vmem>> -> memref<128xi32, #tpu.memory_space<vmem>>
    %dma_wait3A_39 = arith.constant 0 : i32
    %dma_wait3A_40 = arith.constant 0 : i32
    %dma_wait3A_41 = tpu.memref_slice %arg10[%dma_wait3A_39, %dma_wait3A_40] : memref<10240x8xf32, #tpu.memory_space<vmem_shared>> -> memref<10240x8xf32, #tpu.memory_space<vmem_shared>>
    tpu.wait_indirect_dma semaphore(%arg12 : memref<!tpu.dma_semaphore, #tpu.memory_space<semaphore_mem>>) src(%dma_wait3A_41 : memref<10240x8xf32, #tpu.memory_space<vmem_shared>>) dst(%dma_wait3A_36 : memref<128x8xf32, #tpu.memory_space<vmem>>)
    %dma_wait3A_42 = arith.constant 1 : i32
    %dma_wait3A_43 = arith.constant 0 : i32
    %dma_wait3A_44 = arith.constant 0 : i32
    %dma_wait3A_45 = tpu.memref_slice %arg9[%dma_wait3A_42, %dma_wait3A_43, %dma_wait3A_44] : memref<2x128x8xf32, #tpu.memory_space<vmem>> -> memref<1x128x8xf32, #tpu.memory_space<vmem>>
    %dma_wait3A_46 = tpu.memref_squeeze %dma_wait3A_45 : memref<1x128x8xf32, #tpu.memory_space<vmem>> -> memref<128x8xf32, #tpu.memory_space<vmem>>
    %dma_wait3A_47 = arith.constant 0 : i32
    %dma_wait3A_48 = tpu.memref_slice %arg7[%dma_wait3A_47] : memref<10496xi32, #tpu.memory_space<vmem>> -> memref<128xi32, #tpu.memory_space<vmem>>
    %dma_wait3A_49 = arith.constant 0 : i32
    %dma_wait3A_50 = arith.constant 0 : i32
    %dma_wait3A_51 = tpu.memref_slice %arg10[%dma_wait3A_49, %dma_wait3A_50] : memref<10240x8xf32, #tpu.memory_space<vmem_shared>> -> memref<10240x8xf32, #tpu.memory_space<vmem_shared>>
    tpu.wait_indirect_dma semaphore(%arg13 : memref<!tpu.dma_semaphore, #tpu.memory_space<semaphore_mem>>) src(%dma_wait3A_51 : memref<10240x8xf32, #tpu.memory_space<vmem_shared>>) dst(%dma_wait3A_46 : memref<128x8xf32, #tpu.memory_space<vmem>>)
    %barrier3A_52 = arith.constant 0 : index
    tpu.barrier barrier_id(%barrier3A_52)
    %mul3A_53 = arith.constant 640 : i32
    %mul3A_54 = arith.muli %arg1, %mul3A_53 : i32
    %mul3A_55 = arith.constant 640 : i32
    %mul3A_56 = arith.muli %arg1, %mul3A_55 : i32
    "tpu.region"() ({
      %run_scoped3A = tpu.sem_alloc : memref<!tpu.dma_semaphore, #tpu.memory_space<semaphore_mem>>
      %dma_start3A_57 = arith.constant 0 : i32
      %dma_start3A_58 = tpu.memref_slice %arg6[%arg0, %mul3A_56, %dma_start3A_57] : memref<2x10240x8xf32, #tpu.memory_space<hbm>> -> memref<1x640x8xf32, #tpu.memory_space<hbm>>
      %dma_start3A_59 = tpu.memref_squeeze %dma_start3A_58 : memref<1x640x8xf32, #tpu.memory_space<hbm>> -> memref<640x8xf32, #tpu.memory_space<hbm>>
      %dma_start3A_60 = arith.constant 0 : i32
      %dma_start3A_61 = tpu.memref_slice %arg11[%mul3A_54, %dma_start3A_60] : memref<10240x8xf32, #tpu.memory_space<vmem_shared>> -> memref<640x8xf32, #tpu.memory_space<vmem_shared>>
      tpu.enqueue_dma source(%dma_start3A_61 : memref<640x8xf32, #tpu.memory_space<vmem_shared>>) target(%dma_start3A_59 : memref<640x8xf32, #tpu.memory_space<hbm>>) target_semaphore(%run_scoped3A : memref<!tpu.dma_semaphore, #tpu.memory_space<semaphore_mem>>)
      %dma_wait3A_62 = arith.constant 0 : i32
      %dma_wait3A_63 = tpu.memref_slice %arg6[%arg0, %mul3A_56, %dma_wait3A_62] : memref<2x10240x8xf32, #tpu.memory_space<hbm>> -> memref<1x640x8xf32, #tpu.memory_space<hbm>>
      %dma_wait3A_64 = tpu.memref_squeeze %dma_wait3A_63 : memref<1x640x8xf32, #tpu.memory_space<hbm>> -> memref<640x8xf32, #tpu.memory_space<hbm>>
      %dma_wait3A_65 = arith.constant 0 : i32
      %dma_wait3A_66 = tpu.memref_slice %arg11[%mul3A_54, %dma_wait3A_65] : memref<10240x8xf32, #tpu.memory_space<vmem_shared>> -> memref<640x8xf32, #tpu.memory_space<vmem_shared>>
      tpu.wait_dma2 semaphore(%run_scoped3A : memref<!tpu.dma_semaphore, #tpu.memory_space<semaphore_mem>>) src(%dma_wait3A_66 : memref<640x8xf32, #tpu.memory_space<vmem_shared>>) dst(%dma_wait3A_64 : memref<640x8xf32, #tpu.memory_space<hbm>>)
      tpu.yield
    }) : () -> ()
    return
  }
}

#map = affine_map<(d0, d1) -> (0, 0)>
#map1 = affine_map<(d0, d1) -> (0, 0, 0)>
module attributes {stable_mosaic.version = 14 : i64} {
  func.func @body(%arg0: i32, %arg1: i32, %arg2: memref<10240x16xf32, #tpu.memory_space<hbm>>, %arg3: memref<32x10496xi32, #tpu.memory_space<hbm>>, %arg4: memref<32x80x128xi32, #tpu.memory_space<hbm>>, %arg5: memref<640x16xf32, #tpu.memory_space<hbm>>, %arg6: memref<2x10240x16xf32, #tpu.memory_space<hbm>>, %arg7: memref<10496xi32, #tpu.memory_space<vmem>>, %arg8: memref<80x128xi32, #tpu.memory_space<vmem>>, %arg9: memref<2x128x16xf32, #tpu.memory_space<vmem>>, %arg10: memref<10240x16xf32, #tpu.memory_space<vmem_shared>>, %arg11: memref<10240x16xf32, #tpu.memory_space<vmem_shared>>, %arg12: memref<!tpu.dma_semaphore, #tpu.memory_space<semaphore_mem>>, %arg13: memref<!tpu.dma_semaphore, #tpu.memory_space<semaphore_mem>>) attributes {dimension_semantics = [#tpu.dimension_semantics<core_parallel>, #tpu.dimension_semantics<subcore_parallel>], iteration_bounds = array<i64: 2, 16>, scalar_prefetch = 0 : i64, scratch_operands = 7 : i64, tpu.core_type = #tpu.core_type<sc_vector_subcore>, window_params = [{transform_indices = #map}, {transform_indices = #map}, {transform_indices = #map1}, {transform_indices = #map}, {transform_indices = #map1}]} {
    %mul3A = arith.constant 16 : i32
    %mul3A_0 = arith.muli %arg0, %mul3A : i32
    %add3A = arith.addi %mul3A_0, %arg1 : i32
    %mul3A_1 = arith.constant 640 : i32
    %mul3A_2 = arith.muli %arg1, %mul3A_1 : i32
    "tpu.region"() ({
      %run_scoped3A = tpu.sem_alloc : memref<!tpu.dma_semaphore, #tpu.memory_space<semaphore_mem>>
      %dma_start3A_57 = arith.constant 0 : i32
      %dma_start3A_58 = tpu.memref_slice %arg11[%mul3A_2, %dma_start3A_57] : memref<10240x16xf32, #tpu.memory_space<vmem_shared>> -> memref<640x16xf32, #tpu.memory_space<vmem_shared>>
      tpu.enqueue_dma source(%arg5 : memref<640x16xf32, #tpu.memory_space<hbm>>) target(%dma_start3A_58 : memref<640x16xf32, #tpu.memory_space<vmem_shared>>) target_semaphore(%run_scoped3A : memref<!tpu.dma_semaphore, #tpu.memory_space<semaphore_mem>>)
      %dma_wait3A_59 = arith.constant 0 : i32
      %dma_wait3A_60 = tpu.memref_slice %arg11[%mul3A_2, %dma_wait3A_59] : memref<10240x16xf32, #tpu.memory_space<vmem_shared>> -> memref<640x16xf32, #tpu.memory_space<vmem_shared>>
      tpu.wait_dma2 semaphore(%run_scoped3A : memref<!tpu.dma_semaphore, #tpu.memory_space<semaphore_mem>>) src(%arg5 : memref<640x16xf32, #tpu.memory_space<hbm>>) dst(%dma_wait3A_60 : memref<640x16xf32, #tpu.memory_space<vmem_shared>>)
      tpu.yield
    }) : () -> ()
    %mul3A_3 = arith.constant 640 : i32
    %mul3A_4 = arith.muli %arg1, %mul3A_3 : i32
    %mul3A_5 = arith.constant 640 : i32
    %mul3A_6 = arith.muli %arg1, %mul3A_5 : i32
    "tpu.region"() ({
      %run_scoped3A = tpu.sem_alloc : memref<!tpu.dma_semaphore, #tpu.memory_space<semaphore_mem>>
      %dma_start3A_57 = arith.constant 0 : i32
      %dma_start3A_58 = tpu.memref_slice %arg10[%mul3A_6, %dma_start3A_57] : memref<10240x16xf32, #tpu.memory_space<vmem_shared>> -> memref<640x16xf32, #tpu.memory_space<vmem_shared>>
      %dma_start3A_59 = arith.constant 0 : i32
      %dma_start3A_60 = tpu.memref_slice %arg2[%mul3A_4, %dma_start3A_59] : memref<10240x16xf32, #tpu.memory_space<hbm>> -> memref<640x16xf32, #tpu.memory_space<hbm>>
      tpu.enqueue_dma source(%dma_start3A_60 : memref<640x16xf32, #tpu.memory_space<hbm>>) target(%dma_start3A_58 : memref<640x16xf32, #tpu.memory_space<vmem_shared>>) target_semaphore(%run_scoped3A : memref<!tpu.dma_semaphore, #tpu.memory_space<semaphore_mem>>)
      %dma_wait3A_61 = arith.constant 0 : i32
      %dma_wait3A_62 = tpu.memref_slice %arg10[%mul3A_6, %dma_wait3A_61] : memref<10240x16xf32, #tpu.memory_space<vmem_shared>> -> memref<640x16xf32, #tpu.memory_space<vmem_shared>>
      %dma_wait3A_63 = arith.constant 0 : i32
      %dma_wait3A_64 = tpu.memref_slice %arg2[%mul3A_4, %dma_wait3A_63] : memref<10240x16xf32, #tpu.memory_space<hbm>> -> memref<640x16xf32, #tpu.memory_space<hbm>>
      tpu.wait_dma2 semaphore(%run_scoped3A : memref<!tpu.dma_semaphore, #tpu.memory_space<semaphore_mem>>) src(%dma_wait3A_64 : memref<640x16xf32, #tpu.memory_space<hbm>>) dst(%dma_wait3A_62 : memref<640x16xf32, #tpu.memory_space<vmem_shared>>)
      tpu.yield
    }) : () -> ()
    "tpu.region"() ({
      %run_scoped3A = tpu.sem_alloc : memref<!tpu.dma_semaphore, #tpu.memory_space<semaphore_mem>>
      %dma_start3A_57 = arith.constant 0 : i32
      %dma_start3A_58 = tpu.memref_slice %arg3[%add3A, %dma_start3A_57] : memref<32x10496xi32, #tpu.memory_space<hbm>> -> memref<1x10496xi32, #tpu.memory_space<hbm>>
      %dma_start3A_59 = tpu.memref_squeeze %dma_start3A_58 : memref<1x10496xi32, #tpu.memory_space<hbm>> -> memref<10496xi32, #tpu.memory_space<hbm>>
      %dma_start3A_60 = arith.constant 0 : i32
      %dma_start3A_61 = tpu.memref_slice %arg3[%add3A, %dma_start3A_60] : memref<32x10496xi32, #tpu.memory_space<hbm>> -> memref<1x10496xi32, #tpu.memory_space<hbm>>
      %dma_start3A_62 = tpu.memref_squeeze %dma_start3A_61 : memref<1x10496xi32, #tpu.memory_space<hbm>> -> memref<10496xi32, #tpu.memory_space<hbm>>
      tpu.enqueue_dma source(%dma_start3A_62 : memref<10496xi32, #tpu.memory_space<hbm>>) target(%arg7 : memref<10496xi32, #tpu.memory_space<vmem>>) target_semaphore(%run_scoped3A : memref<!tpu.dma_semaphore, #tpu.memory_space<semaphore_mem>>)
      %dma_wait3A_63 = arith.constant 0 : i32
      %dma_wait3A_64 = tpu.memref_slice %arg3[%add3A, %dma_wait3A_63] : memref<32x10496xi32, #tpu.memory_space<hbm>> -> memref<1x10496xi32, #tpu.memory_space<hbm>>
      %dma_wait3A_65 = tpu.memref_squeeze %dma_wait3A_64 : memref<1x10496xi32, #tpu.memory_space<hbm>> -> memref<10496xi32, #tpu.memory_space<hbm>>
      %dma_wait3A_66 = arith.constant 0 : i32
      %dma_wait3A_67 = tpu.memref_slice %arg3[%add3A, %dma_wait3A_66] : memref<32x10496xi32, #tpu.memory_space<hbm>> -> memref<1x10496xi32, #tpu.memory_space<hbm>>
      %dma_wait3A_68 = tpu.memref_squeeze %dma_wait3A_67 : memref<1x10496xi32, #tpu.memory_space<hbm>> -> memref<10496xi32, #tpu.memory_space<hbm>>
      tpu.wait_dma2 semaphore(%run_scoped3A : memref<!tpu.dma_semaphore, #tpu.memory_space<semaphore_mem>>) src(%dma_wait3A_68 : memref<10496xi32, #tpu.memory_space<hbm>>) dst(%arg7 : memref<10496xi32, #tpu.memory_space<vmem>>)
      tpu.yield
    }) : () -> ()
    "tpu.region"() ({
      %run_scoped3A = tpu.sem_alloc : memref<!tpu.dma_semaphore, #tpu.memory_space<semaphore_mem>>
      %dma_start3A_57 = arith.constant 0 : i32
      %dma_start3A_58 = arith.constant 0 : i32
      %dma_start3A_59 = tpu.memref_slice %arg4[%add3A, %dma_start3A_57, %dma_start3A_58] : memref<32x80x128xi32, #tpu.memory_space<hbm>> -> memref<1x80x128xi32, #tpu.memory_space<hbm>>
      %dma_start3A_60 = tpu.memref_squeeze %dma_start3A_59 : memref<1x80x128xi32, #tpu.memory_space<hbm>> -> memref<80x128xi32, #tpu.memory_space<hbm>>
      %dma_start3A_61 = arith.constant 0 : i32
      %dma_start3A_62 = arith.constant 0 : i32
      %dma_start3A_63 = tpu.memref_slice %arg4[%add3A, %dma_start3A_61, %dma_start3A_62] : memref<32x80x128xi32, #tpu.memory_space<hbm>> -> memref<1x80x128xi32, #tpu.memory_space<hbm>>
      %dma_start3A_64 = tpu.memref_squeeze %dma_start3A_63 : memref<1x80x128xi32, #tpu.memory_space<hbm>> -> memref<80x128xi32, #tpu.memory_space<hbm>>
      tpu.enqueue_dma source(%dma_start3A_64 : memref<80x128xi32, #tpu.memory_space<hbm>>) target(%arg8 : memref<80x128xi32, #tpu.memory_space<vmem>>) target_semaphore(%run_scoped3A : memref<!tpu.dma_semaphore, #tpu.memory_space<semaphore_mem>>)
      %dma_wait3A_65 = arith.constant 0 : i32
      %dma_wait3A_66 = arith.constant 0 : i32
      %dma_wait3A_67 = tpu.memref_slice %arg4[%add3A, %dma_wait3A_65, %dma_wait3A_66] : memref<32x80x128xi32, #tpu.memory_space<hbm>> -> memref<1x80x128xi32, #tpu.memory_space<hbm>>
      %dma_wait3A_68 = tpu.memref_squeeze %dma_wait3A_67 : memref<1x80x128xi32, #tpu.memory_space<hbm>> -> memref<80x128xi32, #tpu.memory_space<hbm>>
      %dma_wait3A_69 = arith.constant 0 : i32
      %dma_wait3A_70 = arith.constant 0 : i32
      %dma_wait3A_71 = tpu.memref_slice %arg4[%add3A, %dma_wait3A_69, %dma_wait3A_70] : memref<32x80x128xi32, #tpu.memory_space<hbm>> -> memref<1x80x128xi32, #tpu.memory_space<hbm>>
      %dma_wait3A_72 = tpu.memref_squeeze %dma_wait3A_71 : memref<1x80x128xi32, #tpu.memory_space<hbm>> -> memref<80x128xi32, #tpu.memory_space<hbm>>
      tpu.wait_dma2 semaphore(%run_scoped3A : memref<!tpu.dma_semaphore, #tpu.memory_space<semaphore_mem>>) src(%dma_wait3A_72 : memref<80x128xi32, #tpu.memory_space<hbm>>) dst(%arg8 : memref<80x128xi32, #tpu.memory_space<vmem>>)
      tpu.yield
    }) : () -> ()
    %barrier3A = arith.constant 0 : index
    tpu.barrier barrier_id(%barrier3A)
    %dma_start3A = arith.constant 0 : i32
    %dma_start3A_7 = arith.constant 0 : i32
    %dma_start3A_8 = arith.constant 0 : i32
    %dma_start3A_9 = tpu.memref_slice %arg9[%dma_start3A, %dma_start3A_7, %dma_start3A_8] : memref<2x128x16xf32, #tpu.memory_space<vmem>> -> memref<1x128x16xf32, #tpu.memory_space<vmem>>
    %dma_start3A_10 = tpu.memref_squeeze %dma_start3A_9 : memref<1x128x16xf32, #tpu.memory_space<vmem>> -> memref<128x16xf32, #tpu.memory_space<vmem>>
    %dma_start3A_11 = arith.constant 0 : i32
    %dma_start3A_12 = tpu.memref_slice %arg7[%dma_start3A_11] : memref<10496xi32, #tpu.memory_space<vmem>> -> memref<128xi32, #tpu.memory_space<vmem>>
    %dma_start3A_13 = arith.constant 0 : i32
    %dma_start3A_14 = arith.constant 0 : i32
    %dma_start3A_15 = tpu.memref_slice %arg10[%dma_start3A_13, %dma_start3A_14] : memref<10240x16xf32, #tpu.memory_space<vmem_shared>> -> memref<10240x16xf32, #tpu.memory_space<vmem_shared>>
    tpu.enqueue_indirect_dma source(%dma_start3A_15 : memref<10240x16xf32, #tpu.memory_space<vmem_shared>>) target(%dma_start3A_10 : memref<128x16xf32, #tpu.memory_space<vmem>>) offsets(%dma_start3A_12 : memref<128xi32, #tpu.memory_space<vmem>>) semaphore(%arg12 : memref<!tpu.dma_semaphore, #tpu.memory_space<semaphore_mem>>)
    %dma_start3A_16 = arith.constant 1 : i32
    %dma_start3A_17 = arith.constant 0 : i32
    %dma_start3A_18 = arith.constant 0 : i32
    %dma_start3A_19 = tpu.memref_slice %arg9[%dma_start3A_16, %dma_start3A_17, %dma_start3A_18] : memref<2x128x16xf32, #tpu.memory_space<vmem>> -> memref<1x128x16xf32, #tpu.memory_space<vmem>>
    %dma_start3A_20 = tpu.memref_squeeze %dma_start3A_19 : memref<1x128x16xf32, #tpu.memory_space<vmem>> -> memref<128x16xf32, #tpu.memory_space<vmem>>
    %dma_start3A_21 = arith.constant 128 : i32
    %dma_start3A_22 = tpu.memref_slice %arg7[%dma_start3A_21] : memref<10496xi32, #tpu.memory_space<vmem>> -> memref<128xi32, #tpu.memory_space<vmem>>
    %dma_start3A_23 = arith.constant 0 : i32
    %dma_start3A_24 = arith.constant 0 : i32
    %dma_start3A_25 = tpu.memref_slice %arg10[%dma_start3A_23, %dma_start3A_24] : memref<10240x16xf32, #tpu.memory_space<vmem_shared>> -> memref<10240x16xf32, #tpu.memory_space<vmem_shared>>
    tpu.enqueue_indirect_dma source(%dma_start3A_25 : memref<10240x16xf32, #tpu.memory_space<vmem_shared>>) target(%dma_start3A_20 : memref<128x16xf32, #tpu.memory_space<vmem>>) offsets(%dma_start3A_22 : memref<128xi32, #tpu.memory_space<vmem>>) semaphore(%arg13 : memref<!tpu.dma_semaphore, #tpu.memory_space<semaphore_mem>>)
    %scan3A = arith.constant 0 : i32
    %scan3A_26 = arith.constant 0 : i32
    %scan3A_27 = arith.constant 1 : i32
    %scan3A_28 = arith.constant 0 : i32
    %scan3A_29 = arith.constant 40 : i32
    %scan3A_30 = arith.addi %scan3A_28, %scan3A_29 : i32
    %scan3A_31 = arith.constant 1 : i32
    scf.for %scan3A_57 = %scan3A_28 to %scan3A_30 step %scan3A_31  : i32 {
      %mul3A_58 = arith.constant 2 : i32
      %mul3A_59 = arith.muli %scan3A_57, %mul3A_58 : i32
      %add3A_60 = arith.constant 2 : i32
      %add3A_61 = arith.addi %mul3A_59, %add3A_60 : i32
      %mul3A_62 = arith.constant 128 : i32
      %mul3A_63 = arith.muli %add3A_61, %mul3A_62 : i32
      %multiple_of3A = tpu.assume_multiple %mul3A_63, 128 : i32
      %add3A_64 = arith.constant 3 : i32
      %add3A_65 = arith.addi %mul3A_59, %add3A_64 : i32
      %mul3A_66 = arith.constant 128 : i32
      %mul3A_67 = arith.muli %add3A_65, %mul3A_66 : i32
      %multiple_of3A_68 = tpu.assume_multiple %mul3A_67, 128 : i32
      %dma_wait3A_69 = arith.constant 0 : i32
      %dma_wait3A_70 = arith.constant 0 : i32
      %dma_wait3A_71 = tpu.memref_slice %arg9[%scan3A_26, %dma_wait3A_69, %dma_wait3A_70] : memref<2x128x16xf32, #tpu.memory_space<vmem>> -> memref<1x128x16xf32, #tpu.memory_space<vmem>>
      %dma_wait3A_72 = tpu.memref_squeeze %dma_wait3A_71 : memref<1x128x16xf32, #tpu.memory_space<vmem>> -> memref<128x16xf32, #tpu.memory_space<vmem>>
      %dma_wait3A_73 = arith.constant 0 : i32
      %dma_wait3A_74 = tpu.memref_slice %arg7[%dma_wait3A_73] : memref<10496xi32, #tpu.memory_space<vmem>> -> memref<128xi32, #tpu.memory_space<vmem>>
      %dma_wait3A_75 = arith.constant 0 : i32
      %dma_wait3A_76 = arith.constant 0 : i32
      %dma_wait3A_77 = tpu.memref_slice %arg10[%dma_wait3A_75, %dma_wait3A_76] : memref<10240x16xf32, #tpu.memory_space<vmem_shared>> -> memref<10240x16xf32, #tpu.memory_space<vmem_shared>>
      tpu.wait_indirect_dma semaphore(%arg12 : memref<!tpu.dma_semaphore, #tpu.memory_space<semaphore_mem>>) src(%dma_wait3A_77 : memref<10240x16xf32, #tpu.memory_space<vmem_shared>>) dst(%dma_wait3A_72 : memref<128x16xf32, #tpu.memory_space<vmem>>)
      "tpu.region"() ({
        %run_scoped3A = tpu.sem_alloc : memref<!tpu.dma_semaphore, #tpu.memory_space<semaphore_mem>>
        %dma_start3A_105 = arith.constant 0 : i32
        %dma_start3A_106 = arith.constant 0 : i32
        %dma_start3A_107 = tpu.memref_slice %arg9[%scan3A_26, %dma_start3A_105, %dma_start3A_106] : memref<2x128x16xf32, #tpu.memory_space<vmem>> -> memref<1x128x16xf32, #tpu.memory_space<vmem>>
        %dma_start3A_108 = tpu.memref_squeeze %dma_start3A_107 : memref<1x128x16xf32, #tpu.memory_space<vmem>> -> memref<128x16xf32, #tpu.memory_space<vmem>>
        %dma_start3A_109 = arith.constant 0 : i32
        %dma_start3A_110 = tpu.memref_slice %arg8[%mul3A_59, %dma_start3A_109] : memref<80x128xi32, #tpu.memory_space<vmem>> -> memref<1x128xi32, #tpu.memory_space<vmem>>
        %dma_start3A_111 = tpu.memref_squeeze %dma_start3A_110 : memref<1x128xi32, #tpu.memory_space<vmem>> -> memref<128xi32, #tpu.memory_space<vmem>>
        %dma_start3A_112 = arith.constant 0 : i32
        %dma_start3A_113 = arith.constant 0 : i32
        %dma_start3A_114 = tpu.memref_slice %arg11[%dma_start3A_112, %dma_start3A_113] : memref<10240x16xf32, #tpu.memory_space<vmem_shared>> -> memref<10240x16xf32, #tpu.memory_space<vmem_shared>>
        tpu.enqueue_indirect_dma source(%dma_start3A_108 : memref<128x16xf32, #tpu.memory_space<vmem>>) target(%dma_start3A_114 : memref<10240x16xf32, #tpu.memory_space<vmem_shared>>) offsets(%dma_start3A_111 : memref<128xi32, #tpu.memory_space<vmem>>) semaphore(%run_scoped3A : memref<!tpu.dma_semaphore, #tpu.memory_space<semaphore_mem>>) {add = true}
        %dma_wait3A_115 = arith.constant 0 : i32
        %dma_wait3A_116 = arith.constant 0 : i32
        %dma_wait3A_117 = tpu.memref_slice %arg9[%scan3A_26, %dma_wait3A_115, %dma_wait3A_116] : memref<2x128x16xf32, #tpu.memory_space<vmem>> -> memref<1x128x16xf32, #tpu.memory_space<vmem>>
        %dma_wait3A_118 = tpu.memref_squeeze %dma_wait3A_117 : memref<1x128x16xf32, #tpu.memory_space<vmem>> -> memref<128x16xf32, #tpu.memory_space<vmem>>
        %dma_wait3A_119 = arith.constant 0 : i32
        %dma_wait3A_120 = tpu.memref_slice %arg8[%mul3A_59, %dma_wait3A_119] : memref<80x128xi32, #tpu.memory_space<vmem>> -> memref<1x128xi32, #tpu.memory_space<vmem>>
        %dma_wait3A_121 = tpu.memref_squeeze %dma_wait3A_120 : memref<1x128xi32, #tpu.memory_space<vmem>> -> memref<128xi32, #tpu.memory_space<vmem>>
        %dma_wait3A_122 = arith.constant 0 : i32
        %dma_wait3A_123 = arith.constant 0 : i32
        %dma_wait3A_124 = tpu.memref_slice %arg11[%dma_wait3A_122, %dma_wait3A_123] : memref<10240x16xf32, #tpu.memory_space<vmem_shared>> -> memref<10240x16xf32, #tpu.memory_space<vmem_shared>>
        tpu.wait_indirect_dma semaphore(%run_scoped3A : memref<!tpu.dma_semaphore, #tpu.memory_space<semaphore_mem>>) src(%dma_wait3A_118 : memref<128x16xf32, #tpu.memory_space<vmem>>) dst(%dma_wait3A_124 : memref<10240x16xf32, #tpu.memory_space<vmem_shared>>)
        tpu.yield
      }) : () -> ()
      %dma_start3A_78 = arith.constant 0 : i32
      %dma_start3A_79 = arith.constant 0 : i32
      %dma_start3A_80 = tpu.memref_slice %arg9[%scan3A_26, %dma_start3A_78, %dma_start3A_79] : memref<2x128x16xf32, #tpu.memory_space<vmem>> -> memref<1x128x16xf32, #tpu.memory_space<vmem>>
      %dma_start3A_81 = tpu.memref_squeeze %dma_start3A_80 : memref<1x128x16xf32, #tpu.memory_space<vmem>> -> memref<128x16xf32, #tpu.memory_space<vmem>>
      %dma_start3A_82 = tpu.memref_slice %arg7[%multiple_of3A] : memref<10496xi32, #tpu.memory_space<vmem>> -> memref<128xi32, #tpu.memory_space<vmem>>
      %dma_start3A_83 = arith.constant 0 : i32
      %dma_start3A_84 = arith.constant 0 : i32
      %dma_start3A_85 = tpu.memref_slice %arg10[%dma_start3A_83, %dma_start3A_84] : memref<10240x16xf32, #tpu.memory_space<vmem_shared>> -> memref<10240x16xf32, #tpu.memory_space<vmem_shared>>
      tpu.enqueue_indirect_dma source(%dma_start3A_85 : memref<10240x16xf32, #tpu.memory_space<vmem_shared>>) target(%dma_start3A_81 : memref<128x16xf32, #tpu.memory_space<vmem>>) offsets(%dma_start3A_82 : memref<128xi32, #tpu.memory_space<vmem>>) semaphore(%arg12 : memref<!tpu.dma_semaphore, #tpu.memory_space<semaphore_mem>>)
      %dma_wait3A_86 = arith.constant 0 : i32
      %dma_wait3A_87 = arith.constant 0 : i32
      %dma_wait3A_88 = tpu.memref_slice %arg9[%scan3A_27, %dma_wait3A_86, %dma_wait3A_87] : memref<2x128x16xf32, #tpu.memory_space<vmem>> -> memref<1x128x16xf32, #tpu.memory_space<vmem>>
      %dma_wait3A_89 = tpu.memref_squeeze %dma_wait3A_88 : memref<1x128x16xf32, #tpu.memory_space<vmem>> -> memref<128x16xf32, #tpu.memory_space<vmem>>
      %dma_wait3A_90 = arith.constant 0 : i32
      %dma_wait3A_91 = tpu.memref_slice %arg7[%dma_wait3A_90] : memref<10496xi32, #tpu.memory_space<vmem>> -> memref<128xi32, #tpu.memory_space<vmem>>
      %dma_wait3A_92 = arith.constant 0 : i32
      %dma_wait3A_93 = arith.constant 0 : i32
      %dma_wait3A_94 = tpu.memref_slice %arg10[%dma_wait3A_92, %dma_wait3A_93] : memref<10240x16xf32, #tpu.memory_space<vmem_shared>> -> memref<10240x16xf32, #tpu.memory_space<vmem_shared>>
      tpu.wait_indirect_dma semaphore(%arg13 : memref<!tpu.dma_semaphore, #tpu.memory_space<semaphore_mem>>) src(%dma_wait3A_94 : memref<10240x16xf32, #tpu.memory_space<vmem_shared>>) dst(%dma_wait3A_89 : memref<128x16xf32, #tpu.memory_space<vmem>>)
      %add3A_95 = arith.constant 1 : i32
      %add3A_96 = arith.addi %mul3A_59, %add3A_95 : i32
      "tpu.region"() ({
        %run_scoped3A = tpu.sem_alloc : memref<!tpu.dma_semaphore, #tpu.memory_space<semaphore_mem>>
        %dma_start3A_105 = arith.constant 0 : i32
        %dma_start3A_106 = arith.constant 0 : i32
        %dma_start3A_107 = tpu.memref_slice %arg9[%scan3A_27, %dma_start3A_105, %dma_start3A_106] : memref<2x128x16xf32, #tpu.memory_space<vmem>> -> memref<1x128x16xf32, #tpu.memory_space<vmem>>
        %dma_start3A_108 = tpu.memref_squeeze %dma_start3A_107 : memref<1x128x16xf32, #tpu.memory_space<vmem>> -> memref<128x16xf32, #tpu.memory_space<vmem>>
        %dma_start3A_109 = arith.constant 0 : i32
        %dma_start3A_110 = tpu.memref_slice %arg8[%add3A_96, %dma_start3A_109] : memref<80x128xi32, #tpu.memory_space<vmem>> -> memref<1x128xi32, #tpu.memory_space<vmem>>
        %dma_start3A_111 = tpu.memref_squeeze %dma_start3A_110 : memref<1x128xi32, #tpu.memory_space<vmem>> -> memref<128xi32, #tpu.memory_space<vmem>>
        %dma_start3A_112 = arith.constant 0 : i32
        %dma_start3A_113 = arith.constant 0 : i32
        %dma_start3A_114 = tpu.memref_slice %arg11[%dma_start3A_112, %dma_start3A_113] : memref<10240x16xf32, #tpu.memory_space<vmem_shared>> -> memref<10240x16xf32, #tpu.memory_space<vmem_shared>>
        tpu.enqueue_indirect_dma source(%dma_start3A_108 : memref<128x16xf32, #tpu.memory_space<vmem>>) target(%dma_start3A_114 : memref<10240x16xf32, #tpu.memory_space<vmem_shared>>) offsets(%dma_start3A_111 : memref<128xi32, #tpu.memory_space<vmem>>) semaphore(%run_scoped3A : memref<!tpu.dma_semaphore, #tpu.memory_space<semaphore_mem>>) {add = true}
        %dma_wait3A_115 = arith.constant 0 : i32
        %dma_wait3A_116 = arith.constant 0 : i32
        %dma_wait3A_117 = tpu.memref_slice %arg9[%scan3A_27, %dma_wait3A_115, %dma_wait3A_116] : memref<2x128x16xf32, #tpu.memory_space<vmem>> -> memref<1x128x16xf32, #tpu.memory_space<vmem>>
        %dma_wait3A_118 = tpu.memref_squeeze %dma_wait3A_117 : memref<1x128x16xf32, #tpu.memory_space<vmem>> -> memref<128x16xf32, #tpu.memory_space<vmem>>
        %dma_wait3A_119 = arith.constant 0 : i32
        %dma_wait3A_120 = tpu.memref_slice %arg8[%add3A_96, %dma_wait3A_119] : memref<80x128xi32, #tpu.memory_space<vmem>> -> memref<1x128xi32, #tpu.memory_space<vmem>>
        %dma_wait3A_121 = tpu.memref_squeeze %dma_wait3A_120 : memref<1x128xi32, #tpu.memory_space<vmem>> -> memref<128xi32, #tpu.memory_space<vmem>>
        %dma_wait3A_122 = arith.constant 0 : i32
        %dma_wait3A_123 = arith.constant 0 : i32
        %dma_wait3A_124 = tpu.memref_slice %arg11[%dma_wait3A_122, %dma_wait3A_123] : memref<10240x16xf32, #tpu.memory_space<vmem_shared>> -> memref<10240x16xf32, #tpu.memory_space<vmem_shared>>
        tpu.wait_indirect_dma semaphore(%run_scoped3A : memref<!tpu.dma_semaphore, #tpu.memory_space<semaphore_mem>>) src(%dma_wait3A_118 : memref<128x16xf32, #tpu.memory_space<vmem>>) dst(%dma_wait3A_124 : memref<10240x16xf32, #tpu.memory_space<vmem_shared>>)
        tpu.yield
      }) : () -> ()
      %dma_start3A_97 = arith.constant 0 : i32
      %dma_start3A_98 = arith.constant 0 : i32
      %dma_start3A_99 = tpu.memref_slice %arg9[%scan3A_27, %dma_start3A_97, %dma_start3A_98] : memref<2x128x16xf32, #tpu.memory_space<vmem>> -> memref<1x128x16xf32, #tpu.memory_space<vmem>>
      %dma_start3A_100 = tpu.memref_squeeze %dma_start3A_99 : memref<1x128x16xf32, #tpu.memory_space<vmem>> -> memref<128x16xf32, #tpu.memory_space<vmem>>
      %dma_start3A_101 = tpu.memref_slice %arg7[%multiple_of3A_68] : memref<10496xi32, #tpu.memory_space<vmem>> -> memref<128xi32, #tpu.memory_space<vmem>>
      %dma_start3A_102 = arith.constant 0 : i32
      %dma_start3A_103 = arith.constant 0 : i32
      %dma_start3A_104 = tpu.memref_slice %arg10[%dma_start3A_102, %dma_start3A_103] : memref<10240x16xf32, #tpu.memory_space<vmem_shared>> -> memref<10240x16xf32, #tpu.memory_space<vmem_shared>>
      tpu.enqueue_indirect_dma source(%dma_start3A_104 : memref<10240x16xf32, #tpu.memory_space<vmem_shared>>) target(%dma_start3A_100 : memref<128x16xf32, #tpu.memory_space<vmem>>) offsets(%dma_start3A_101 : memref<128xi32, #tpu.memory_space<vmem>>) semaphore(%arg13 : memref<!tpu.dma_semaphore, #tpu.memory_space<semaphore_mem>>)
    }
    %scan3A_32 = arith.constant 40 : i32
    %dma_wait3A = arith.constant 0 : i32
    %dma_wait3A_33 = arith.constant 0 : i32
    %dma_wait3A_34 = arith.constant 0 : i32
    %dma_wait3A_35 = tpu.memref_slice %arg9[%dma_wait3A, %dma_wait3A_33, %dma_wait3A_34] : memref<2x128x16xf32, #tpu.memory_space<vmem>> -> memref<1x128x16xf32, #tpu.memory_space<vmem>>
    %dma_wait3A_36 = tpu.memref_squeeze %dma_wait3A_35 : memref<1x128x16xf32, #tpu.memory_space<vmem>> -> memref<128x16xf32, #tpu.memory_space<vmem>>
    %dma_wait3A_37 = arith.constant 0 : i32
    %dma_wait3A_38 = tpu.memref_slice %arg7[%dma_wait3A_37] : memref<10496xi32, #tpu.memory_space<vmem>> -> memref<128xi32, #tpu.memory_space<vmem>>
    %dma_wait3A_39 = arith.constant 0 : i32
    %dma_wait3A_40 = arith.constant 0 : i32
    %dma_wait3A_41 = tpu.memref_slice %arg10[%dma_wait3A_39, %dma_wait3A_40] : memref<10240x16xf32, #tpu.memory_space<vmem_shared>> -> memref<10240x16xf32, #tpu.memory_space<vmem_shared>>
    tpu.wait_indirect_dma semaphore(%arg12 : memref<!tpu.dma_semaphore, #tpu.memory_space<semaphore_mem>>) src(%dma_wait3A_41 : memref<10240x16xf32, #tpu.memory_space<vmem_shared>>) dst(%dma_wait3A_36 : memref<128x16xf32, #tpu.memory_space<vmem>>)
    %dma_wait3A_42 = arith.constant 1 : i32
    %dma_wait3A_43 = arith.constant 0 : i32
    %dma_wait3A_44 = arith.constant 0 : i32
    %dma_wait3A_45 = tpu.memref_slice %arg9[%dma_wait3A_42, %dma_wait3A_43, %dma_wait3A_44] : memref<2x128x16xf32, #tpu.memory_space<vmem>> -> memref<1x128x16xf32, #tpu.memory_space<vmem>>
    %dma_wait3A_46 = tpu.memref_squeeze %dma_wait3A_45 : memref<1x128x16xf32, #tpu.memory_space<vmem>> -> memref<128x16xf32, #tpu.memory_space<vmem>>
    %dma_wait3A_47 = arith.constant 0 : i32
    %dma_wait3A_48 = tpu.memref_slice %arg7[%dma_wait3A_47] : memref<10496xi32, #tpu.memory_space<vmem>> -> memref<128xi32, #tpu.memory_space<vmem>>
    %dma_wait3A_49 = arith.constant 0 : i32
    %dma_wait3A_50 = arith.constant 0 : i32
    %dma_wait3A_51 = tpu.memref_slice %arg10[%dma_wait3A_49, %dma_wait3A_50] : memref<10240x16xf32, #tpu.memory_space<vmem_shared>> -> memref<10240x16xf32, #tpu.memory_space<vmem_shared>>
    tpu.wait_indirect_dma semaphore(%arg13 : memref<!tpu.dma_semaphore, #tpu.memory_space<semaphore_mem>>) src(%dma_wait3A_51 : memref<10240x16xf32, #tpu.memory_space<vmem_shared>>) dst(%dma_wait3A_46 : memref<128x16xf32, #tpu.memory_space<vmem>>)
    %barrier3A_52 = arith.constant 0 : index
    tpu.barrier barrier_id(%barrier3A_52)
    %mul3A_53 = arith.constant 640 : i32
    %mul3A_54 = arith.muli %arg1, %mul3A_53 : i32
    %mul3A_55 = arith.constant 640 : i32
    %mul3A_56 = arith.muli %arg1, %mul3A_55 : i32
    "tpu.region"() ({
      %run_scoped3A = tpu.sem_alloc : memref<!tpu.dma_semaphore, #tpu.memory_space<semaphore_mem>>
      %dma_start3A_57 = arith.constant 0 : i32
      %dma_start3A_58 = tpu.memref_slice %arg6[%arg0, %mul3A_56, %dma_start3A_57] : memref<2x10240x16xf32, #tpu.memory_space<hbm>> -> memref<1x640x16xf32, #tpu.memory_space<hbm>>
      %dma_start3A_59 = tpu.memref_squeeze %dma_start3A_58 : memref<1x640x16xf32, #tpu.memory_space<hbm>> -> memref<640x16xf32, #tpu.memory_space<hbm>>
      %dma_start3A_60 = arith.constant 0 : i32
      %dma_start3A_61 = tpu.memref_slice %arg11[%mul3A_54, %dma_start3A_60] : memref<10240x16xf32, #tpu.memory_space<vmem_shared>> -> memref<640x16xf32, #tpu.memory_space<vmem_shared>>
      tpu.enqueue_dma source(%dma_start3A_61 : memref<640x16xf32, #tpu.memory_space<vmem_shared>>) target(%dma_start3A_59 : memref<640x16xf32, #tpu.memory_space<hbm>>) target_semaphore(%run_scoped3A : memref<!tpu.dma_semaphore, #tpu.memory_space<semaphore_mem>>)
      %dma_wait3A_62 = arith.constant 0 : i32
      %dma_wait3A_63 = tpu.memref_slice %arg6[%arg0, %mul3A_56, %dma_wait3A_62] : memref<2x10240x16xf32, #tpu.memory_space<hbm>> -> memref<1x640x16xf32, #tpu.memory_space<hbm>>
      %dma_wait3A_64 = tpu.memref_squeeze %dma_wait3A_63 : memref<1x640x16xf32, #tpu.memory_space<hbm>> -> memref<640x16xf32, #tpu.memory_space<hbm>>
      %dma_wait3A_65 = arith.constant 0 : i32
      %dma_wait3A_66 = tpu.memref_slice %arg11[%mul3A_54, %dma_wait3A_65] : memref<10240x16xf32, #tpu.memory_space<vmem_shared>> -> memref<640x16xf32, #tpu.memory_space<vmem_shared>>
      tpu.wait_dma2 semaphore(%run_scoped3A : memref<!tpu.dma_semaphore, #tpu.memory_space<semaphore_mem>>) src(%dma_wait3A_66 : memref<640x16xf32, #tpu.memory_space<vmem_shared>>) dst(%dma_wait3A_64 : memref<640x16xf32, #tpu.memory_space<hbm>>)
      tpu.yield
    }) : () -> ()
    return
  }
}

#map = affine_map<(d0, d1) -> (0, 0)>
#map1 = affine_map<(d0, d1) -> (0, 0, 0)>
module attributes {stable_mosaic.version = 14 : i64} {
  func.func @body(%arg0: i32, %arg1: i32, %arg2: memref<10240x16xf32, #tpu.memory_space<hbm>>, %arg3: memref<32x10496xi32, #tpu.memory_space<hbm>>, %arg4: memref<32x80x128xi32, #tpu.memory_space<hbm>>, %arg5: memref<640x16xf32, #tpu.memory_space<hbm>>, %arg6: memref<2x10240x16xf32, #tpu.memory_space<hbm>>, %arg7: memref<10496xi32, #tpu.memory_space<vmem>>, %arg8: memref<80x128xi32, #tpu.memory_space<vmem>>, %arg9: memref<2x128x16xf32, #tpu.memory_space<vmem>>, %arg10: memref<10240x16xf32, #tpu.memory_space<vmem_shared>>, %arg11: memref<10240x16xf32, #tpu.memory_space<vmem_shared>>, %arg12: memref<!tpu.dma_semaphore, #tpu.memory_space<semaphore_mem>>, %arg13: memref<!tpu.dma_semaphore, #tpu.memory_space<semaphore_mem>>) attributes {dimension_semantics = [#tpu.dimension_semantics<core_parallel>, #tpu.dimension_semantics<subcore_parallel>], iteration_bounds = array<i64: 2, 16>, scalar_prefetch = 0 : i64, scratch_operands = 7 : i64, tpu.core_type = #tpu.core_type<sc_vector_subcore>, window_params = [{transform_indices = #map}, {transform_indices = #map}, {transform_indices = #map1}, {transform_indices = #map}, {transform_indices = #map1}]} {
    %mul3A = arith.constant 16 : i32
    %mul3A_0 = arith.muli %arg0, %mul3A : i32
    %add3A = arith.addi %mul3A_0, %arg1 : i32
    %mul3A_1 = arith.constant 640 : i32
    %mul3A_2 = arith.muli %arg1, %mul3A_1 : i32
    "tpu.region"() ({
      %run_scoped3A = tpu.sem_alloc : memref<!tpu.dma_semaphore, #tpu.memory_space<semaphore_mem>>
      %dma_start3A_57 = arith.constant 0 : i32
      %dma_start3A_58 = tpu.memref_slice %arg11[%mul3A_2, %dma_start3A_57] : memref<10240x16xf32, #tpu.memory_space<vmem_shared>> -> memref<640x16xf32, #tpu.memory_space<vmem_shared>>
      tpu.enqueue_dma source(%arg5 : memref<640x16xf32, #tpu.memory_space<hbm>>) target(%dma_start3A_58 : memref<640x16xf32, #tpu.memory_space<vmem_shared>>) target_semaphore(%run_scoped3A : memref<!tpu.dma_semaphore, #tpu.memory_space<semaphore_mem>>)
      %dma_wait3A_59 = arith.constant 0 : i32
      %dma_wait3A_60 = tpu.memref_slice %arg11[%mul3A_2, %dma_wait3A_59] : memref<10240x16xf32, #tpu.memory_space<vmem_shared>> -> memref<640x16xf32, #tpu.memory_space<vmem_shared>>
      tpu.wait_dma2 semaphore(%run_scoped3A : memref<!tpu.dma_semaphore, #tpu.memory_space<semaphore_mem>>) src(%arg5 : memref<640x16xf32, #tpu.memory_space<hbm>>) dst(%dma_wait3A_60 : memref<640x16xf32, #tpu.memory_space<vmem_shared>>)
      tpu.yield
    }) : () -> ()
    %mul3A_3 = arith.constant 640 : i32
    %mul3A_4 = arith.muli %arg1, %mul3A_3 : i32
    %mul3A_5 = arith.constant 640 : i32
    %mul3A_6 = arith.muli %arg1, %mul3A_5 : i32
    "tpu.region"() ({
      %run_scoped3A = tpu.sem_alloc : memref<!tpu.dma_semaphore, #tpu.memory_space<semaphore_mem>>
      %dma_start3A_57 = arith.constant 0 : i32
      %dma_start3A_58 = tpu.memref_slice %arg10[%mul3A_6, %dma_start3A_57] : memref<10240x16xf32, #tpu.memory_space<vmem_shared>> -> memref<640x16xf32, #tpu.memory_space<vmem_shared>>
      %dma_start3A_59 = arith.constant 0 : i32
      %dma_start3A_60 = tpu.memref_slice %arg2[%mul3A_4, %dma_start3A_59] : memref<10240x16xf32, #tpu.memory_space<hbm>> -> memref<640x16xf32, #tpu.memory_space<hbm>>
      tpu.enqueue_dma source(%dma_start3A_60 : memref<640x16xf32, #tpu.memory_space<hbm>>) target(%dma_start3A_58 : memref<640x16xf32, #tpu.memory_space<vmem_shared>>) target_semaphore(%run_scoped3A : memref<!tpu.dma_semaphore, #tpu.memory_space<semaphore_mem>>)
      %dma_wait3A_61 = arith.constant 0 : i32
      %dma_wait3A_62 = tpu.memref_slice %arg10[%mul3A_6, %dma_wait3A_61] : memref<10240x16xf32, #tpu.memory_space<vmem_shared>> -> memref<640x16xf32, #tpu.memory_space<vmem_shared>>
      %dma_wait3A_63 = arith.constant 0 : i32
      %dma_wait3A_64 = tpu.memref_slice %arg2[%mul3A_4, %dma_wait3A_63] : memref<10240x16xf32, #tpu.memory_space<hbm>> -> memref<640x16xf32, #tpu.memory_space<hbm>>
      tpu.wait_dma2 semaphore(%run_scoped3A : memref<!tpu.dma_semaphore, #tpu.memory_space<semaphore_mem>>) src(%dma_wait3A_64 : memref<640x16xf32, #tpu.memory_space<hbm>>) dst(%dma_wait3A_62 : memref<640x16xf32, #tpu.memory_space<vmem_shared>>)
      tpu.yield
    }) : () -> ()
    "tpu.region"() ({
      %run_scoped3A = tpu.sem_alloc : memref<!tpu.dma_semaphore, #tpu.memory_space<semaphore_mem>>
      %dma_start3A_57 = arith.constant 0 : i32
      %dma_start3A_58 = tpu.memref_slice %arg3[%add3A, %dma_start3A_57] : memref<32x10496xi32, #tpu.memory_space<hbm>> -> memref<1x10496xi32, #tpu.memory_space<hbm>>
      %dma_start3A_59 = tpu.memref_squeeze %dma_start3A_58 : memref<1x10496xi32, #tpu.memory_space<hbm>> -> memref<10496xi32, #tpu.memory_space<hbm>>
      %dma_start3A_60 = arith.constant 0 : i32
      %dma_start3A_61 = tpu.memref_slice %arg3[%add3A, %dma_start3A_60] : memref<32x10496xi32, #tpu.memory_space<hbm>> -> memref<1x10496xi32, #tpu.memory_space<hbm>>
      %dma_start3A_62 = tpu.memref_squeeze %dma_start3A_61 : memref<1x10496xi32, #tpu.memory_space<hbm>> -> memref<10496xi32, #tpu.memory_space<hbm>>
      tpu.enqueue_dma source(%dma_start3A_62 : memref<10496xi32, #tpu.memory_space<hbm>>) target(%arg7 : memref<10496xi32, #tpu.memory_space<vmem>>) target_semaphore(%run_scoped3A : memref<!tpu.dma_semaphore, #tpu.memory_space<semaphore_mem>>)
      %dma_wait3A_63 = arith.constant 0 : i32
      %dma_wait3A_64 = tpu.memref_slice %arg3[%add3A, %dma_wait3A_63] : memref<32x10496xi32, #tpu.memory_space<hbm>> -> memref<1x10496xi32, #tpu.memory_space<hbm>>
      %dma_wait3A_65 = tpu.memref_squeeze %dma_wait3A_64 : memref<1x10496xi32, #tpu.memory_space<hbm>> -> memref<10496xi32, #tpu.memory_space<hbm>>
      %dma_wait3A_66 = arith.constant 0 : i32
      %dma_wait3A_67 = tpu.memref_slice %arg3[%add3A, %dma_wait3A_66] : memref<32x10496xi32, #tpu.memory_space<hbm>> -> memref<1x10496xi32, #tpu.memory_space<hbm>>
      %dma_wait3A_68 = tpu.memref_squeeze %dma_wait3A_67 : memref<1x10496xi32, #tpu.memory_space<hbm>> -> memref<10496xi32, #tpu.memory_space<hbm>>
      tpu.wait_dma2 semaphore(%run_scoped3A : memref<!tpu.dma_semaphore, #tpu.memory_space<semaphore_mem>>) src(%dma_wait3A_68 : memref<10496xi32, #tpu.memory_space<hbm>>) dst(%arg7 : memref<10496xi32, #tpu.memory_space<vmem>>)
      tpu.yield
    }) : () -> ()
    "tpu.region"() ({
      %run_scoped3A = tpu.sem_alloc : memref<!tpu.dma_semaphore, #tpu.memory_space<semaphore_mem>>
      %dma_start3A_57 = arith.constant 0 : i32
      %dma_start3A_58 = arith.constant 0 : i32
      %dma_start3A_59 = tpu.memref_slice %arg4[%add3A, %dma_start3A_57, %dma_start3A_58] : memref<32x80x128xi32, #tpu.memory_space<hbm>> -> memref<1x80x128xi32, #tpu.memory_space<hbm>>
      %dma_start3A_60 = tpu.memref_squeeze %dma_start3A_59 : memref<1x80x128xi32, #tpu.memory_space<hbm>> -> memref<80x128xi32, #tpu.memory_space<hbm>>
      %dma_start3A_61 = arith.constant 0 : i32
      %dma_start3A_62 = arith.constant 0 : i32
      %dma_start3A_63 = tpu.memref_slice %arg4[%add3A, %dma_start3A_61, %dma_start3A_62] : memref<32x80x128xi32, #tpu.memory_space<hbm>> -> memref<1x80x128xi32, #tpu.memory_space<hbm>>
      %dma_start3A_64 = tpu.memref_squeeze %dma_start3A_63 : memref<1x80x128xi32, #tpu.memory_space<hbm>> -> memref<80x128xi32, #tpu.memory_space<hbm>>
      tpu.enqueue_dma source(%dma_start3A_64 : memref<80x128xi32, #tpu.memory_space<hbm>>) target(%arg8 : memref<80x128xi32, #tpu.memory_space<vmem>>) target_semaphore(%run_scoped3A : memref<!tpu.dma_semaphore, #tpu.memory_space<semaphore_mem>>)
      %dma_wait3A_65 = arith.constant 0 : i32
      %dma_wait3A_66 = arith.constant 0 : i32
      %dma_wait3A_67 = tpu.memref_slice %arg4[%add3A, %dma_wait3A_65, %dma_wait3A_66] : memref<32x80x128xi32, #tpu.memory_space<hbm>> -> memref<1x80x128xi32, #tpu.memory_space<hbm>>
      %dma_wait3A_68 = tpu.memref_squeeze %dma_wait3A_67 : memref<1x80x128xi32, #tpu.memory_space<hbm>> -> memref<80x128xi32, #tpu.memory_space<hbm>>
      %dma_wait3A_69 = arith.constant 0 : i32
      %dma_wait3A_70 = arith.constant 0 : i32
      %dma_wait3A_71 = tpu.memref_slice %arg4[%add3A, %dma_wait3A_69, %dma_wait3A_70] : memref<32x80x128xi32, #tpu.memory_space<hbm>> -> memref<1x80x128xi32, #tpu.memory_space<hbm>>
      %dma_wait3A_72 = tpu.memref_squeeze %dma_wait3A_71 : memref<1x80x128xi32, #tpu.memory_space<hbm>> -> memref<80x128xi32, #tpu.memory_space<hbm>>
      tpu.wait_dma2 semaphore(%run_scoped3A : memref<!tpu.dma_semaphore, #tpu.memory_space<semaphore_mem>>) src(%dma_wait3A_72 : memref<80x128xi32, #tpu.memory_space<hbm>>) dst(%arg8 : memref<80x128xi32, #tpu.memory_space<vmem>>)
      tpu.yield
    }) : () -> ()
    %barrier3A = arith.constant 0 : index
    tpu.barrier barrier_id(%barrier3A)
    %dma_start3A = arith.constant 0 : i32
    %dma_start3A_7 = arith.constant 0 : i32
    %dma_start3A_8 = arith.constant 0 : i32
    %dma_start3A_9 = tpu.memref_slice %arg9[%dma_start3A, %dma_start3A_7, %dma_start3A_8] : memref<2x128x16xf32, #tpu.memory_space<vmem>> -> memref<1x128x16xf32, #tpu.memory_space<vmem>>
    %dma_start3A_10 = tpu.memref_squeeze %dma_start3A_9 : memref<1x128x16xf32, #tpu.memory_space<vmem>> -> memref<128x16xf32, #tpu.memory_space<vmem>>
    %dma_start3A_11 = arith.constant 0 : i32
    %dma_start3A_12 = tpu.memref_slice %arg7[%dma_start3A_11] : memref<10496xi32, #tpu.memory_space<vmem>> -> memref<128xi32, #tpu.memory_space<vmem>>
    %dma_start3A_13 = arith.constant 0 : i32
    %dma_start3A_14 = arith.constant 0 : i32
    %dma_start3A_15 = tpu.memref_slice %arg10[%dma_start3A_13, %dma_start3A_14] : memref<10240x16xf32, #tpu.memory_space<vmem_shared>> -> memref<10240x16xf32, #tpu.memory_space<vmem_shared>>
    tpu.enqueue_indirect_dma source(%dma_start3A_15 : memref<10240x16xf32, #tpu.memory_space<vmem_shared>>) target(%dma_start3A_10 : memref<128x16xf32, #tpu.memory_space<vmem>>) offsets(%dma_start3A_12 : memref<128xi32, #tpu.memory_space<vmem>>) semaphore(%arg12 : memref<!tpu.dma_semaphore, #tpu.memory_space<semaphore_mem>>)
    %dma_start3A_16 = arith.constant 1 : i32
    %dma_start3A_17 = arith.constant 0 : i32
    %dma_start3A_18 = arith.constant 0 : i32
    %dma_start3A_19 = tpu.memref_slice %arg9[%dma_start3A_16, %dma_start3A_17, %dma_start3A_18] : memref<2x128x16xf32, #tpu.memory_space<vmem>> -> memref<1x128x16xf32, #tpu.memory_space<vmem>>
    %dma_start3A_20 = tpu.memref_squeeze %dma_start3A_19 : memref<1x128x16xf32, #tpu.memory_space<vmem>> -> memref<128x16xf32, #tpu.memory_space<vmem>>
    %dma_start3A_21 = arith.constant 128 : i32
    %dma_start3A_22 = tpu.memref_slice %arg7[%dma_start3A_21] : memref<10496xi32, #tpu.memory_space<vmem>> -> memref<128xi32, #tpu.memory_space<vmem>>
    %dma_start3A_23 = arith.constant 0 : i32
    %dma_start3A_24 = arith.constant 0 : i32
    %dma_start3A_25 = tpu.memref_slice %arg10[%dma_start3A_23, %dma_start3A_24] : memref<10240x16xf32, #tpu.memory_space<vmem_shared>> -> memref<10240x16xf32, #tpu.memory_space<vmem_shared>>
    tpu.enqueue_indirect_dma source(%dma_start3A_25 : memref<10240x16xf32, #tpu.memory_space<vmem_shared>>) target(%dma_start3A_20 : memref<128x16xf32, #tpu.memory_space<vmem>>) offsets(%dma_start3A_22 : memref<128xi32, #tpu.memory_space<vmem>>) semaphore(%arg13 : memref<!tpu.dma_semaphore, #tpu.memory_space<semaphore_mem>>)
    %scan3A = arith.constant 0 : i32
    %scan3A_26 = arith.constant 0 : i32
    %scan3A_27 = arith.constant 1 : i32
    %scan3A_28 = arith.constant 0 : i32
    %scan3A_29 = arith.constant 40 : i32
    %scan3A_30 = arith.addi %scan3A_28, %scan3A_29 : i32
    %scan3A_31 = arith.constant 1 : i32
    scf.for %scan3A_57 = %scan3A_28 to %scan3A_30 step %scan3A_31  : i32 {
      %mul3A_58 = arith.constant 2 : i32
      %mul3A_59 = arith.muli %scan3A_57, %mul3A_58 : i32
      %add3A_60 = arith.constant 2 : i32
      %add3A_61 = arith.addi %mul3A_59, %add3A_60 : i32
      %mul3A_62 = arith.constant 128 : i32
      %mul3A_63 = arith.muli %add3A_61, %mul3A_62 : i32
      %multiple_of3A = tpu.assume_multiple %mul3A_63, 128 : i32
      %add3A_64 = arith.constant 3 : i32
      %add3A_65 = arith.addi %mul3A_59, %add3A_64 : i32
      %mul3A_66 = arith.constant 128 : i32
      %mul3A_67 = arith.muli %add3A_65, %mul3A_66 : i32
      %multiple_of3A_68 = tpu.assume_multiple %mul3A_67, 128 : i32
      %dma_wait3A_69 = arith.constant 0 : i32
      %dma_wait3A_70 = arith.constant 0 : i32
      %dma_wait3A_71 = tpu.memref_slice %arg9[%scan3A_26, %dma_wait3A_69, %dma_wait3A_70] : memref<2x128x16xf32, #tpu.memory_space<vmem>> -> memref<1x128x16xf32, #tpu.memory_space<vmem>>
      %dma_wait3A_72 = tpu.memref_squeeze %dma_wait3A_71 : memref<1x128x16xf32, #tpu.memory_space<vmem>> -> memref<128x16xf32, #tpu.memory_space<vmem>>
      %dma_wait3A_73 = arith.constant 0 : i32
      %dma_wait3A_74 = tpu.memref_slice %arg7[%dma_wait3A_73] : memref<10496xi32, #tpu.memory_space<vmem>> -> memref<128xi32, #tpu.memory_space<vmem>>
      %dma_wait3A_75 = arith.constant 0 : i32
      %dma_wait3A_76 = arith.constant 0 : i32
      %dma_wait3A_77 = tpu.memref_slice %arg10[%dma_wait3A_75, %dma_wait3A_76] : memref<10240x16xf32, #tpu.memory_space<vmem_shared>> -> memref<10240x16xf32, #tpu.memory_space<vmem_shared>>
      tpu.wait_indirect_dma semaphore(%arg12 : memref<!tpu.dma_semaphore, #tpu.memory_space<semaphore_mem>>) src(%dma_wait3A_77 : memref<10240x16xf32, #tpu.memory_space<vmem_shared>>) dst(%dma_wait3A_72 : memref<128x16xf32, #tpu.memory_space<vmem>>)
      "tpu.region"() ({
        %run_scoped3A = tpu.sem_alloc : memref<!tpu.dma_semaphore, #tpu.memory_space<semaphore_mem>>
        %dma_start3A_105 = arith.constant 0 : i32
        %dma_start3A_106 = arith.constant 0 : i32
        %dma_start3A_107 = tpu.memref_slice %arg9[%scan3A_26, %dma_start3A_105, %dma_start3A_106] : memref<2x128x16xf32, #tpu.memory_space<vmem>> -> memref<1x128x16xf32, #tpu.memory_space<vmem>>
        %dma_start3A_108 = tpu.memref_squeeze %dma_start3A_107 : memref<1x128x16xf32, #tpu.memory_space<vmem>> -> memref<128x16xf32, #tpu.memory_space<vmem>>
        %dma_start3A_109 = arith.constant 0 : i32
        %dma_start3A_110 = tpu.memref_slice %arg8[%mul3A_59, %dma_start3A_109] : memref<80x128xi32, #tpu.memory_space<vmem>> -> memref<1x128xi32, #tpu.memory_space<vmem>>
        %dma_start3A_111 = tpu.memref_squeeze %dma_start3A_110 : memref<1x128xi32, #tpu.memory_space<vmem>> -> memref<128xi32, #tpu.memory_space<vmem>>
        %dma_start3A_112 = arith.constant 0 : i32
        %dma_start3A_113 = arith.constant 0 : i32
        %dma_start3A_114 = tpu.memref_slice %arg11[%dma_start3A_112, %dma_start3A_113] : memref<10240x16xf32, #tpu.memory_space<vmem_shared>> -> memref<10240x16xf32, #tpu.memory_space<vmem_shared>>
        tpu.enqueue_indirect_dma source(%dma_start3A_108 : memref<128x16xf32, #tpu.memory_space<vmem>>) target(%dma_start3A_114 : memref<10240x16xf32, #tpu.memory_space<vmem_shared>>) offsets(%dma_start3A_111 : memref<128xi32, #tpu.memory_space<vmem>>) semaphore(%run_scoped3A : memref<!tpu.dma_semaphore, #tpu.memory_space<semaphore_mem>>) {add = true}
        %dma_wait3A_115 = arith.constant 0 : i32
        %dma_wait3A_116 = arith.constant 0 : i32
        %dma_wait3A_117 = tpu.memref_slice %arg9[%scan3A_26, %dma_wait3A_115, %dma_wait3A_116] : memref<2x128x16xf32, #tpu.memory_space<vmem>> -> memref<1x128x16xf32, #tpu.memory_space<vmem>>
        %dma_wait3A_118 = tpu.memref_squeeze %dma_wait3A_117 : memref<1x128x16xf32, #tpu.memory_space<vmem>> -> memref<128x16xf32, #tpu.memory_space<vmem>>
        %dma_wait3A_119 = arith.constant 0 : i32
        %dma_wait3A_120 = tpu.memref_slice %arg8[%mul3A_59, %dma_wait3A_119] : memref<80x128xi32, #tpu.memory_space<vmem>> -> memref<1x128xi32, #tpu.memory_space<vmem>>
        %dma_wait3A_121 = tpu.memref_squeeze %dma_wait3A_120 : memref<1x128xi32, #tpu.memory_space<vmem>> -> memref<128xi32, #tpu.memory_space<vmem>>
        %dma_wait3A_122 = arith.constant 0 : i32
        %dma_wait3A_123 = arith.constant 0 : i32
        %dma_wait3A_124 = tpu.memref_slice %arg11[%dma_wait3A_122, %dma_wait3A_123] : memref<10240x16xf32, #tpu.memory_space<vmem_shared>> -> memref<10240x16xf32, #tpu.memory_space<vmem_shared>>
        tpu.wait_indirect_dma semaphore(%run_scoped3A : memref<!tpu.dma_semaphore, #tpu.memory_space<semaphore_mem>>) src(%dma_wait3A_118 : memref<128x16xf32, #tpu.memory_space<vmem>>) dst(%dma_wait3A_124 : memref<10240x16xf32, #tpu.memory_space<vmem_shared>>)
        tpu.yield
      }) : () -> ()
      %dma_start3A_78 = arith.constant 0 : i32
      %dma_start3A_79 = arith.constant 0 : i32
      %dma_start3A_80 = tpu.memref_slice %arg9[%scan3A_26, %dma_start3A_78, %dma_start3A_79] : memref<2x128x16xf32, #tpu.memory_space<vmem>> -> memref<1x128x16xf32, #tpu.memory_space<vmem>>
      %dma_start3A_81 = tpu.memref_squeeze %dma_start3A_80 : memref<1x128x16xf32, #tpu.memory_space<vmem>> -> memref<128x16xf32, #tpu.memory_space<vmem>>
      %dma_start3A_82 = tpu.memref_slice %arg7[%multiple_of3A] : memref<10496xi32, #tpu.memory_space<vmem>> -> memref<128xi32, #tpu.memory_space<vmem>>
      %dma_start3A_83 = arith.constant 0 : i32
      %dma_start3A_84 = arith.constant 0 : i32
      %dma_start3A_85 = tpu.memref_slice %arg10[%dma_start3A_83, %dma_start3A_84] : memref<10240x16xf32, #tpu.memory_space<vmem_shared>> -> memref<10240x16xf32, #tpu.memory_space<vmem_shared>>
      tpu.enqueue_indirect_dma source(%dma_start3A_85 : memref<10240x16xf32, #tpu.memory_space<vmem_shared>>) target(%dma_start3A_81 : memref<128x16xf32, #tpu.memory_space<vmem>>) offsets(%dma_start3A_82 : memref<128xi32, #tpu.memory_space<vmem>>) semaphore(%arg12 : memref<!tpu.dma_semaphore, #tpu.memory_space<semaphore_mem>>)
      %dma_wait3A_86 = arith.constant 0 : i32
      %dma_wait3A_87 = arith.constant 0 : i32
      %dma_wait3A_88 = tpu.memref_slice %arg9[%scan3A_27, %dma_wait3A_86, %dma_wait3A_87] : memref<2x128x16xf32, #tpu.memory_space<vmem>> -> memref<1x128x16xf32, #tpu.memory_space<vmem>>
      %dma_wait3A_89 = tpu.memref_squeeze %dma_wait3A_88 : memref<1x128x16xf32, #tpu.memory_space<vmem>> -> memref<128x16xf32, #tpu.memory_space<vmem>>
      %dma_wait3A_90 = arith.constant 0 : i32
      %dma_wait3A_91 = tpu.memref_slice %arg7[%dma_wait3A_90] : memref<10496xi32, #tpu.memory_space<vmem>> -> memref<128xi32, #tpu.memory_space<vmem>>
      %dma_wait3A_92 = arith.constant 0 : i32
      %dma_wait3A_93 = arith.constant 0 : i32
      %dma_wait3A_94 = tpu.memref_slice %arg10[%dma_wait3A_92, %dma_wait3A_93] : memref<10240x16xf32, #tpu.memory_space<vmem_shared>> -> memref<10240x16xf32, #tpu.memory_space<vmem_shared>>
      tpu.wait_indirect_dma semaphore(%arg13 : memref<!tpu.dma_semaphore, #tpu.memory_space<semaphore_mem>>) src(%dma_wait3A_94 : memref<10240x16xf32, #tpu.memory_space<vmem_shared>>) dst(%dma_wait3A_89 : memref<128x16xf32, #tpu.memory_space<vmem>>)
      %add3A_95 = arith.constant 1 : i32
      %add3A_96 = arith.addi %mul3A_59, %add3A_95 : i32
      "tpu.region"() ({
        %run_scoped3A = tpu.sem_alloc : memref<!tpu.dma_semaphore, #tpu.memory_space<semaphore_mem>>
        %dma_start3A_105 = arith.constant 0 : i32
        %dma_start3A_106 = arith.constant 0 : i32
        %dma_start3A_107 = tpu.memref_slice %arg9[%scan3A_27, %dma_start3A_105, %dma_start3A_106] : memref<2x128x16xf32, #tpu.memory_space<vmem>> -> memref<1x128x16xf32, #tpu.memory_space<vmem>>
        %dma_start3A_108 = tpu.memref_squeeze %dma_start3A_107 : memref<1x128x16xf32, #tpu.memory_space<vmem>> -> memref<128x16xf32, #tpu.memory_space<vmem>>
        %dma_start3A_109 = arith.constant 0 : i32
        %dma_start3A_110 = tpu.memref_slice %arg8[%add3A_96, %dma_start3A_109] : memref<80x128xi32, #tpu.memory_space<vmem>> -> memref<1x128xi32, #tpu.memory_space<vmem>>
        %dma_start3A_111 = tpu.memref_squeeze %dma_start3A_110 : memref<1x128xi32, #tpu.memory_space<vmem>> -> memref<128xi32, #tpu.memory_space<vmem>>
        %dma_start3A_112 = arith.constant 0 : i32
        %dma_start3A_113 = arith.constant 0 : i32
        %dma_start3A_114 = tpu.memref_slice %arg11[%dma_start3A_112, %dma_start3A_113] : memref<10240x16xf32, #tpu.memory_space<vmem_shared>> -> memref<10240x16xf32, #tpu.memory_space<vmem_shared>>
        tpu.enqueue_indirect_dma source(%dma_start3A_108 : memref<128x16xf32, #tpu.memory_space<vmem>>) target(%dma_start3A_114 : memref<10240x16xf32, #tpu.memory_space<vmem_shared>>) offsets(%dma_start3A_111 : memref<128xi32, #tpu.memory_space<vmem>>) semaphore(%run_scoped3A : memref<!tpu.dma_semaphore, #tpu.memory_space<semaphore_mem>>) {add = true}
        %dma_wait3A_115 = arith.constant 0 : i32
        %dma_wait3A_116 = arith.constant 0 : i32
        %dma_wait3A_117 = tpu.memref_slice %arg9[%scan3A_27, %dma_wait3A_115, %dma_wait3A_116] : memref<2x128x16xf32, #tpu.memory_space<vmem>> -> memref<1x128x16xf32, #tpu.memory_space<vmem>>
        %dma_wait3A_118 = tpu.memref_squeeze %dma_wait3A_117 : memref<1x128x16xf32, #tpu.memory_space<vmem>> -> memref<128x16xf32, #tpu.memory_space<vmem>>
        %dma_wait3A_119 = arith.constant 0 : i32
        %dma_wait3A_120 = tpu.memref_slice %arg8[%add3A_96, %dma_wait3A_119] : memref<80x128xi32, #tpu.memory_space<vmem>> -> memref<1x128xi32, #tpu.memory_space<vmem>>
        %dma_wait3A_121 = tpu.memref_squeeze %dma_wait3A_120 : memref<1x128xi32, #tpu.memory_space<vmem>> -> memref<128xi32, #tpu.memory_space<vmem>>
        %dma_wait3A_122 = arith.constant 0 : i32
        %dma_wait3A_123 = arith.constant 0 : i32
        %dma_wait3A_124 = tpu.memref_slice %arg11[%dma_wait3A_122, %dma_wait3A_123] : memref<10240x16xf32, #tpu.memory_space<vmem_shared>> -> memref<10240x16xf32, #tpu.memory_space<vmem_shared>>
        tpu.wait_indirect_dma semaphore(%run_scoped3A : memref<!tpu.dma_semaphore, #tpu.memory_space<semaphore_mem>>) src(%dma_wait3A_118 : memref<128x16xf32, #tpu.memory_space<vmem>>) dst(%dma_wait3A_124 : memref<10240x16xf32, #tpu.memory_space<vmem_shared>>)
        tpu.yield
      }) : () -> ()
      %dma_start3A_97 = arith.constant 0 : i32
      %dma_start3A_98 = arith.constant 0 : i32
      %dma_start3A_99 = tpu.memref_slice %arg9[%scan3A_27, %dma_start3A_97, %dma_start3A_98] : memref<2x128x16xf32, #tpu.memory_space<vmem>> -> memref<1x128x16xf32, #tpu.memory_space<vmem>>
      %dma_start3A_100 = tpu.memref_squeeze %dma_start3A_99 : memref<1x128x16xf32, #tpu.memory_space<vmem>> -> memref<128x16xf32, #tpu.memory_space<vmem>>
      %dma_start3A_101 = tpu.memref_slice %arg7[%multiple_of3A_68] : memref<10496xi32, #tpu.memory_space<vmem>> -> memref<128xi32, #tpu.memory_space<vmem>>
      %dma_start3A_102 = arith.constant 0 : i32
      %dma_start3A_103 = arith.constant 0 : i32
      %dma_start3A_104 = tpu.memref_slice %arg10[%dma_start3A_102, %dma_start3A_103] : memref<10240x16xf32, #tpu.memory_space<vmem_shared>> -> memref<10240x16xf32, #tpu.memory_space<vmem_shared>>
      tpu.enqueue_indirect_dma source(%dma_start3A_104 : memref<10240x16xf32, #tpu.memory_space<vmem_shared>>) target(%dma_start3A_100 : memref<128x16xf32, #tpu.memory_space<vmem>>) offsets(%dma_start3A_101 : memref<128xi32, #tpu.memory_space<vmem>>) semaphore(%arg13 : memref<!tpu.dma_semaphore, #tpu.memory_space<semaphore_mem>>)
    }
    %scan3A_32 = arith.constant 40 : i32
    %dma_wait3A = arith.constant 0 : i32
    %dma_wait3A_33 = arith.constant 0 : i32
    %dma_wait3A_34 = arith.constant 0 : i32
    %dma_wait3A_35 = tpu.memref_slice %arg9[%dma_wait3A, %dma_wait3A_33, %dma_wait3A_34] : memref<2x128x16xf32, #tpu.memory_space<vmem>> -> memref<1x128x16xf32, #tpu.memory_space<vmem>>
    %dma_wait3A_36 = tpu.memref_squeeze %dma_wait3A_35 : memref<1x128x16xf32, #tpu.memory_space<vmem>> -> memref<128x16xf32, #tpu.memory_space<vmem>>
    %dma_wait3A_37 = arith.constant 0 : i32
    %dma_wait3A_38 = tpu.memref_slice %arg7[%dma_wait3A_37] : memref<10496xi32, #tpu.memory_space<vmem>> -> memref<128xi32, #tpu.memory_space<vmem>>
    %dma_wait3A_39 = arith.constant 0 : i32
    %dma_wait3A_40 = arith.constant 0 : i32
    %dma_wait3A_41 = tpu.memref_slice %arg10[%dma_wait3A_39, %dma_wait3A_40] : memref<10240x16xf32, #tpu.memory_space<vmem_shared>> -> memref<10240x16xf32, #tpu.memory_space<vmem_shared>>
    tpu.wait_indirect_dma semaphore(%arg12 : memref<!tpu.dma_semaphore, #tpu.memory_space<semaphore_mem>>) src(%dma_wait3A_41 : memref<10240x16xf32, #tpu.memory_space<vmem_shared>>) dst(%dma_wait3A_36 : memref<128x16xf32, #tpu.memory_space<vmem>>)
    %dma_wait3A_42 = arith.constant 1 : i32
    %dma_wait3A_43 = arith.constant 0 : i32
    %dma_wait3A_44 = arith.constant 0 : i32
    %dma_wait3A_45 = tpu.memref_slice %arg9[%dma_wait3A_42, %dma_wait3A_43, %dma_wait3A_44] : memref<2x128x16xf32, #tpu.memory_space<vmem>> -> memref<1x128x16xf32, #tpu.memory_space<vmem>>
    %dma_wait3A_46 = tpu.memref_squeeze %dma_wait3A_45 : memref<1x128x16xf32, #tpu.memory_space<vmem>> -> memref<128x16xf32, #tpu.memory_space<vmem>>
    %dma_wait3A_47 = arith.constant 0 : i32
    %dma_wait3A_48 = tpu.memref_slice %arg7[%dma_wait3A_47] : memref<10496xi32, #tpu.memory_space<vmem>> -> memref<128xi32, #tpu.memory_space<vmem>>
    %dma_wait3A_49 = arith.constant 0 : i32
    %dma_wait3A_50 = arith.constant 0 : i32
    %dma_wait3A_51 = tpu.memref_slice %arg10[%dma_wait3A_49, %dma_wait3A_50] : memref<10240x16xf32, #tpu.memory_space<vmem_shared>> -> memref<10240x16xf32, #tpu.memory_space<vmem_shared>>
    tpu.wait_indirect_dma semaphore(%arg13 : memref<!tpu.dma_semaphore, #tpu.memory_space<semaphore_mem>>) src(%dma_wait3A_51 : memref<10240x16xf32, #tpu.memory_space<vmem_shared>>) dst(%dma_wait3A_46 : memref<128x16xf32, #tpu.memory_space<vmem>>)
    %barrier3A_52 = arith.constant 0 : index
    tpu.barrier barrier_id(%barrier3A_52)
    %mul3A_53 = arith.constant 640 : i32
    %mul3A_54 = arith.muli %arg1, %mul3A_53 : i32
    %mul3A_55 = arith.constant 640 : i32
    %mul3A_56 = arith.muli %arg1, %mul3A_55 : i32
    "tpu.region"() ({
      %run_scoped3A = tpu.sem_alloc : memref<!tpu.dma_semaphore, #tpu.memory_space<semaphore_mem>>
      %dma_start3A_57 = arith.constant 0 : i32
      %dma_start3A_58 = tpu.memref_slice %arg6[%arg0, %mul3A_56, %dma_start3A_57] : memref<2x10240x16xf32, #tpu.memory_space<hbm>> -> memref<1x640x16xf32, #tpu.memory_space<hbm>>
      %dma_start3A_59 = tpu.memref_squeeze %dma_start3A_58 : memref<1x640x16xf32, #tpu.memory_space<hbm>> -> memref<640x16xf32, #tpu.memory_space<hbm>>
      %dma_start3A_60 = arith.constant 0 : i32
      %dma_start3A_61 = tpu.memref_slice %arg11[%mul3A_54, %dma_start3A_60] : memref<10240x16xf32, #tpu.memory_space<vmem_shared>> -> memref<640x16xf32, #tpu.memory_space<vmem_shared>>
      tpu.enqueue_dma source(%dma_start3A_61 : memref<640x16xf32, #tpu.memory_space<vmem_shared>>) target(%dma_start3A_59 : memref<640x16xf32, #tpu.memory_space<hbm>>) target_semaphore(%run_scoped3A : memref<!tpu.dma_semaphore, #tpu.memory_space<semaphore_mem>>)
      %dma_wait3A_62 = arith.constant 0 : i32
      %dma_wait3A_63 = tpu.memref_slice %arg6[%arg0, %mul3A_56, %dma_wait3A_62] : memref<2x10240x16xf32, #tpu.memory_space<hbm>> -> memref<1x640x16xf32, #tpu.memory_space<hbm>>
      %dma_wait3A_64 = tpu.memref_squeeze %dma_wait3A_63 : memref<1x640x16xf32, #tpu.memory_space<hbm>> -> memref<640x16xf32, #tpu.memory_space<hbm>>
      %dma_wait3A_65 = arith.constant 0 : i32
      %dma_wait3A_66 = tpu.memref_slice %arg11[%mul3A_54, %dma_wait3A_65] : memref<10240x16xf32, #tpu.memory_space<vmem_shared>> -> memref<640x16xf32, #tpu.memory_space<vmem_shared>>
      tpu.wait_dma2 semaphore(%run_scoped3A : memref<!tpu.dma_semaphore, #tpu.memory_space<semaphore_mem>>) src(%dma_wait3A_66 : memref<640x16xf32, #tpu.memory_space<vmem_shared>>) dst(%dma_wait3A_64 : memref<640x16xf32, #tpu.memory_space<hbm>>)
      tpu.yield
    }) : () -> ()
    return
  }
}

module attributes {stable_mosaic.version = 14 : i64} {
  func.func @_prep_body(%arg0: memref<10240x16xf32, #tpu.memory_space<vmem>>, %arg1: memref<10240x16xf32, #tpu.memory_space<vmem>>, %arg2: memref<10240x128xf32, #tpu.memory_space<vmem>>, %arg3: memref<128x16xf32, #tpu.memory_space<vmem>>, %arg4: memref<10240x16xf32, #tpu.memory_space<vmem>>, %arg5: memref<10240x16xf32, #tpu.memory_space<vmem>>) attributes {dimension_semantics = [], scalar_prefetch = 0 : i64, scratch_operands = 0 : i64, tpu.core_type = #tpu.core_type<tc>} {
    %get3A = arith.constant 0 : index
    %get3A_0 = arith.constant 0 : index
    %get3A_1 = vector.load %arg0[%get3A, %get3A_0] : memref<10240x16xf32, #tpu.memory_space<vmem>>, vector<10240x16xf32>
    %get3A_2 = arith.constant 0 : index
    %get3A_3 = arith.constant 0 : index
    %get3A_4 = vector.load %arg1[%get3A_2, %get3A_3] : memref<10240x16xf32, #tpu.memory_space<vmem>>, vector<10240x16xf32>
    %add3A = arith.addf %get3A_1, %get3A_4 : vector<10240x16xf32>
    %add3A_5 = arith.constant 1.000000e+00 : f32
    %add3A_6 = vector.broadcast %add3A_5 : f32 to vector<10240x16xf32>
    %add3A_7 = arith.addf %add3A, %add3A_6 : vector<10240x16xf32>
    %rsqrt3A = math.rsqrt %add3A_7 : vector<10240x16xf32>
    %swap3A = arith.constant 0 : index
    %swap3A_8 = arith.constant 0 : index
    %swap3A_9 = vector.load %arg4[%swap3A, %swap3A_8] : memref<10240x16xf32, #tpu.memory_space<vmem>>, vector<10240x16xf32>
    tpu.vector_store %arg4[%swap3A, %swap3A_8], %rsqrt3A {strides = array<i32>} : memref<10240x16xf32, #tpu.memory_space<vmem>>, vector<10240x16xf32>,
    %get3A_10 = arith.constant 0 : index
    %get3A_11 = arith.constant 0 : index
    %get3A_12 = vector.load %arg2[%get3A_10, %get3A_11] : memref<10240x128xf32, #tpu.memory_space<vmem>>, vector<10240x128xf32>
    %get3A_13 = arith.constant 0 : index
    %get3A_14 = arith.constant 0 : index
    %get3A_15 = vector.load %arg3[%get3A_13, %get3A_14] : memref<128x16xf32, #tpu.memory_space<vmem>>, vector<128x16xf32>
    %dot_general3A = arith.constant dense<0.000000e+00> : vector<10240x16xf32>
    %dot_general3A_16 = tpu.matmul %get3A_12, %get3A_15, %dot_general3A {dimension_numbers = #tpu.dot_dimension_numbers<[1], [0], [0], [1], [0, 0, 1, 1], [], []>, transpose_lhs_hint = false} : vector<10240x128xf32>, vector<128x16xf32>, vector<10240x16xf32> -> vector<10240x16xf32>
    %mul3A = arith.mulf %rsqrt3A, %dot_general3A_16 : vector<10240x16xf32>
    %swap3A_17 = arith.constant 0 : index
    %swap3A_18 = arith.constant 0 : index
    %swap3A_19 = vector.load %arg5[%swap3A_17, %swap3A_18] : memref<10240x16xf32, #tpu.memory_space<vmem>>, vector<10240x16xf32>
    tpu.vector_store %arg5[%swap3A_17, %swap3A_18], %mul3A {strides = array<i32>} : memref<10240x16xf32, #tpu.memory_space<vmem>>, vector<10240x16xf32>,
    return
  }
}

module attributes {stable_mosaic.version = 14 : i64} {
  func.func @_mid1_body(%arg0: memref<10240x16xf32, #tpu.memory_space<vmem>>, %arg1: memref<10240x16xf32, #tpu.memory_space<vmem>>, %arg2: memref<10240x16xf32, #tpu.memory_space<vmem>>, %arg3: memref<10240x16xf32, #tpu.memory_space<vmem>>, %arg4: memref<1x16xf32, #tpu.memory_space<vmem>>, %arg5: memref<16x16xf32, #tpu.memory_space<vmem>>, %arg6: memref<10240x16xf32, #tpu.memory_space<vmem>>) attributes {dimension_semantics = [], scalar_prefetch = 0 : i64, scratch_operands = 0 : i64, tpu.core_type = #tpu.core_type<tc>} {
    %get3A = arith.constant 0 : index
    %get3A_0 = arith.constant 0 : index
    %get3A_1 = vector.load %arg3[%get3A, %get3A_0] : memref<10240x16xf32, #tpu.memory_space<vmem>>, vector<10240x16xf32>
    %get3A_2 = arith.constant 0 : index
    %get3A_3 = arith.constant 0 : index
    %get3A_4 = vector.load %arg0[%get3A_2, %get3A_3] : memref<10240x16xf32, #tpu.memory_space<vmem>>, vector<10240x16xf32>
    %get3A_5 = arith.constant 0 : index
    %get3A_6 = arith.constant 0 : index
    %get3A_7 = vector.load %arg1[%get3A_5, %get3A_6] : memref<10240x16xf32, #tpu.memory_space<vmem>>, vector<10240x16xf32>
    %add3A = arith.addf %get3A_4, %get3A_7 : vector<10240x16xf32>
    %get3A_8 = arith.constant 0 : index
    %get3A_9 = arith.constant 0 : index
    %get3A_10 = vector.load %arg2[%get3A_8, %get3A_9] : memref<10240x16xf32, #tpu.memory_space<vmem>>, vector<10240x16xf32>
    %add3A_11 = arith.addf %add3A, %get3A_10 : vector<10240x16xf32>
    %mul3A = arith.mulf %get3A_1, %add3A_11 : vector<10240x16xf32>
    %get3A_12 = arith.constant 0 : index
    %get3A_13 = arith.constant 0 : index
    %get3A_14 = vector.load %arg4[%get3A_12, %get3A_13] : memref<1x16xf32, #tpu.memory_space<vmem>>, vector<1x16xf32>
    %add3A_15 = vector.broadcast %get3A_14 : vector<1x16xf32> to vector<10240x16xf32>
    %add3A_16 = arith.addf %mul3A, %add3A_15 : vector<10240x16xf32>
    %max3A = arith.constant 0.000000e+00 : f32
    %max3A_17 = vector.broadcast %max3A : f32 to vector<10240x16xf32>
    %max3A_18 = arith.maximumf %add3A_16, %max3A_17 : vector<10240x16xf32>
    %get3A_19 = arith.constant 0 : index
    %get3A_20 = arith.constant 0 : index
    %get3A_21 = vector.load %arg5[%get3A_19, %get3A_20] : memref<16x16xf32, #tpu.memory_space<vmem>>, vector<16x16xf32>
    %dot_general3A = arith.constant dense<0.000000e+00> : vector<10240x16xf32>
    %dot_general3A_22 = tpu.matmul %max3A_18, %get3A_21, %dot_general3A {dimension_numbers = #tpu.dot_dimension_numbers<[1], [0], [0], [1], [0, 0, 1, 1], [], []>, transpose_lhs_hint = false} : vector<10240x16xf32>, vector<16x16xf32>, vector<10240x16xf32> -> vector<10240x16xf32>
    %mul3A_23 = arith.mulf %get3A_1, %dot_general3A_22 : vector<10240x16xf32>
    %swap3A = arith.constant 0 : index
    %swap3A_24 = arith.constant 0 : index
    %swap3A_25 = vector.load %arg6[%swap3A, %swap3A_24] : memref<10240x16xf32, #tpu.memory_space<vmem>>, vector<10240x16xf32>
    tpu.vector_store %arg6[%swap3A, %swap3A_24], %mul3A_23 {strides = array<i32>} : memref<10240x16xf32, #tpu.memory_space<vmem>>, vector<10240x16xf32>,
    return
  }
}

module attributes {stable_mosaic.version = 14 : i64} {
  func.func @_mid2_body(%arg0: memref<10240x16xf32, #tpu.memory_space<vmem>>, %arg1: memref<10240x16xf32, #tpu.memory_space<vmem>>, %arg2: memref<10240x16xf32, #tpu.memory_space<vmem>>, %arg3: memref<10240x16xf32, #tpu.memory_space<vmem>>, %arg4: memref<1x16xf32, #tpu.memory_space<vmem>>, %arg5: memref<16x8xf32, #tpu.memory_space<vmem>>, %arg6: memref<10240x8xf32, #tpu.memory_space<vmem>>) attributes {dimension_semantics = [], scalar_prefetch = 0 : i64, scratch_operands = 0 : i64, tpu.core_type = #tpu.core_type<tc>} {
    %get3A = arith.constant 0 : index
    %get3A_0 = arith.constant 0 : index
    %get3A_1 = vector.load %arg3[%get3A, %get3A_0] : memref<10240x16xf32, #tpu.memory_space<vmem>>, vector<10240x16xf32>
    %get3A_2 = arith.constant 0 : index
    %get3A_3 = arith.constant 0 : index
    %get3A_4 = vector.load %arg0[%get3A_2, %get3A_3] : memref<10240x16xf32, #tpu.memory_space<vmem>>, vector<10240x16xf32>
    %get3A_5 = arith.constant 0 : index
    %get3A_6 = arith.constant 0 : index
    %get3A_7 = vector.load %arg1[%get3A_5, %get3A_6] : memref<10240x16xf32, #tpu.memory_space<vmem>>, vector<10240x16xf32>
    %add3A = arith.addf %get3A_4, %get3A_7 : vector<10240x16xf32>
    %get3A_8 = arith.constant 0 : index
    %get3A_9 = arith.constant 0 : index
    %get3A_10 = vector.load %arg2[%get3A_8, %get3A_9] : memref<10240x16xf32, #tpu.memory_space<vmem>>, vector<10240x16xf32>
    %add3A_11 = arith.addf %add3A, %get3A_10 : vector<10240x16xf32>
    %mul3A = arith.mulf %get3A_1, %add3A_11 : vector<10240x16xf32>
    %get3A_12 = arith.constant 0 : index
    %get3A_13 = arith.constant 0 : index
    %get3A_14 = vector.load %arg4[%get3A_12, %get3A_13] : memref<1x16xf32, #tpu.memory_space<vmem>>, vector<1x16xf32>
    %add3A_15 = vector.broadcast %get3A_14 : vector<1x16xf32> to vector<10240x16xf32>
    %add3A_16 = arith.addf %mul3A, %add3A_15 : vector<10240x16xf32>
    %max3A = arith.constant 0.000000e+00 : f32
    %max3A_17 = vector.broadcast %max3A : f32 to vector<10240x16xf32>
    %max3A_18 = arith.maximumf %add3A_16, %max3A_17 : vector<10240x16xf32>
    %slice3A = vector.extract_strided_slice %get3A_1 {offsets = [0, 0], sizes = [10240, 8], strides = [1, 1]} : vector<10240x16xf32> to vector<10240x8xf32>
    %get3A_19 = arith.constant 0 : index
    %get3A_20 = arith.constant 0 : index
    %get3A_21 = vector.load %arg5[%get3A_19, %get3A_20] : memref<16x8xf32, #tpu.memory_space<vmem>>, vector<16x8xf32>
    %dot_general3A = arith.constant dense<0.000000e+00> : vector<10240x8xf32>
    %dot_general3A_22 = tpu.matmul %max3A_18, %get3A_21, %dot_general3A {dimension_numbers = #tpu.dot_dimension_numbers<[1], [0], [0], [1], [0, 0, 1, 1], [], []>, transpose_lhs_hint = false} : vector<10240x16xf32>, vector<16x8xf32>, vector<10240x8xf32> -> vector<10240x8xf32>
    %mul3A_23 = arith.mulf %slice3A, %dot_general3A_22 : vector<10240x8xf32>
    %swap3A = arith.constant 0 : index
    %swap3A_24 = arith.constant 0 : index
    %swap3A_25 = vector.load %arg6[%swap3A, %swap3A_24] : memref<10240x8xf32, #tpu.memory_space<vmem>>, vector<10240x8xf32>
    tpu.vector_store %arg6[%swap3A, %swap3A_24], %mul3A_23 {strides = array<i32>} : memref<10240x8xf32, #tpu.memory_space<vmem>>, vector<10240x8xf32>,
    return
  }
}

module attributes {stable_mosaic.version = 14 : i64} {
  func.func @_final_body(%arg0: memref<10240x8xf32, #tpu.memory_space<vmem>>, %arg1: memref<10240x8xf32, #tpu.memory_space<vmem>>, %arg2: memref<10240x8xf32, #tpu.memory_space<vmem>>, %arg3: memref<10240x16xf32, #tpu.memory_space<vmem>>, %arg4: memref<1x8xf32, #tpu.memory_space<vmem>>, %arg5: memref<10240x8xf32, #tpu.memory_space<vmem>>) attributes {dimension_semantics = [], scalar_prefetch = 0 : i64, scratch_operands = 0 : i64, tpu.core_type = #tpu.core_type<tc>} {
    %get3A = arith.constant 0 : index
    %get3A_0 = arith.constant 0 : index
    %get3A_1 = vector.load %arg3[%get3A, %get3A_0] : memref<10240x16xf32, #tpu.memory_space<vmem>>, vector<10240x16xf32>
    %slice3A = vector.extract_strided_slice %get3A_1 {offsets = [0, 0], sizes = [10240, 8], strides = [1, 1]} : vector<10240x16xf32> to vector<10240x8xf32>
    %get3A_2 = arith.constant 0 : index
    %get3A_3 = arith.constant 0 : index
    %get3A_4 = vector.load %arg0[%get3A_2, %get3A_3] : memref<10240x8xf32, #tpu.memory_space<vmem>>, vector<10240x8xf32>
    %get3A_5 = arith.constant 0 : index
    %get3A_6 = arith.constant 0 : index
    %get3A_7 = vector.load %arg1[%get3A_5, %get3A_6] : memref<10240x8xf32, #tpu.memory_space<vmem>>, vector<10240x8xf32>
    %add3A = arith.addf %get3A_4, %get3A_7 : vector<10240x8xf32>
    %get3A_8 = arith.constant 0 : index
    %get3A_9 = arith.constant 0 : index
    %get3A_10 = vector.load %arg2[%get3A_8, %get3A_9] : memref<10240x8xf32, #tpu.memory_space<vmem>>, vector<10240x8xf32>
    %add3A_11 = arith.addf %add3A, %get3A_10 : vector<10240x8xf32>
    %mul3A = arith.mulf %slice3A, %add3A_11 : vector<10240x8xf32>
    %get3A_12 = arith.constant 0 : index
    %get3A_13 = arith.constant 0 : index
    %get3A_14 = vector.load %arg4[%get3A_12, %get3A_13] : memref<1x8xf32, #tpu.memory_space<vmem>>, vector<1x8xf32>
    %add3A_15 = vector.broadcast %get3A_14 : vector<1x8xf32> to vector<10240x8xf32>
    %add3A_16 = arith.addf %mul3A, %add3A_15 : vector<10240x8xf32>
    %iota3A = tpu.iota {dimensions = array<i32: 1>} : vector<10240x8xi32>
    %lt3A = arith.constant 6 : i32
    %lt3A_17 = vector.broadcast %lt3A : i32 to vector<10240x8xi32>
    %lt3A_18 = arith.cmpi slt, %iota3A, %lt3A_17 : vector<10240x8xi32>
    %jit3A = arith.constant -1.000000e+30 : f32
    %broadcast_in_dim3A = vector.broadcast %jit3A : f32 to vector<10240x8xf32>
    %select_n3A = arith.select %lt3A_18, %add3A_16, %broadcast_in_dim3A : vector<10240x8xi1>, vector<10240x8xf32>
    %reduce_max3A = arith.constant dense<0xFF800000> : vector<10240xf32>
    %reduce_max3A_19 = vector.multi_reduction <maximumf>, %select_n3A, %reduce_max3A [1] : vector<10240x8xf32> to vector<10240xf32>
    %broadcast_in_dim3A_20 = vector.shape_cast %reduce_max3A_19 : vector<10240xf32> to vector<10240x1xf32>
    %sub3A = vector.broadcast %broadcast_in_dim3A_20 : vector<10240x1xf32> to vector<10240x8xf32>
    %sub3A_21 = arith.subf %select_n3A, %sub3A : vector<10240x8xf32>
    %exp3A = math.exp %sub3A_21 : vector<10240x8xf32>
    %jit3A_22 = arith.constant 0.000000e+00 : f32
    %broadcast_in_dim3A_23 = vector.broadcast %jit3A_22 : f32 to vector<10240x8xf32>
    %select_n3A_24 = arith.select %lt3A_18, %exp3A, %broadcast_in_dim3A_23 : vector<10240x8xi1>, vector<10240x8xf32>
    %reduce_sum3A = arith.constant dense<0.000000e+00> : vector<10240xf32>
    %reduce_sum3A_25 = vector.multi_reduction <add>, %select_n3A_24, %reduce_sum3A [1] : vector<10240x8xf32> to vector<10240xf32>
    %broadcast_in_dim3A_26 = vector.shape_cast %reduce_sum3A_25 : vector<10240xf32> to vector<10240x1xf32>
    %div3A = vector.broadcast %broadcast_in_dim3A_26 : vector<10240x1xf32> to vector<10240x8xf32>
    %div3A_27 = arith.divf %select_n3A_24, %div3A : vector<10240x8xf32>
    %exp3A_28 = math.exp %div3A_27 : vector<10240x8xf32>
    %jit3A_29 = arith.constant 0.000000e+00 : f32
    %broadcast_in_dim3A_30 = vector.broadcast %jit3A_29 : f32 to vector<10240x8xf32>
    %select_n3A_31 = arith.select %lt3A_18, %exp3A_28, %broadcast_in_dim3A_30 : vector<10240x8xi1>, vector<10240x8xf32>
    %reduce_sum3A_32 = arith.constant dense<0.000000e+00> : vector<10240xf32>
    %reduce_sum3A_33 = vector.multi_reduction <add>, %select_n3A_31, %reduce_sum3A_32 [1] : vector<10240x8xf32> to vector<10240xf32>
    %broadcast_in_dim3A_34 = vector.shape_cast %reduce_sum3A_33 : vector<10240xf32> to vector<10240x1xf32>
    %log3A = math.log %broadcast_in_dim3A_34 : vector<10240x1xf32>
    %sub3A_35 = vector.broadcast %log3A : vector<10240x1xf32> to vector<10240x8xf32>
    %sub3A_36 = arith.subf %div3A_27, %sub3A_35 : vector<10240x8xf32>
    %swap3A = arith.constant 0 : index
    %swap3A_37 = arith.constant 0 : index
    %swap3A_38 = vector.load %arg5[%swap3A, %swap3A_37] : memref<10240x8xf32, #tpu.memory_space<vmem>>, vector<10240x8xf32>
    tpu.vector_store %arg5[%swap3A, %swap3A_37], %sub3A_36 {strides = array<i32>} : memref<10240x8xf32, #tpu.memory_space<vmem>>, vector<10240x8xf32>,
    return
  }
}

</mosaic_0001>

<sc_bundles>
// kernel: kernel.10.cloned.1.call-start
scs
__scs_entry_jumppad:
0x0: {  	(pc) =	sbr.rel $0x88, $3  }
0x1: {  	(tag) =	ssettag $0x0;
	lr =	simm.s32 $0x1  }
0x2: {  	[smem:$0x3F99] =	sst lr;
	_ =	strace $0xD0000000  }
0x3: {  	_ = 	snop  }
0x4: {  	_ = 	snop  }
0x5: {  	_ = 	snop  }
0x6: {  	_ = 	snop  }
0x7: {  	_ = 	snop  }
__scs_overlays_trampoline_lowered:
0x8: {  	[smem:$0x3FA8] =	sst s0  }
0x9: {  	[smem:$0x3FA9] =	sst s1  }
0xa: {  	[smem:$0x3FAA] =	sst s2  }
0xb: {  	[smem:$0x3FAB] =	sst s3  }
0xc: {  	[smem:$0x3FAC] =	sst s4  }
0xd: {  	[smem:$0x3FAD] =	sst s5  }
0xe: {  	[smem:$0x3FAE] =	sst s6  }
0xf: {  	[smem:$0x3FAF] =	sst s7  }
0x10: {  	[smem:$0x3FB0] =	sst s8  }
0x11: {  	[smem:$0x3FB1] =	sst s9;
	s0 =	simm.s32 @!p0 $0x0  }
0x12: {  	s1 =	sld [smem:$0x3F97];
	s0 =	simm.s32 @p0 $0x1  }
0x13: {  	[smem:$0x3FB2] =	sst s0;
	s0 =	simm.s32 @!p1 $0x0  }
0x14: {  	s2 =	sld [smem:$0x3F96];
	s0 =	simm.s32 @p1 $0x1  }
0x15: {  	[smem:$0x3FB3] =	sst s0;
	s0 =	simm.s32 @!p2 $0x0  }
0x16: {  	s3 =	sld [smem:$0x3FDB];
	s0 =	simm.s32 @p2 $0x1  }
0x17: {  	s4 =	simm.s32 $0x1BF5;
	[smem:$0x3FB5] =	sst s0  }
0x18: {  	s0 =	sld [smem:$0x3F98];
	_ =	swait.ge [sflag:s4], $0x0  }
0x19: {  	s7 =	sld [smem:$0x3F99]  }
0x1a: {  	s8 =	sadd.s32 $0xFFFFE003, lr  }
0x1b: {  	s9 =	sadd.s32 $0xFFFFFEF7, lr;
	s5 =	simm.s32 $0xFFFFFFFF;
	p2 =	slt.u32 s8, $0xFFFFF086  }
0x1c: {  	p1 =	slt.u32 s9, $0xF7A;
	s5 =	simm.s32 @!p2 $0x0  }
0x1d: {  	s5 =	simm.s32 @p1 $0x1;
	p0 =	seq.s32 s7, s2  }
0x1e: {  	s7 =	smul.u32 @!p0 $0xF7A, s2;
	p2 =	seq.s32 @!p0 s5, $0x0  }
0x1f: {  	s9 =	smul.u32 $0xF7A, s1;
	s8 =	simm.s32 @!p0 $0x1BF5;
	p2 =	por !p2, p0  }
0x20: {  	[sflag:s8] =	ssyncset.s32 @!p0 $0xFFFFF086;
	s6 =	sadd.s32 @!p0 s3, s7;
	s7 =	simm.s32 @!p0 $0x108  }
0x21: {  	s3 =	sadd.s32 s3, s9;
	s6 =	sadd.s32 @!p0 $0x88, s6;
	s7 =	simm.s32 @p2 $0x1082  }
0x22: {  	[simem:s7], [sflag:s8] =	dma.local @!p0 [hbm:s6], $0xF7A  }
0x23: {  	s9 =	sor.u32 $0xD0000000, s2;
	s6 =	simm.s32 $0x108;
	_ =	swait.ge @!p0 [sflag:s8], $0x0  }
0x24: {  	s3 =	sadd.s32 $0x88, s3;
	s6 =	simm.s32 @!p1 $0x1082;
	[sflag:s4] =	ssyncset.s32 $0xFFFFF086  }
0x25: {  	[simem:s6], [sflag:s4] =	dma.local [hbm:s3], $0xF7A  }
0x26: {  	[smem:$0x3F99] =	sst s1;
	(tag) =	ssettag s2;
	_ =	strace s9  }
0x27: {  	s1 =	sld [smem:$0x3FA9]  }
0x28: {  	s2 =	sld [smem:$0x3FAA]  }
0x29: {  	s4 =	sld [smem:$0x3FAC]  }
0x2a: {  	p0 =	seq.s32 s5, $0x0;
	s5 =	sld [smem:$0x3FAD]  }
0x2b: {  	s6 =	sld [smem:$0x3FAE]  }
0x2c: {  	s7 =	sld [smem:$0x3FAF]  }
0x2d: {  	s3 =	simm.s32 $0x108;
	s8 =	sld [smem:$0x3FB0]  }
0x2e: {  	s3 =	simm.s32 @!p0 $0x1082;
	s9 =	sld [smem:$0x3FB1]  }
0x2f: {  	lr =	sadd.s32 s0, s3;
	s0 =	sld [smem:$0x3FA8]  }
0x30: {  	s3 =	sld [smem:$0x3FAB]  }
0x31: {  	[smem:$0x3FB4] =	sst s10  }
0x32: {  	s10 =	sld [smem:$0x3FB2];
	_ =	sdelay $0x3  }
0x33: {  	p0 =	seq.s32 s10, $0x1;
	s10 =	sld [smem:$0x3FB4];
	_ =	sdelay $0x3  }
0x34: {  	[smem:$0x3FB4] =	sst s10  }
0x35: {  	s10 =	sld [smem:$0x3FB3];
	_ =	sdelay $0x3  }
0x36: {  	p1 =	seq.s32 s10, $0x1;
	s10 =	sld [smem:$0x3FB4];
	_ =	sdelay $0x3  }
0x37: {  	[smem:$0x3FB4] =	sst s10  }
0x38: {  	s10 =	sld [smem:$0x3FB5]  }
0x39: {  	_ = 	snop;
	(pc) =	sbr.ind lr, $3  }
0x3a: {  	_ = 	snop  }
0x3b: {  	_ = 	snop  }
0x3c: {  	p2 =	seq.s32 s10, $0x1;
	s10 =	sld [smem:$0x3FB4]  }
0x3d: {  	_ =	shalt  }
0x3e: {  	_ =	shalt  }
0x3f: {  	_ =	shalt  }
0x40: {  	_ =	shalt  }
0x41: {  	_ =	shalt  }
0x42: {  	_ =	shalt  }
0x43: {  	_ =	shalt  }
0x44: {  	_ =	shalt  }
0x45: {  	_ =	shalt  }
0x46: {  	_ =	shalt  }
0x47: {  	_ =	shalt  }
0x48: {  	_ =	shalt  }
0x49: {  	_ =	shalt  }
0x4a: {  	_ =	shalt  }
0x4b: {  	_ =	shalt  }
0x4c: {  	_ =	shalt  }
0x4d: {  	_ =	shalt  }
0x4e: {  	_ =	shalt  }
0x4f: {  	_ =	shalt  }
0x50: {  	_ =	shalt  }
0x51: {  	_ =	shalt  }
0x52: {  	_ =	shalt  }
0x53: {  	_ =	shalt  }
0x54: {  	_ =	shalt  }
0x55: {  	_ =	shalt  }
0x56: {  	_ =	shalt  }
0x57: {  	_ =	shalt  }
0x58: {  	_ =	shalt  }
0x59: {  	_ =	shalt  }
0x5a: {  	_ =	shalt  }
0x5b: {  	_ =	shalt  }
0x5c: {  	_ =	shalt  }
0x5d: {  	_ =	shalt  }
0x5e: {  	_ =	shalt  }
0x5f: {  	_ =	shalt  }
0x60: {  	_ =	shalt  }
0x61: {  	_ =	shalt  }
0x62: {  	_ =	shalt  }
0x63: {  	_ =	shalt  }
0x64: {  	_ =	shalt  }
0x65: {  	_ =	shalt  }
0x66: {  	_ =	shalt  }
0x67: {  	_ =	shalt  }
0x68: {  	_ =	shalt  }
0x69: {  	_ =	shalt  }
0x6a: {  	_ =	shalt  }
0x6b: {  	_ =	shalt  }
0x6c: {  	_ =	shalt  }
0x6d: {  	_ =	shalt  }
0x6e: {  	_ =	shalt  }
0x6f: {  	_ =	shalt  }
0x70: {  	_ =	shalt  }
0x71: {  	_ =	shalt  }
0x72: {  	_ =	shalt  }
0x73: {  	_ =	shalt  }
0x74: {  	_ =	shalt  }
0x75: {  	_ =	shalt  }
0x76: {  	_ =	shalt  }
0x77: {  	_ =	shalt  }
0x78: {  	_ =	shalt  }
0x79: {  	_ =	shalt  }
0x7a: {  	_ =	shalt  }
0x7b: {  	_ =	shalt  }
0x7c: {  	_ =	shalt  }
0x7d: {  	_ =	shalt  }
0x7e: {  	_ =	shalt  }
0x7f: {  	_ =	shalt  }
0x80: {  	_ =	shalt  }
0x81: {  	_ =	shalt  }
0x82: {  	_ =	shalt  }
0x83: {  	_ =	shalt  }
0x84: {  	_ =	shalt  }
0x85: {  	_ =	shalt  }
0x86: {  	_ =	shalt  }
0x87: {  	_ =	shalt  }
.Lfunc_end0:
.L_simem_size_0:
called_computation_lowered:
.L_overlay_start_0:
0x88: {  	s2 =	sld [smem:$0x3FD9]  }
0x89: {  	s3 =	sld [smem:$0x3FFE];
	_ =	sdelay $0x1  }
0x8a: {  	s1 =	srdreg.scid  }
0x8b: {  	s0 =	sand.u32 $0x1, s1  }
0x8c: {  	s17 =	sshll.u32 s0, $0xA;
	s2 =	sadd.s32 s3, s2  }
0x8d: {  	s2 =	sadd.s32 s2, s17  }
0x8e: {  	[smem:$0x3FC0] =	sst s2  }
0x8f: {  	_ = 	snop  }
0x90: {  	s2 =	sld [smem:$0x3FD0];
	(tm) =	ssettm $0x1  }
0x91: {  	s18 =	sld [smem:$0x3FFB];
	_ =	sdelay $0x3  }
0x92: {  	_ =	strace s18  }
0x93: {  	s3 =	sld [smem:$0x3FFC];
	_ =	sdelay $0x3  }
0x94: {  	_ =	strace s3  }
0x95: {  	s3 =	sld [smem:$0x3FFD];
	_ =	sdelay $0x3  }
0x96: {  	_ =	strace s3  }
0x97: {  	_ =	strace $0x8FFFFFFF  }
0x98: {  	s19 =	sld [smem:$0x3FDB];
	_ =	sdelay $0x1  }
0x99: {  	s4 =	simm.s32 $_scs_section_size  }
0x9a: {  	s5 =	simm.s32 $_size__tile_overlayer_lowered;
	s6 =	simm.s32 $_tile_overlayer_lowered  }
0x9b: {  	s22 =	simm.s32 $0x1BFF;
	s21 =	sshll.u32 s6, $0x1;
	s3 =	sadd.s32 s4, s19  }
0x9c: {  	s7 =	simm.s32 $0x0;
	s20 =	sshll.u32 s5, $0x1;
	s5 =	sadd.s32 s21, s3  }
0x9d: {  	[timem:s7], [sflag:s22] =	dma.local [hbm:s5], s20  }
0x9e: {  	_ =	swait.ge [sflag:s22], s20  }
0x9f: {  	s4 =	ssub.s32 $0x0, s20;
	[sflag:s22] =	ssyncset.done $0x0  }
0xa0: {  	[sflag:s22] =	ssyncadd.s32 s4;
	_ =	sdelay $0x1  }
0xa1: {  	s23 =	simm.s32 $0x1B8B  }
0xa2: {  	_ =	swait.ge [sflag:s23], $0x1  }
0xa3: {  	[sflag:s23] =	ssyncset.done $0x0  }
0xa4: {  	s25 =	simm.s32 $0x1B8E;
	s24 =	sld [smem:$0x3FFE];
	[sflag:s23] =	ssyncadd.s32 $0xFFFFFFFF  }
0xa5: {  	s26 =	simm.s32 $execute0_lowered;
	[smem:$0x3FD2] =	sst s25  }
0xa6: {  	s5 =	sshll.u32 s26, $0x1;
	_ =	strace $0x80000046;
	[dreg:$0x1] =	wrdreg $0xFFFFFFFF  }
0xa7: {  	s28 =	simm.s32 $_size_execute0_lowered;
	s3 =	sadd.s32 s3, s5;
	[dreg:$0x0] =	wrdreg $0x0  }
0xa8: {  	s5 =	sshll.u32 s28, $0x1;
	[dreg:$0x2] =	wrdreg s3  }
0xa9: {  	[dreg:$0x3] =	wrdreg s5  }
0xaa: {  	[dreg:$0x4] =	wrdreg $0xC0  }
0xab: {  	_ =	task [dreg:s7], $0x5FFFF  }
0xac: {  	[dreg:$0x1] =	wrdreg $0xFFFFFFFF  }
0xad: {  	[dreg:$0x0] =	wrdreg $0x60  }
0xae: {  	[dreg:$0x2] =	wrdreg s24  }
0xaf: {  	[dreg:$0x3] =	wrdreg s2  }
0xb0: {  	[dreg:$0x4] =	wrdreg $0x30000  }
0xb1: {  	[dreg:$0x5] =	wrdreg $0x9  }
0xb2: {  	_ =	task.clear_ibuf [dreg:s7], $0x6FFFF;
	_ =	strace $0x90000046  }
0xb3: {  	s29 =	simm.s32 $0x9;
	_ =	strace $0x80000048  }
0xb4: {  	_ =	swait.ge [sflag:s29], $0x1  }
0xb5: {  	[sflag:s29] =	ssyncadd.s32 $0xFFFFFFFF  }
0xb6: {  	_ =	strace $0x90000048  }
0xb7: {  	_ =	sfence  }
0xb8: {  	s30 =	sld [smem:$0x0];
	_ =	sdelay $0x2  }
0xb9: {  	s31 =	sshll.u32 s1, $0xD;
	s1 =	sshrl.u32 s1, $0x2  }
0xba: {  	s3 =	sand.u32 $0x4000, s31;
	s1 =	sadd.s32 s1, s30  }
0xbb: {  	s0 =	sor.u32 s3, s0;
	s1 =	sshll.u32 s1, $0x11  }
0xbc: {  	s0 =	sor.u32 s1, s0  }
0xbd: {  	s0 =	sadd.s32 $0x8F2B, s0  }
0xbe: {  	[sflag:s0] =	ssyncadd.remote.s32 $0x1  }
0xbf: {  	_ =	sfence.sel $0xFFFF  }
0xc0: {  	[dreg:$0x0] =	wrdreg $0xFFFFFFFF;
	(pc) =	sbr.abs _section_cstart, $3  }
0xc1: {  	[dreg:$0x1] =	wrdreg $0xFFFFFFFF  }
0xc2: {  	_ =	task.clear_ibuf [dreg:s7], $0x2FFFF;
	_ =	strace $0x9FFFFFFF  }
0xc3: {  	(tm) =	ssettm $0x7FFFFFFF  }
tec
execute0_lowered:
.L_overlay_start_1:
0x0: {  	(tag) =	ssettag $0x1  }
0x1: {  	s6 =	rddreg [dreg:$0x0]  }
0x2: {  	s2 =	rddreg [dreg:$0x1];
	s0 =	srdreg.scid  }
0x3: {  	s3 =	rddreg [dreg:$0x2];
	s1 =	stileid.u32  }
0x4: {  	s4 =	simm.s32 $0x0;
	s14 =	simm.s32 $0x1;
	s15 =	simm.s32 $0x0  }
0x5: {  	s7 =	sand.u32 $0x1, s0;
	s0 =	rddreg [dreg:$0x3];
	s8 =	smul.u32 $0x2800, s1  }
0x6: {  	[smem:$0x7FF] =	sst s4;
	s11 =	sshll.u32 s1, $0x6;
	s5 =	sshll.u32 s7, $0x4  }
0x7: {  	s9 =	smul.u32 $0x28000, s7;
	s7 =	ssub.s32 $0x2, s7;
	s5 =	sor.u32 s1, s5  }
0x8: {  	_ =	strace $0x80000047;
	s31 =	sshrl.u32 s7, $0x1;
	s10 =	smul.u32 $0x500, s5  }
0x9: {  	s13 =	sadd.s32 s8, s3;
	s5 =	sadd.s32 $0xC800, s6;
	s9 =	sadd.s32 s8, s9  }
0xa: {  	s12 =	ssub.s32 s7, s31;
	s9 =	sshrl.u32 s9, $0x3;
	s10 =	sadd.s32 s10, s6  }
0xb: {  	s9 =	sadd.s32 s9, s6;
	s6 =	sor.u32 $0x1C02, s11;
	s11 =	simm.s32 $0x2  }
0xc: {  	s7 =	sadd.s32 $0x2800, s10;
	s8 =	sadd.s32 $0xCA00, s9;
	s9 =	smax.u32 s12, $0x1  }
0xd: {  	s10 =	sshrl.u32 s13, $0x3;
	s12 =	simm.s32 $0x2800;
	s13 =	simm.s32 $0x80  }
.LBB2_1:
0xe: {  	[spmem:s10], [sflag:s6] =	dma.local [hbm:s2], $0x500  }
0xf: {  	_ =	swait.ge [sflag:s11], $0x500  }
0x10: {  	[sflag:s11] =	ssyncset.done $0x0  }
0x11: {  	[sflag:s11] =	ssyncadd.s32 $0xFFFFFB00  }
0x12: {  	[tilespmem:s4], [sflag:$0x2] =	stream.linear.gather [hbm4b:s7+s4], $0x2800, $0x38;
	[tilespmem:$0x5800] =	vst v63  }
0x13: {  	_ =	swait.ge [sflag:s11], $0x2800  }
0x14: {  	[sflag:s11] =	ssyncset.done $0x0  }
0x15: {  	[sflag:s11] =	ssyncadd.s32 $0xFFFFD800  }
0x16: {  	[tilespmem:s12], [sflag:$0x2] =	stream.linear.gather [hbm4b:s5+s4], $0x800, $0x38;
	[tilespmem:$0x5800] =	vst v63  }
0x17: {  	_ =	swait.ge [sflag:s11], $0x800  }
0x18: {  	[sflag:s11] =	ssyncset.done $0x0  }
0x19: {  	[sflag:s11] =	ssyncadd.s32 $0xFFFFF800  }
0x1a: {  	s16 =	simm.s32 $0x0;
	[bflag:$0x0] =	sbarrier.arrive $0xFFFF  }
0x1b: {  	[spmem:s3] =	stream.indirect.scatter.add.f32 [tilespmem:s12], [sflag:$0x1], $0x10, s16, s13, $0xb8;
	[tilespmem:$0x5800] =	vst v63  }
0x1c: {  	s24 =	simm.s32 $0x80  }
0x1d: {  	[spmem:s3] =	stream.indirect.scatter.add.f32 [tilespmem:s12], [sflag:$0x1], $0x10, s24, s13, $0xb8;
	[tilespmem:$0x5800] =	vst v63  }
0x1e: {  	s25 =	simm.s32 $0x100  }
0x1f: {  	[spmem:s3] =	stream.indirect.scatter.add.f32 [tilespmem:s12], [sflag:$0x1], $0x10, s25, s13, $0xb8;
	[tilespmem:$0x5800] =	vst v63  }
0x20: {  	s26 =	simm.s32 $0x180  }
0x21: {  	[spmem:s3] =	stream.indirect.scatter.add.f32 [tilespmem:s12], [sflag:$0x1], $0x10, s26, s13, $0xb8;
	[tilespmem:$0x5800] =	vst v63  }
0x22: {  	s28 =	simm.s32 $0x200  }
0x23: {  	[spmem:s3] =	stream.indirect.scatter.add.f32 [tilespmem:s12], [sflag:$0x1], $0x10, s28, s13, $0xb8;
	[tilespmem:$0x5800] =	vst v63  }
0x24: {  	s29 =	simm.s32 $0x280  }
0x25: {  	[spmem:s3] =	stream.indirect.scatter.add.f32 [tilespmem:s12], [sflag:$0x1], $0x10, s29, s13, $0xb8;
	[tilespmem:$0x5800] =	vst v63  }
0x26: {  	s30 =	simm.s32 $0x300  }
0x27: {  	[spmem:s3] =	stream.indirect.scatter.add.f32 [tilespmem:s12], [sflag:$0x1], $0x10, s30, s13, $0xb8;
	[tilespmem:$0x5800] =	vst v63  }
0x28: {  	s31 =	simm.s32 $0x380  }
0x29: {  	[spmem:s3] =	stream.indirect.scatter.add.f32 [tilespmem:s12], [sflag:$0x1], $0x10, s31, s13, $0xb8;
	[tilespmem:$0x5800] =	vst v63  }
0x2a: {  	_ =	swait.ge [sflag:s14], $0x800  }
0x2b: {  	[sflag:s14] =	ssyncset.done $0x0  }
0x2c: {  	[sflag:s14] =	ssyncadd.s32 $0xFFFFF800  }
0x2d: {  	_ =	swait.ge [sflag:s14], $0x800  }
0x2e: {  	[sflag:s14] =	ssyncset.done $0x0  }
0x2f: {  	[sflag:s14] =	ssyncadd.s32 $0xFFFFF800  }
0x30: {  	_ =	swait.ge [sflag:s14], $0x800  }
0x31: {  	[sflag:s14] =	ssyncset.done $0x0  }
0x32: {  	[sflag:s14] =	ssyncadd.s32 $0xFFFFF800  }
0x33: {  	_ =	swait.ge [sflag:s14], $0x800  }
0x34: {  	[sflag:s14] =	ssyncset.done $0x0  }
0x35: {  	[sflag:s14] =	ssyncadd.s32 $0xFFFFF800  }
0x36: {  	_ =	swait.ge [sflag:s14], $0x800  }
0x37: {  	[sflag:s14] =	ssyncset.done $0x0  }
0x38: {  	[sflag:s14] =	ssyncadd.s32 $0xFFFFF800  }
0x39: {  	_ =	swait.ge [sflag:s14], $0x800  }
0x3a: {  	[sflag:s14] =	ssyncset.done $0x0  }
0x3b: {  	[sflag:s14] =	ssyncadd.s32 $0xFFFFF800  }
0x3c: {  	_ =	swait.ge [sflag:s14], $0x800  }
0x3d: {  	[sflag:s14] =	ssyncset.done $0x0  }
0x3e: {  	[sflag:s14] =	ssyncadd.s32 $0xFFFFF800  }
0x3f: {  	_ =	swait.ge [sflag:s14], $0x800  }
0x40: {  	s18 =	simm.s32 $0x2000;
	s16 =	simm.s32 $0x1000;
	[sflag:s14] =	ssyncset.done $0x0  }
.LBB2_2:
0x41: {  	s19 =	sshra.s32 s16, $0x2  }
0x42: {  	[sflag:s14] =	ssyncadd.s32 $0xFFFFF800;
	s16 =	smov.u32 s18;
	s17 =	sadd.s32 $0x1000, s18  }
0x43: {  	[spmem:s3] =	stream.indirect.scatter.add.f32 [tilespmem:s12], [sflag:$0x1], $0x10, s19, s13, $0xb8;
	[tilespmem:$0x5800] =	vst v63  }
0x44: {  	p0 =	sne.s32 s18, $0x9000;
	s18 =	sadd.s32 $0x80, s19  }
0x45: {  	[spmem:s3] =	stream.indirect.scatter.add.f32 [tilespmem:s12], [sflag:$0x1], $0x10, s18, s13, $0xb8;
	[tilespmem:$0x5800] =	vst v63  }
0x46: {  	s18 =	sadd.s32 $0x100, s19  }
0x47: {  	[spmem:s3] =	stream.indirect.scatter.add.f32 [tilespmem:s12], [sflag:$0x1], $0x10, s18, s13, $0xb8;
	[tilespmem:$0x5800] =	vst v63  }
0x48: {  	s18 =	sadd.s32 $0x180, s19  }
0x49: {  	[spmem:s3] =	stream.indirect.scatter.add.f32 [tilespmem:s12], [sflag:$0x1], $0x10, s18, s13, $0xb8;
	[tilespmem:$0x5800] =	vst v63  }
0x4a: {  	s18 =	sadd.s32 $0x200, s19  }
0x4b: {  	[spmem:s3] =	stream.indirect.scatter.add.f32 [tilespmem:s12], [sflag:$0x1], $0x10, s18, s13, $0xb8;
	[tilespmem:$0x5800] =	vst v63  }
0x4c: {  	s18 =	sadd.s32 $0x280, s19  }
0x4d: {  	[spmem:s3] =	stream.indirect.scatter.add.f32 [tilespmem:s12], [sflag:$0x1], $0x10, s18, s13, $0xb8;
	[tilespmem:$0x5800] =	vst v63  }
0x4e: {  	s18 =	sadd.s32 $0x300, s19  }
0x4f: {  	[spmem:s3] =	stream.indirect.scatter.add.f32 [tilespmem:s12], [sflag:$0x1], $0x10, s18, s13, $0xb8;
	[tilespmem:$0x5800] =	vst v63  }
0x50: {  	s18 =	sadd.s32 $0x380, s19  }
0x51: {  	[spmem:s3] =	stream.indirect.scatter.add.f32 [tilespmem:s12], [sflag:$0x1], $0x10, s18, s13, $0xb8;
	[tilespmem:$0x5800] =	vst v63  }
0x52: {  	_ =	swait.ge [sflag:s14], $0x800  }
0x53: {  	[sflag:s14] =	ssyncset.done $0x0  }
0x54: {  	[sflag:s14] =	ssyncadd.s32 $0xFFFFF800  }
0x55: {  	_ =	swait.ge [sflag:s14], $0x800  }
0x56: {  	[sflag:s14] =	ssyncset.done $0x0  }
0x57: {  	[sflag:s14] =	ssyncadd.s32 $0xFFFFF800  }
0x58: {  	_ =	swait.ge [sflag:s14], $0x800  }
0x59: {  	[sflag:s14] =	ssyncset.done $0x0  }
0x5a: {  	[sflag:s14] =	ssyncadd.s32 $0xFFFFF800  }
0x5b: {  	_ =	swait.ge [sflag:s14], $0x800  }
0x5c: {  	[sflag:s14] =	ssyncset.done $0x0  }
0x5d: {  	[sflag:s14] =	ssyncadd.s32 $0xFFFFF800  }
0x5e: {  	_ =	swait.ge [sflag:s14], $0x800  }
0x5f: {  	[sflag:s14] =	ssyncset.done $0x0  }
0x60: {  	[sflag:s14] =	ssyncadd.s32 $0xFFFFF800  }
0x61: {  	_ =	swait.ge [sflag:s14], $0x800  }
0x62: {  	[sflag:s14] =	ssyncset.done $0x0  }
0x63: {  	[sflag:s14] =	ssyncadd.s32 $0xFFFFF800  }
.Ltmp0:
0x64: {  	_ =	swait.ge [sflag:s14], $0x800;
	(pc) =	sbr.rel @p0 .LBB2_2-.Ltmp0, $4  }
0x65: {  	[sflag:s14] =	ssyncset.done $0x0  }
0x66: {  	[sflag:s14] =	ssyncadd.s32 $0xFFFFF800  }
0x67: {  	_ =	swait.ge [sflag:s14], $0x800  }
0x68: {  	s18 =	smov.u32 s17;
	[sflag:s14] =	ssyncset.done $0x0  }
0x69: {  	s16 =	sshra.s32 s16, $0x2;
	[sflag:s14] =	ssyncadd.s32 $0xFFFFF800  }
0x6a: {  	[spmem:s3] =	stream.indirect.scatter.add.f32 [tilespmem:s12], [sflag:$0x1], $0x10, s16, s13, $0xb8;
	[tilespmem:$0x5800] =	vst v63  }
0x6b: {  	s17 =	sadd.s32 $0x80, s16  }
0x6c: {  	[spmem:s3] =	stream.indirect.scatter.add.f32 [tilespmem:s12], [sflag:$0x1], $0x10, s17, s13, $0xb8;
	[tilespmem:$0x5800] =	vst v63  }
0x6d: {  	s26 =	sadd.s32 $0x100, s16  }
0x6e: {  	[spmem:s3] =	stream.indirect.scatter.add.f32 [tilespmem:s12], [sflag:$0x1], $0x10, s26, s13, $0xb8;
	[tilespmem:$0x5800] =	vst v63  }
0x6f: {  	s28 =	sadd.s32 $0x180, s16  }
0x70: {  	[spmem:s3] =	stream.indirect.scatter.add.f32 [tilespmem:s12], [sflag:$0x1], $0x10, s28, s13, $0xb8;
	[tilespmem:$0x5800] =	vst v63  }
0x71: {  	s29 =	sadd.s32 $0x200, s16  }
0x72: {  	[spmem:s3] =	stream.indirect.scatter.add.f32 [tilespmem:s12], [sflag:$0x1], $0x10, s29, s13, $0xb8;
	[tilespmem:$0x5800] =	vst v63  }
0x73: {  	s30 =	sadd.s32 $0x280, s16  }
0x74: {  	[spmem:s3] =	stream.indirect.scatter.add.f32 [tilespmem:s12], [sflag:$0x1], $0x10, s30, s13, $0xb8;
	[tilespmem:$0x5800] =	vst v63  }
0x75: {  	s31 =	sadd.s32 $0x300, s16  }
0x76: {  	[spmem:s3] =	stream.indirect.scatter.add.f32 [tilespmem:s12], [sflag:$0x1], $0x10, s31, s13, $0xb8;
	[tilespmem:$0x5800] =	vst v63  }
0x77: {  	s16 =	sadd.s32 $0x380, s16  }
0x78: {  	[spmem:s3] =	stream.indirect.scatter.add.f32 [tilespmem:s12], [sflag:$0x1], $0x10, s16, s13, $0xb8;
	[tilespmem:$0x5800] =	vst v63  }
0x79: {  	_ =	swait.ge [sflag:s14], $0x800  }
0x7a: {  	[sflag:s14] =	ssyncset.done $0x0  }
0x7b: {  	[sflag:s14] =	ssyncadd.s32 $0xFFFFF800  }
0x7c: {  	_ =	swait.ge [sflag:s14], $0x800  }
0x7d: {  	[sflag:s14] =	ssyncset.done $0x0  }
0x7e: {  	[sflag:s14] =	ssyncadd.s32 $0xFFFFF800  }
0x7f: {  	_ =	swait.ge [sflag:s14], $0x800  }
0x80: {  	[sflag:s14] =	ssyncset.done $0x0  }
0x81: {  	[sflag:s14] =	ssyncadd.s32 $0xFFFFF800  }
0x82: {  	_ =	swait.ge [sflag:s14], $0x800  }
0x83: {  	[sflag:s14] =	ssyncset.done $0x0  }
0x84: {  	[sflag:s14] =	ssyncadd.s32 $0xFFFFF800  }
0x85: {  	_ =	swait.ge [sflag:s14], $0x800  }
0x86: {  	[sflag:s14] =	ssyncset.done $0x0  }
0x87: {  	[sflag:s14] =	ssyncadd.s32 $0xFFFFF800  }
0x88: {  	_ =	swait.ge [sflag:s14], $0x800  }
0x89: {  	[sflag:s14] =	ssyncset.done $0x0  }
0x8a: {  	[sflag:s14] =	ssyncadd.s32 $0xFFFFF800  }
0x8b: {  	_ =	swait.ge [sflag:s14], $0x800  }
0x8c: {  	[sflag:s14] =	ssyncset.done $0x0  }
0x8d: {  	[sflag:s14] =	ssyncadd.s32 $0xFFFFF800  }
0x8e: {  	_ =	swait.ge [sflag:s14], $0x800  }
0x8f: {  	s15 =	sadd.s32 $0x1, s15;
	[sflag:s14] =	ssyncset.done $0x0  }
0x90: {  	p0 =	sne.s32 s15, s9;
	[sflag:s14] =	ssyncadd.s32 $0xFFFFF800  }
.Ltmp1:
0x91: {  	[bflag:$0x0] =	sbarrier.arrive $0xFFFF;
	(pc) =	sbr.rel @p0 .LBB2_1-.Ltmp1, $4  }
0x92: {  	[hbm:s8], [sflag:s6] =	dma.local [spmem:s10], $0x500  }
0x93: {  	_ =	swait.ge [sflag:s11], $0x500  }
0x94: {  	[sflag:s11] =	ssyncset.done $0x0  }
0x95: {  	[sflag:s11] =	ssyncadd.s32 $0xFFFFFB00  }
0x96: {  	_ =	sfence.sel $0x180000  }
0x97: {  	[bflag:$0x0] =	sbarrier.arrive $0xFFFF  }
0x98: {  	p0 =	sne.s32 s1, $0x0;
	_ =	strace $0x90000047  }
0x99: {  	s0 =	sadd.s32 @!p0 $0x100000, s0;
	[bflag:$0x2] =	sbarrier.arrive $0xFFFF  }
0x9a: {  	[sflag:s0] =	ssyncadd.tile.s32 @!p0 $0x1;
	_ =	shalt  }
.Lfunc_end2:
_tile_overlayer_lowered:
.L_overlay_start_2:
0x9b: {  	(tag) =	ssettag $0x2  }
0x9c: {  	s0 =	rddreg [dreg:$0x0];
	s2 =	stileid.u32  }
0x9d: {  	s1 =	rddreg [dreg:$0x1];
	p0 =	sne.s32 s2, $0x0  }
0x9e: {  	s3 =	rddreg [dreg:$0x2];
	[bflag:$0x3] =	sbarrier.arrive $0xFFFF;
	s2 =	simm.s32 @!p0 $0x1C02  }
0x9f: {  	[timem:s3], [sflag:s2] =	dma.local @!p0 [hbm:s0], s1  }
0xa0: {  	s0 =	simm.s32 @!p0 $0x2  }
0xa1: {  	_ =	swait.ge @!p0 [sflag:s0], s1  }
0xa2: {  	s1 =	ssub.s32 @!p0 $0x0, s1;
	[sflag:s0] =	ssyncset.done @!p0 $0x0  }
0xa3: {  	[sflag:s0] =	ssyncadd.s32 @!p0 s1  }
0xa4: {  	[bflag:$0x3] =	sbarrier.arrive $0xFFFF  }
0xa5: {  	_ =	shalt  }

// kernel: kernel.13.cloned.1.call-start
scs
__scs_entry_jumppad:
0x0: {  	(pc) =	sbr.rel $0x88, $3  }
0x1: {  	(tag) =	ssettag $0x0;
	lr =	simm.s32 $0x1  }
0x2: {  	[smem:$0x3F99] =	sst lr;
	_ =	strace $0xD0000000  }
0x3: {  	_ = 	snop  }
0x4: {  	_ = 	snop  }
0x5: {  	_ = 	snop  }
0x6: {  	_ = 	snop  }
0x7: {  	_ = 	snop  }
__scs_overlays_trampoline_lowered:
0x8: {  	[smem:$0x3FA8] =	sst s0  }
0x9: {  	[smem:$0x3FA9] =	sst s1  }
0xa: {  	[smem:$0x3FAA] =	sst s2  }
0xb: {  	[smem:$0x3FAB] =	sst s3  }
0xc: {  	[smem:$0x3FAC] =	sst s4  }
0xd: {  	[smem:$0x3FAD] =	sst s5  }
0xe: {  	[smem:$0x3FAE] =	sst s6  }
0xf: {  	[smem:$0x3FAF] =	sst s7  }
0x10: {  	[smem:$0x3FB0] =	sst s8  }
0x11: {  	[smem:$0x3FB1] =	sst s9;
	s0 =	simm.s32 @!p0 $0x0  }
0x12: {  	s1 =	sld [smem:$0x3F97];
	s0 =	simm.s32 @p0 $0x1  }
0x13: {  	[smem:$0x3FB2] =	sst s0;
	s0 =	simm.s32 @!p1 $0x0  }
0x14: {  	s2 =	sld [smem:$0x3F96];
	s0 =	simm.s32 @p1 $0x1  }
0x15: {  	[smem:$0x3FB3] =	sst s0;
	s0 =	simm.s32 @!p2 $0x0  }
0x16: {  	s3 =	sld [smem:$0x3FDB];
	s0 =	simm.s32 @p2 $0x1  }
0x17: {  	s4 =	simm.s32 $0x1BF5;
	[smem:$0x3FB5] =	sst s0  }
0x18: {  	s0 =	sld [smem:$0x3F98];
	_ =	swait.ge [sflag:s4], $0x0  }
0x19: {  	s7 =	sld [smem:$0x3F99]  }
0x1a: {  	s8 =	sadd.s32 $0xFFFFE003, lr  }
0x1b: {  	s9 =	sadd.s32 $0xFFFFFEF7, lr;
	s5 =	simm.s32 $0xFFFFFFFF;
	p2 =	slt.u32 s8, $0xFFFFF086  }
0x1c: {  	p1 =	slt.u32 s9, $0xF7A;
	s5 =	simm.s32 @!p2 $0x0  }
0x1d: {  	s5 =	simm.s32 @p1 $0x1;
	p0 =	seq.s32 s7, s2  }
0x1e: {  	s7 =	smul.u32 @!p0 $0xF7A, s2;
	p2 =	seq.s32 @!p0 s5, $0x0  }
0x1f: {  	s9 =	smul.u32 $0xF7A, s1;
	s8 =	simm.s32 @!p0 $0x1BF5;
	p2 =	por !p2, p0  }
0x20: {  	[sflag:s8] =	ssyncset.s32 @!p0 $0xFFFFF086;
	s6 =	sadd.s32 @!p0 s3, s7;
	s7 =	simm.s32 @!p0 $0x108  }
0x21: {  	s3 =	sadd.s32 s3, s9;
	s6 =	sadd.s32 @!p0 $0x88, s6;
	s7 =	simm.s32 @p2 $0x1082  }
0x22: {  	[simem:s7], [sflag:s8] =	dma.local @!p0 [hbm:s6], $0xF7A  }
0x23: {  	s9 =	sor.u32 $0xD0000000, s2;
	s6 =	simm.s32 $0x108;
	_ =	swait.ge @!p0 [sflag:s8], $0x0  }
0x24: {  	s3 =	sadd.s32 $0x88, s3;
	s6 =	simm.s32 @!p1 $0x1082;
	[sflag:s4] =	ssyncset.s32 $0xFFFFF086  }
0x25: {  	[simem:s6], [sflag:s4] =	dma.local [hbm:s3], $0xF7A  }
0x26: {  	[smem:$0x3F99] =	sst s1;
	(tag) =	ssettag s2;
	_ =	strace s9  }
0x27: {  	s1 =	sld [smem:$0x3FA9]  }
0x28: {  	s2 =	sld [smem:$0x3FAA]  }
0x29: {  	s4 =	sld [smem:$0x3FAC]  }
0x2a: {  	p0 =	seq.s32 s5, $0x0;
	s5 =	sld [smem:$0x3FAD]  }
0x2b: {  	s6 =	sld [smem:$0x3FAE]  }
0x2c: {  	s7 =	sld [smem:$0x3FAF]  }
0x2d: {  	s3 =	simm.s32 $0x108;
	s8 =	sld [smem:$0x3FB0]  }
0x2e: {  	s3 =	simm.s32 @!p0 $0x1082;
	s9 =	sld [smem:$0x3FB1]  }
0x2f: {  	lr =	sadd.s32 s0, s3;
	s0 =	sld [smem:$0x3FA8]  }
0x30: {  	s3 =	sld [smem:$0x3FAB]  }
0x31: {  	[smem:$0x3FB4] =	sst s10  }
0x32: {  	s10 =	sld [smem:$0x3FB2];
	_ =	sdelay $0x3  }
0x33: {  	p0 =	seq.s32 s10, $0x1;
	s10 =	sld [smem:$0x3FB4];
	_ =	sdelay $0x3  }
0x34: {  	[smem:$0x3FB4] =	sst s10  }
0x35: {  	s10 =	sld [smem:$0x3FB3];
	_ =	sdelay $0x3  }
0x36: {  	p1 =	seq.s32 s10, $0x1;
	s10 =	sld [smem:$0x3FB4];
	_ =	sdelay $0x3  }
0x37: {  	[smem:$0x3FB4] =	sst s10  }
0x38: {  	s10 =	sld [smem:$0x3FB5]  }
0x39: {  	_ = 	snop;
	(pc) =	sbr.ind lr, $3  }
0x3a: {  	_ = 	snop  }
0x3b: {  	_ = 	snop  }
0x3c: {  	p2 =	seq.s32 s10, $0x1;
	s10 =	sld [smem:$0x3FB4]  }
0x3d: {  	_ =	shalt  }
0x3e: {  	_ =	shalt  }
0x3f: {  	_ =	shalt  }
0x40: {  	_ =	shalt  }
0x41: {  	_ =	shalt  }
0x42: {  	_ =	shalt  }
0x43: {  	_ =	shalt  }
0x44: {  	_ =	shalt  }
0x45: {  	_ =	shalt  }
0x46: {  	_ =	shalt  }
0x47: {  	_ =	shalt  }
0x48: {  	_ =	shalt  }
0x49: {  	_ =	shalt  }
0x4a: {  	_ =	shalt  }
0x4b: {  	_ =	shalt  }
0x4c: {  	_ =	shalt  }
0x4d: {  	_ =	shalt  }
0x4e: {  	_ =	shalt  }
0x4f: {  	_ =	shalt  }
0x50: {  	_ =	shalt  }
0x51: {  	_ =	shalt  }
0x52: {  	_ =	shalt  }
0x53: {  	_ =	shalt  }
0x54: {  	_ =	shalt  }
0x55: {  	_ =	shalt  }
0x56: {  	_ =	shalt  }
0x57: {  	_ =	shalt  }
0x58: {  	_ =	shalt  }
0x59: {  	_ =	shalt  }
0x5a: {  	_ =	shalt  }
0x5b: {  	_ =	shalt  }
0x5c: {  	_ =	shalt  }
0x5d: {  	_ =	shalt  }
0x5e: {  	_ =	shalt  }
0x5f: {  	_ =	shalt  }
0x60: {  	_ =	shalt  }
0x61: {  	_ =	shalt  }
0x62: {  	_ =	shalt  }
0x63: {  	_ =	shalt  }
0x64: {  	_ =	shalt  }
0x65: {  	_ =	shalt  }
0x66: {  	_ =	shalt  }
0x67: {  	_ =	shalt  }
0x68: {  	_ =	shalt  }
0x69: {  	_ =	shalt  }
0x6a: {  	_ =	shalt  }
0x6b: {  	_ =	shalt  }
0x6c: {  	_ =	shalt  }
0x6d: {  	_ =	shalt  }
0x6e: {  	_ =	shalt  }
0x6f: {  	_ =	shalt  }
0x70: {  	_ =	shalt  }
0x71: {  	_ =	shalt  }
0x72: {  	_ =	shalt  }
0x73: {  	_ =	shalt  }
0x74: {  	_ =	shalt  }
0x75: {  	_ =	shalt  }
0x76: {  	_ =	shalt  }
0x77: {  	_ =	shalt  }
0x78: {  	_ =	shalt  }
0x79: {  	_ =	shalt  }
0x7a: {  	_ =	shalt  }
0x7b: {  	_ =	shalt  }
0x7c: {  	_ =	shalt  }
0x7d: {  	_ =	shalt  }
0x7e: {  	_ =	shalt  }
0x7f: {  	_ =	shalt  }
0x80: {  	_ =	shalt  }
0x81: {  	_ =	shalt  }
0x82: {  	_ =	shalt  }
0x83: {  	_ =	shalt  }
0x84: {  	_ =	shalt  }
0x85: {  	_ =	shalt  }
0x86: {  	_ =	shalt  }
0x87: {  	_ =	shalt  }
.Lfunc_end0:
.L_simem_size_0:
called_computation.1_lowered:
.L_overlay_start_0:
0x88: {  	s2 =	sld [smem:$0x3FD9]  }
0x89: {  	s3 =	sld [smem:$0x3FFE];
	_ =	sdelay $0x1  }
0x8a: {  	s1 =	srdreg.scid  }
0x8b: {  	s0 =	sand.u32 $0x1, s1  }
0x8c: {  	s17 =	sshll.u32 s0, $0xA;
	s2 =	sadd.s32 s3, s2  }
0x8d: {  	s2 =	sadd.s32 s2, s17  }
0x8e: {  	[smem:$0x3FC0] =	sst s2  }
0x8f: {  	_ = 	snop  }
0x90: {  	s2 =	sld [smem:$0x3FD0];
	(tm) =	ssettm $0x1  }
0x91: {  	s18 =	sld [smem:$0x3FFB];
	_ =	sdelay $0x3  }
0x92: {  	_ =	strace s18  }
0x93: {  	s3 =	sld [smem:$0x3FFC];
	_ =	sdelay $0x3  }
0x94: {  	_ =	strace s3  }
0x95: {  	s3 =	sld [smem:$0x3FFD];
	_ =	sdelay $0x3  }
0x96: {  	_ =	strace s3  }
0x97: {  	_ =	strace $0x8FFFFFFF  }
0x98: {  	s19 =	sld [smem:$0x3FDB];
	_ =	sdelay $0x1  }
0x99: {  	s4 =	simm.s32 $_scs_section_size  }
0x9a: {  	s5 =	simm.s32 $_size__tile_overlayer_lowered;
	s6 =	simm.s32 $_tile_overlayer_lowered  }
0x9b: {  	s22 =	simm.s32 $0x1BFF;
	s21 =	sshll.u32 s6, $0x1;
	s3 =	sadd.s32 s4, s19  }
0x9c: {  	s7 =	simm.s32 $0x0;
	s20 =	sshll.u32 s5, $0x1;
	s5 =	sadd.s32 s21, s3  }
0x9d: {  	[timem:s7], [sflag:s22] =	dma.local [hbm:s5], s20  }
0x9e: {  	_ =	swait.ge [sflag:s22], s20  }
0x9f: {  	s4 =	ssub.s32 $0x0, s20;
	[sflag:s22] =	ssyncset.done $0x0  }
0xa0: {  	[sflag:s22] =	ssyncadd.s32 s4;
	_ =	sdelay $0x1  }
0xa1: {  	s23 =	simm.s32 $0x1B8B  }
0xa2: {  	_ =	swait.ge [sflag:s23], $0x1  }
0xa3: {  	[sflag:s23] =	ssyncset.done $0x0  }
0xa4: {  	s25 =	simm.s32 $0x1B8E;
	s24 =	sld [smem:$0x3FFE];
	[sflag:s23] =	ssyncadd.s32 $0xFFFFFFFF  }
0xa5: {  	s26 =	simm.s32 $execute0_lowered;
	[smem:$0x3FD2] =	sst s25  }
0xa6: {  	s5 =	sshll.u32 s26, $0x1;
	_ =	strace $0x80000049;
	[dreg:$0x1] =	wrdreg $0xFFFFFFFF  }
0xa7: {  	s28 =	simm.s32 $_size_execute0_lowered;
	s3 =	sadd.s32 s3, s5;
	[dreg:$0x0] =	wrdreg $0x0  }
0xa8: {  	s5 =	sshll.u32 s28, $0x1;
	[dreg:$0x2] =	wrdreg s3  }
0xa9: {  	[dreg:$0x3] =	wrdreg s5  }
0xaa: {  	[dreg:$0x4] =	wrdreg $0xC0  }
0xab: {  	_ =	task [dreg:s7], $0x5FFFF  }
0xac: {  	[dreg:$0x1] =	wrdreg $0xFFFFFFFF  }
0xad: {  	[dreg:$0x0] =	wrdreg $0x60  }
0xae: {  	[dreg:$0x2] =	wrdreg s24  }
0xaf: {  	[dreg:$0x3] =	wrdreg s2  }
0xb0: {  	[dreg:$0x4] =	wrdreg $0x89000  }
0xb1: {  	[dreg:$0x5] =	wrdreg $0x61000  }
0xb2: {  	[dreg:$0x6] =	wrdreg $0x9  }
0xb3: {  	_ =	task.clear_ibuf [dreg:s7], $0x7FFFF;
	_ =	strace $0x90000049  }
0xb4: {  	s29 =	simm.s32 $0x9;
	_ =	strace $0x8000004B  }
0xb5: {  	_ =	swait.ge [sflag:s29], $0x1  }
0xb6: {  	[sflag:s29] =	ssyncadd.s32 $0xFFFFFFFF  }
0xb7: {  	_ =	strace $0x9000004B  }
0xb8: {  	_ =	sfence  }
0xb9: {  	s30 =	sld [smem:$0x0];
	_ =	sdelay $0x2  }
0xba: {  	s31 =	sshll.u32 s1, $0xD;
	s1 =	sshrl.u32 s1, $0x2  }
0xbb: {  	s3 =	sand.u32 $0x4000, s31;
	s1 =	sadd.s32 s1, s30  }
0xbc: {  	s0 =	sor.u32 s3, s0;
	s1 =	sshll.u32 s1, $0x11  }
0xbd: {  	s0 =	sor.u32 s1, s0  }
0xbe: {  	s0 =	sadd.s32 $0x8F2B, s0  }
0xbf: {  	[sflag:s0] =	ssyncadd.remote.s32 $0x1  }
0xc0: {  	_ =	sfence.sel $0xFFFF  }
0xc1: {  	[dreg:$0x0] =	wrdreg $0xFFFFFFFF;
	(pc) =	sbr.abs _section_cstart, $3  }
0xc2: {  	[dreg:$0x1] =	wrdreg $0xFFFFFFFF  }
0xc3: {  	_ =	task.clear_ibuf [dreg:s7], $0x2FFFF;
	_ =	strace $0x9FFFFFFF  }
0xc4: {  	(tm) =	ssettm $0x7FFFFFFF  }
0xc5: {  	_ =	shalt  }
tec
execute0_lowered:
.L_overlay_start_1:
0x0: {  	(tag) =	ssettag $0x1  }
0x1: {  	s6 =	rddreg [dreg:$0x0]  }
0x2: {  	s1 =	rddreg [dreg:$0x1]  }
0x3: {  	s0 =	srdreg.scid;
	s3 =	rddreg [dreg:$0x2]  }
0x4: {  	s4 =	rddreg [dreg:$0x3];
	s5 =	simm.s32 $0x0;
	s16 =	simm.s32 $0x80  }
0x5: {  	s17 =	simm.s32 $0x5100;
	s18 =	simm.s32 $0x5900;
	s19 =	simm.s32 $0x1  }
0x6: {  	s20 =	simm.s32 $0x2;
	s7 =	sand.u32 $0x1, s0;
	s0 =	stileid.u32  }
0x7: {  	s21 =	simm.s32 $0x0;
	[smem:$0x7FF] =	sst s5;
	s8 =	smul.u32 $0x2800, s0  }
0x8: {  	s2 =	sshll.u32 s7, $0x4;
	s12 =	smul.u32 $0x28000, s7;
	s7 =	ssub.s32 $0x2, s7  }
0x9: {  	s31 =	sshll.u32 s0, $0x6;
	s9 =	sor.u32 s0, s2;
	s2 =	rddreg [dreg:$0x4]  }
0xa: {  	_ =	strace $0x8000004A;
	s13 =	sshrl.u32 s7, $0x1;
	s10 =	smul.u32 $0x520, s9  }
0xb: {  	s11 =	sshrl.u32 s8, $0x3;
	s9 =	smul.u32 $0x500, s9;
	s12 =	sadd.s32 s8, s12  }
0xc: {  	s13 =	ssub.s32 s7, s13;
	s14 =	sadd.s32 s8, s3;
	s15 =	sadd.s32 s8, s4  }
0xd: {  	s11 =	sadd.s32 s11, s6;
	s12 =	sshrl.u32 s12, $0x3;
	s10 =	sadd.s32 s10, s6  }
0xe: {  	s9 =	sadd.s32 s9, s6;
	s12 =	sadd.s32 s12, s6;
	s6 =	sor.u32 $0x1C03, s31  }
0xf: {  	s7 =	sadd.s32 $0x34800, s11;
	s11 =	smax.u32 s13, $0x1;
	s13 =	simm.s32 $0x3  }
0x10: {  	s8 =	sadd.s32 $0x3EA00, s10;
	s9 =	sadd.s32 $0x2800, s9;
	s10 =	sadd.s32 $0x48E00, s12  }
0x11: {  	s12 =	sshrl.u32 s14, $0x3;
	s14 =	sshrl.u32 s15, $0x3;
	s15 =	simm.s32 $0x2900  }
.LBB2_1:
0x12: {  	[spmem:s12], [sflag:s6] =	dma.local [hbm:s1], $0x500  }
0x13: {  	_ =	swait.ge [sflag:s13], $0x500  }
0x14: {  	[sflag:s13] =	ssyncset.done $0x0  }
0x15: {  	[sflag:s13] =	ssyncadd.s32 $0xFFFFFB00  }
0x16: {  	[spmem:s14], [sflag:s6] =	dma.local [hbm:s7], $0x500  }
0x17: {  	_ =	swait.ge [sflag:s13], $0x500  }
0x18: {  	[sflag:s13] =	ssyncset.done $0x0  }
0x19: {  	[sflag:s13] =	ssyncadd.s32 $0xFFFFFB00  }
0x1a: {  	[tilespmem:s5], [sflag:$0x3] =	stream.linear.gather [hbm4b:s8+s5], $0x2900, $0x38;
	[tilespmem:$0xB100] =	vst v63  }
0x1b: {  	_ =	swait.ge [sflag:s13], $0x2900  }
0x1c: {  	[sflag:s13] =	ssyncset.done $0x0  }
0x1d: {  	[sflag:s13] =	ssyncadd.s32 $0xFFFFD700  }
0x1e: {  	[tilespmem:s15], [sflag:$0x3] =	stream.linear.gather [hbm4b:s9+s5], $0x2800, $0x38;
	[tilespmem:$0xB100] =	vst v63  }
0x1f: {  	_ =	swait.ge [sflag:s13], $0x2800  }
0x20: {  	[sflag:s13] =	ssyncset.done $0x0  }
0x21: {  	[sflag:s13] =	ssyncadd.s32 $0xFFFFD800  }
0x22: {  	[bflag:$0x0] =	sbarrier.arrive $0xFFFF  }
0x23: {  	[tilespmem:s17], [sflag:$0x1] =	stream.indirect.gather [spmem:s4], $0x10, s5, s16, $0xb8;
	[tilespmem:$0xB100] =	vst v63  }
0x24: {  	_ = 	snop  }
0x25: {  	[tilespmem:s18], [sflag:$0x2] =	stream.indirect.gather [spmem:s4], $0x10, s16, s16, $0xb8;
	[tilespmem:$0xB100] =	vst v63  }
0x26: {  	_ =	swait.ge [sflag:s19], $0x800  }
0x27: {  	[sflag:s19] =	ssyncset.done $0x0  }
0x28: {  	s22 =	simm.s32 $0x2900;
	[sflag:s19] =	ssyncadd.s32 $0xFFFFF800  }
0x29: {  	[spmem:s3] =	stream.indirect.scatter.add.f32 [tilespmem:s17], [sflag:$0x3], $0x10, s22, s16, $0xb8;
	[tilespmem:$0xB100] =	vst v63  }
0x2a: {  	_ =	swait.ge [sflag:s13], $0x800  }
0x2b: {  	[sflag:s13] =	ssyncset.done $0x0  }
0x2c: {  	s30 =	simm.s32 $0x100;
	[sflag:s13] =	ssyncadd.s32 $0xFFFFF800  }
0x2d: {  	[tilespmem:s17], [sflag:$0x1] =	stream.indirect.gather [spmem:s4], $0x10, s30, s16, $0xb8;
	[tilespmem:$0xB100] =	vst v63  }
0x2e: {  	_ =	swait.ge [sflag:s20], $0x800  }
0x2f: {  	[sflag:s20] =	ssyncset.done $0x0  }
0x30: {  	s31 =	simm.s32 $0x2980;
	[sflag:s20] =	ssyncadd.s32 $0xFFFFF800  }
0x31: {  	[spmem:s3] =	stream.indirect.scatter.add.f32 [tilespmem:s18], [sflag:$0x3], $0x10, s31, s16, $0xb8;
	[tilespmem:$0xB100] =	vst v63  }
0x32: {  	_ =	swait.ge [sflag:s13], $0x800  }
0x33: {  	[sflag:s13] =	ssyncset.done $0x0  }
0x34: {  	s23 =	simm.s32 $0x180;
	s22 =	simm.s32 $0x400;
	[sflag:s13] =	ssyncadd.s32 $0xFFFFF800  }
.LBB2_2:
0x35: {  	[tilespmem:s18], [sflag:$0x2] =	stream.indirect.gather [spmem:s4], $0x10, s23, s16, $0xb8;
	[tilespmem:$0xB100] =	vst v63  }
0x36: {  	s23 =	smov.u32 s22  }
0x37: {  	p0 =	sne.s32 s22, $0x9C00;
	s22 =	sadd.s32 $0x400, s22;
	_ =	swait.ge [sflag:s19], $0x800  }
0x38: {  	s23 =	sshra.s32 s23, $0x2;
	[sflag:s19] =	ssyncset.done $0x0  }
0x39: {  	s24 =	sadd.s32 $0x2900, s23;
	[sflag:s19] =	ssyncadd.s32 $0xFFFFF800  }
0x3a: {  	[spmem:s3] =	stream.indirect.scatter.add.f32 [tilespmem:s17], [sflag:$0x3], $0x10, s24, s16, $0xb8;
	[tilespmem:$0xB100] =	vst v63  }
0x3b: {  	_ =	swait.ge [sflag:s13], $0x800  }
0x3c: {  	[sflag:s13] =	ssyncset.done $0x0  }
0x3d: {  	s24 =	sadd.s32 $0x100, s23;
	[sflag:s13] =	ssyncadd.s32 $0xFFFFF800  }
0x3e: {  	[tilespmem:s17], [sflag:$0x1] =	stream.indirect.gather [spmem:s4], $0x10, s24, s16, $0xb8;
	[tilespmem:$0xB100] =	vst v63  }
0x3f: {  	_ =	swait.ge [sflag:s20], $0x800  }
0x40: {  	[sflag:s20] =	ssyncset.done $0x0  }
.Ltmp0:
0x41: {  	s24 =	sadd.s32 $0x2980, s23;
	[sflag:s20] =	ssyncadd.s32 $0xFFFFF800;
	(pc) =	sbr.rel @p0 .LBB2_2-.Ltmp0, $4  }
0x42: {  	[spmem:s3] =	stream.indirect.scatter.add.f32 [tilespmem:s18], [sflag:$0x3], $0x10, s24, s16, $0xb8;
	[tilespmem:$0xB100] =	vst v63  }
0x43: {  	_ =	swait.ge [sflag:s13], $0x800  }
0x44: {  	[sflag:s13] =	ssyncset.done $0x0  }
0x45: {  	s23 =	sadd.s32 $0x180, s23;
	[sflag:s13] =	ssyncadd.s32 $0xFFFFF800  }
0x46: {  	[tilespmem:s18], [sflag:$0x2] =	stream.indirect.gather [spmem:s4], $0x10, s23, s16, $0xb8;
	[tilespmem:$0xB100] =	vst v63  }
0x47: {  	_ =	swait.ge [sflag:s19], $0x800  }
0x48: {  	[sflag:s19] =	ssyncset.done $0x0  }
0x49: {  	[sflag:s19] =	ssyncadd.s32 $0xFFFFF800  }
0x4a: {  	_ =	swait.ge [sflag:s20], $0x800  }
0x4b: {  	s21 =	sadd.s32 $0x1, s21;
	[sflag:s20] =	ssyncset.done $0x0  }
0x4c: {  	p0 =	sne.s32 s21, s11;
	[sflag:s20] =	ssyncadd.s32 $0xFFFFF800  }
.Ltmp1:
0x4d: {  	[bflag:$0x0] =	sbarrier.arrive $0xFFFF;
	(pc) =	sbr.rel @p0 .LBB2_1-.Ltmp1, $4  }
0x4e: {  	[hbm:s10], [sflag:s6] =	dma.local [spmem:s12], $0x500  }
0x4f: {  	_ =	swait.ge [sflag:s13], $0x500  }
0x50: {  	[sflag:s13] =	ssyncset.done $0x0  }
0x51: {  	[sflag:s13] =	ssyncadd.s32 $0xFFFFFB00  }
0x52: {  	_ =	sfence.sel $0x180000  }
0x53: {  	[bflag:$0x0] =	sbarrier.arrive $0xFFFF  }
0x54: {  	p0 =	sne.s32 s0, $0x0;
	_ =	strace $0x9000004A  }
0x55: {  	s0 =	sadd.s32 @!p0 $0x100000, s2;
	[bflag:$0x2] =	sbarrier.arrive $0xFFFF  }
0x56: {  	[sflag:s0] =	ssyncadd.tile.s32 @!p0 $0x1;
	_ =	shalt  }
.Lfunc_end2:
_tile_overlayer_lowered:
.L_overlay_start_2:
0x57: {  	(tag) =	ssettag $0x2  }
0x58: {  	s0 =	rddreg [dreg:$0x0];
	s2 =	stileid.u32  }
0x59: {  	s1 =	rddreg [dreg:$0x1];
	p0 =	sne.s32 s2, $0x0  }
0x5a: {  	s3 =	rddreg [dreg:$0x2];
	[bflag:$0x3] =	sbarrier.arrive $0xFFFF;
	s2 =	simm.s32 @!p0 $0x1C03  }
0x5b: {  	[timem:s3], [sflag:s2] =	dma.local @!p0 [hbm:s0], s1  }
0x5c: {  	s0 =	simm.s32 @!p0 $0x3  }
0x5d: {  	_ =	swait.ge @!p0 [sflag:s0], s1  }
0x5e: {  	s1 =	ssub.s32 @!p0 $0x0, s1;
	[sflag:s0] =	ssyncset.done @!p0 $0x0  }
0x5f: {  	[sflag:s0] =	ssyncadd.s32 @!p0 s1  }
0x60: {  	[bflag:$0x3] =	sbarrier.arrive $0xFFFF  }
0x61: {  	_ =	shalt  }

// kernel: kernel.16.cloned.1.call-start
scs
__scs_entry_jumppad:
0x0: {  	(pc) =	sbr.rel $0x88, $3  }
0x1: {  	(tag) =	ssettag $0x0;
	lr =	simm.s32 $0x1  }
0x2: {  	[smem:$0x3F99] =	sst lr;
	_ =	strace $0xD0000000  }
0x3: {  	_ = 	snop  }
0x4: {  	_ = 	snop  }
0x5: {  	_ = 	snop  }
0x6: {  	_ = 	snop  }
0x7: {  	_ = 	snop  }
__scs_overlays_trampoline_lowered:
0x8: {  	[smem:$0x3FA8] =	sst s0  }
0x9: {  	[smem:$0x3FA9] =	sst s1  }
0xa: {  	[smem:$0x3FAA] =	sst s2  }
0xb: {  	[smem:$0x3FAB] =	sst s3  }
0xc: {  	[smem:$0x3FAC] =	sst s4  }
0xd: {  	[smem:$0x3FAD] =	sst s5  }
0xe: {  	[smem:$0x3FAE] =	sst s6  }
0xf: {  	[smem:$0x3FAF] =	sst s7  }
0x10: {  	[smem:$0x3FB0] =	sst s8  }
0x11: {  	[smem:$0x3FB1] =	sst s9;
	s0 =	simm.s32 @!p0 $0x0  }
0x12: {  	s1 =	sld [smem:$0x3F97];
	s0 =	simm.s32 @p0 $0x1  }
0x13: {  	[smem:$0x3FB2] =	sst s0;
	s0 =	simm.s32 @!p1 $0x0  }
0x14: {  	s2 =	sld [smem:$0x3F96];
	s0 =	simm.s32 @p1 $0x1  }
0x15: {  	[smem:$0x3FB3] =	sst s0;
	s0 =	simm.s32 @!p2 $0x0  }
0x16: {  	s3 =	sld [smem:$0x3FDB];
	s0 =	simm.s32 @p2 $0x1  }
0x17: {  	s4 =	simm.s32 $0x1BF5;
	[smem:$0x3FB5] =	sst s0  }
0x18: {  	s0 =	sld [smem:$0x3F98];
	_ =	swait.ge [sflag:s4], $0x0  }
0x19: {  	s7 =	sld [smem:$0x3F99]  }
0x1a: {  	s8 =	sadd.s32 $0xFFFFE003, lr  }
0x1b: {  	s9 =	sadd.s32 $0xFFFFFEF7, lr;
	s5 =	simm.s32 $0xFFFFFFFF;
	p2 =	slt.u32 s8, $0xFFFFF086  }
0x1c: {  	p1 =	slt.u32 s9, $0xF7A;
	s5 =	simm.s32 @!p2 $0x0  }
0x1d: {  	s5 =	simm.s32 @p1 $0x1;
	p0 =	seq.s32 s7, s2  }
0x1e: {  	s7 =	smul.u32 @!p0 $0xF7A, s2;
	p2 =	seq.s32 @!p0 s5, $0x0  }
0x1f: {  	s9 =	smul.u32 $0xF7A, s1;
	s8 =	simm.s32 @!p0 $0x1BF5;
	p2 =	por !p2, p0  }
0x20: {  	[sflag:s8] =	ssyncset.s32 @!p0 $0xFFFFF086;
	s6 =	sadd.s32 @!p0 s3, s7;
	s7 =	simm.s32 @!p0 $0x108  }
0x21: {  	s3 =	sadd.s32 s3, s9;
	s6 =	sadd.s32 @!p0 $0x88, s6;
	s7 =	simm.s32 @p2 $0x1082  }
0x22: {  	[simem:s7], [sflag:s8] =	dma.local @!p0 [hbm:s6], $0xF7A  }
0x23: {  	s9 =	sor.u32 $0xD0000000, s2;
	s6 =	simm.s32 $0x108;
	_ =	swait.ge @!p0 [sflag:s8], $0x0  }
0x24: {  	s3 =	sadd.s32 $0x88, s3;
	s6 =	simm.s32 @!p1 $0x1082;
	[sflag:s4] =	ssyncset.s32 $0xFFFFF086  }
0x25: {  	[simem:s6], [sflag:s4] =	dma.local [hbm:s3], $0xF7A  }
0x26: {  	[smem:$0x3F99] =	sst s1;
	(tag) =	ssettag s2;
	_ =	strace s9  }
0x27: {  	s1 =	sld [smem:$0x3FA9]  }
0x28: {  	s2 =	sld [smem:$0x3FAA]  }
0x29: {  	s4 =	sld [smem:$0x3FAC]  }
0x2a: {  	p0 =	seq.s32 s5, $0x0;
	s5 =	sld [smem:$0x3FAD]  }
0x2b: {  	s6 =	sld [smem:$0x3FAE]  }
0x2c: {  	s7 =	sld [smem:$0x3FAF]  }
0x2d: {  	s3 =	simm.s32 $0x108;
	s8 =	sld [smem:$0x3FB0]  }
0x2e: {  	s3 =	simm.s32 @!p0 $0x1082;
	s9 =	sld [smem:$0x3FB1]  }
0x2f: {  	lr =	sadd.s32 s0, s3;
	s0 =	sld [smem:$0x3FA8]  }
0x30: {  	s3 =	sld [smem:$0x3FAB]  }
0x31: {  	[smem:$0x3FB4] =	sst s10  }
0x32: {  	s10 =	sld [smem:$0x3FB2];
	_ =	sdelay $0x3  }
0x33: {  	p0 =	seq.s32 s10, $0x1;
	s10 =	sld [smem:$0x3FB4];
	_ =	sdelay $0x3  }
0x34: {  	[smem:$0x3FB4] =	sst s10  }
0x35: {  	s10 =	sld [smem:$0x3FB3];
	_ =	sdelay $0x3  }
0x36: {  	p1 =	seq.s32 s10, $0x1;
	s10 =	sld [smem:$0x3FB4];
	_ =	sdelay $0x3  }
0x37: {  	[smem:$0x3FB4] =	sst s10  }
0x38: {  	s10 =	sld [smem:$0x3FB5]  }
0x39: {  	_ = 	snop;
	(pc) =	sbr.ind lr, $3  }
0x3a: {  	_ = 	snop  }
0x3b: {  	_ = 	snop  }
0x3c: {  	p2 =	seq.s32 s10, $0x1;
	s10 =	sld [smem:$0x3FB4]  }
0x3d: {  	_ =	shalt  }
0x3e: {  	_ =	shalt  }
0x3f: {  	_ =	shalt  }
0x40: {  	_ =	shalt  }
0x41: {  	_ =	shalt  }
0x42: {  	_ =	shalt  }
0x43: {  	_ =	shalt  }
0x44: {  	_ =	shalt  }
0x45: {  	_ =	shalt  }
0x46: {  	_ =	shalt  }
0x47: {  	_ =	shalt  }
0x48: {  	_ =	shalt  }
0x49: {  	_ =	shalt  }
0x4a: {  	_ =	shalt  }
0x4b: {  	_ =	shalt  }
0x4c: {  	_ =	shalt  }
0x4d: {  	_ =	shalt  }
0x4e: {  	_ =	shalt  }
0x4f: {  	_ =	shalt  }
0x50: {  	_ =	shalt  }
0x51: {  	_ =	shalt  }
0x52: {  	_ =	shalt  }
0x53: {  	_ =	shalt  }
0x54: {  	_ =	shalt  }
0x55: {  	_ =	shalt  }
0x56: {  	_ =	shalt  }
0x57: {  	_ =	shalt  }
0x58: {  	_ =	shalt  }
0x59: {  	_ =	shalt  }
0x5a: {  	_ =	shalt  }
0x5b: {  	_ =	shalt  }
0x5c: {  	_ =	shalt  }
0x5d: {  	_ =	shalt  }
0x5e: {  	_ =	shalt  }
0x5f: {  	_ =	shalt  }
0x60: {  	_ =	shalt  }
0x61: {  	_ =	shalt  }
0x62: {  	_ =	shalt  }
0x63: {  	_ =	shalt  }
0x64: {  	_ =	shalt  }
0x65: {  	_ =	shalt  }
0x66: {  	_ =	shalt  }
0x67: {  	_ =	shalt  }
0x68: {  	_ =	shalt  }
0x69: {  	_ =	shalt  }
0x6a: {  	_ =	shalt  }
0x6b: {  	_ =	shalt  }
0x6c: {  	_ =	shalt  }
0x6d: {  	_ =	shalt  }
0x6e: {  	_ =	shalt  }
0x6f: {  	_ =	shalt  }
0x70: {  	_ =	shalt  }
0x71: {  	_ =	shalt  }
0x72: {  	_ =	shalt  }
0x73: {  	_ =	shalt  }
0x74: {  	_ =	shalt  }
0x75: {  	_ =	shalt  }
0x76: {  	_ =	shalt  }
0x77: {  	_ =	shalt  }
0x78: {  	_ =	shalt  }
0x79: {  	_ =	shalt  }
0x7a: {  	_ =	shalt  }
0x7b: {  	_ =	shalt  }
0x7c: {  	_ =	shalt  }
0x7d: {  	_ =	shalt  }
0x7e: {  	_ =	shalt  }
0x7f: {  	_ =	shalt  }
0x80: {  	_ =	shalt  }
0x81: {  	_ =	shalt  }
0x82: {  	_ =	shalt  }
0x83: {  	_ =	shalt  }
0x84: {  	_ =	shalt  }
0x85: {  	_ =	shalt  }
0x86: {  	_ =	shalt  }
0x87: {  	_ =	shalt  }
.Lfunc_end0:
.L_simem_size_0:
called_computation.2_lowered:
.L_overlay_start_0:
0x88: {  	s2 =	sld [smem:$0x3FD9]  }
0x89: {  	s3 =	sld [smem:$0x3FFE];
	_ =	sdelay $0x1  }
0x8a: {  	s1 =	srdreg.scid  }
0x8b: {  	s0 =	sand.u32 $0x1, s1  }
0x8c: {  	s17 =	sshll.u32 s0, $0xA;
	s2 =	sadd.s32 s3, s2  }
0x8d: {  	s2 =	sadd.s32 s2, s17  }
0x8e: {  	[smem:$0x3FC0] =	sst s2  }
0x8f: {  	_ = 	snop  }
0x90: {  	s2 =	sld [smem:$0x3FD0];
	(tm) =	ssettm $0x1  }
0x91: {  	s18 =	sld [smem:$0x3FFB];
	_ =	sdelay $0x3  }
0x92: {  	_ =	strace s18  }
0x93: {  	s3 =	sld [smem:$0x3FFC];
	_ =	sdelay $0x3  }
0x94: {  	_ =	strace s3  }
0x95: {  	s3 =	sld [smem:$0x3FFD];
	_ =	sdelay $0x3  }
0x96: {  	_ =	strace s3  }
0x97: {  	_ =	strace $0x8FFFFFFF  }
0x98: {  	s19 =	sld [smem:$0x3FDB];
	_ =	sdelay $0x1  }
0x99: {  	s4 =	simm.s32 $_scs_section_size  }
0x9a: {  	s5 =	simm.s32 $_size__tile_overlayer_lowered;
	s6 =	simm.s32 $_tile_overlayer_lowered  }
0x9b: {  	s22 =	simm.s32 $0x1BFF;
	s21 =	sshll.u32 s6, $0x1;
	s3 =	sadd.s32 s4, s19  }
0x9c: {  	s7 =	simm.s32 $0x0;
	s20 =	sshll.u32 s5, $0x1;
	s5 =	sadd.s32 s21, s3  }
0x9d: {  	[timem:s7], [sflag:s22] =	dma.local [hbm:s5], s20  }
0x9e: {  	_ =	swait.ge [sflag:s22], s20  }
0x9f: {  	s4 =	ssub.s32 $0x0, s20;
	[sflag:s22] =	ssyncset.done $0x0  }
0xa0: {  	[sflag:s22] =	ssyncadd.s32 s4;
	_ =	sdelay $0x1  }
0xa1: {  	s23 =	simm.s32 $0x1B8B  }
0xa2: {  	_ =	swait.ge [sflag:s23], $0x1  }
0xa3: {  	[sflag:s23] =	ssyncset.done $0x0  }
0xa4: {  	s25 =	simm.s32 $0x1B8E;
	s24 =	sld [smem:$0x3FFE];
	[sflag:s23] =	ssyncadd.s32 $0xFFFFFFFF  }
0xa5: {  	s26 =	simm.s32 $execute0_lowered;
	[smem:$0x3FD2] =	sst s25  }
0xa6: {  	s5 =	sshll.u32 s26, $0x1;
	_ =	strace $0x8000004C;
	[dreg:$0x1] =	wrdreg $0xFFFFFFFF  }
0xa7: {  	s28 =	simm.s32 $_size_execute0_lowered;
	s3 =	sadd.s32 s3, s5;
	[dreg:$0x0] =	wrdreg $0x0  }
0xa8: {  	s5 =	sshll.u32 s28, $0x1;
	[dreg:$0x2] =	wrdreg s3  }
0xa9: {  	[dreg:$0x3] =	wrdreg s5  }
0xaa: {  	[dreg:$0x4] =	wrdreg $0xC0  }
0xab: {  	_ =	task [dreg:s7], $0x5FFFF  }
0xac: {  	[dreg:$0x1] =	wrdreg $0xFFFFFFFF  }
0xad: {  	[dreg:$0x0] =	wrdreg $0x60  }
0xae: {  	[dreg:$0x2] =	wrdreg s24  }
0xaf: {  	[dreg:$0x3] =	wrdreg s2  }
0xb0: {  	[dreg:$0x4] =	wrdreg $0x89000  }
0xb1: {  	[dreg:$0x5] =	wrdreg $0x61000  }
0xb2: {  	[dreg:$0x6] =	wrdreg $0x9  }
0xb3: {  	_ =	task.clear_ibuf [dreg:s7], $0x7FFFF;
	_ =	strace $0x9000004C  }
0xb4: {  	s29 =	simm.s32 $0x9;
	_ =	strace $0x8000004E  }
0xb5: {  	_ =	swait.ge [sflag:s29], $0x1  }
0xb6: {  	[sflag:s29] =	ssyncadd.s32 $0xFFFFFFFF  }
0xb7: {  	_ =	strace $0x9000004E  }
0xb8: {  	_ =	sfence  }
0xb9: {  	s30 =	sld [smem:$0x0];
	_ =	sdelay $0x2  }
0xba: {  	s31 =	sshll.u32 s1, $0xD;
	s1 =	sshrl.u32 s1, $0x2  }
0xbb: {  	s3 =	sand.u32 $0x4000, s31;
	s1 =	sadd.s32 s1, s30  }
0xbc: {  	s0 =	sor.u32 s3, s0;
	s1 =	sshll.u32 s1, $0x11  }
0xbd: {  	s0 =	sor.u32 s1, s0  }
0xbe: {  	s0 =	sadd.s32 $0x8F2B, s0  }
0xbf: {  	[sflag:s0] =	ssyncadd.remote.s32 $0x1  }
0xc0: {  	_ =	sfence.sel $0xFFFF  }
0xc1: {  	[dreg:$0x0] =	wrdreg $0xFFFFFFFF;
	(pc) =	sbr.abs _section_cstart, $3  }
0xc2: {  	[dreg:$0x1] =	wrdreg $0xFFFFFFFF  }
0xc3: {  	_ =	task.clear_ibuf [dreg:s7], $0x2FFFF;
	_ =	strace $0x9FFFFFFF  }
0xc4: {  	(tm) =	ssettm $0x7FFFFFFF  }
0xc5: {  	_ =	shalt  }
tec
execute0_lowered:
.L_overlay_start_1:
0x0: {  	(tag) =	ssettag $0x1  }
0x1: {  	s6 =	rddreg [dreg:$0x0]  }
0x2: {  	s1 =	rddreg [dreg:$0x1]  }
0x3: {  	s0 =	srdreg.scid;
	s3 =	rddreg [dreg:$0x2]  }
0x4: {  	s4 =	rddreg [dreg:$0x3];
	s5 =	simm.s32 $0x0;
	s16 =	simm.s32 $0x80  }
0x5: {  	s17 =	simm.s32 $0x5100;
	s18 =	simm.s32 $0x5900;
	s19 =	simm.s32 $0x1  }
0x6: {  	s20 =	simm.s32 $0x2;
	s7 =	sand.u32 $0x1, s0;
	s0 =	stileid.u32  }
0x7: {  	s21 =	simm.s32 $0x0;
	[smem:$0x7FF] =	sst s5;
	s8 =	smul.u32 $0x2800, s0  }
0x8: {  	s2 =	sshll.u32 s7, $0x4;
	s12 =	smul.u32 $0x28000, s7;
	s7 =	ssub.s32 $0x2, s7  }
0x9: {  	s31 =	sshll.u32 s0, $0x6;
	s9 =	sor.u32 s0, s2;
	s2 =	rddreg [dreg:$0x4]  }
0xa: {  	_ =	strace $0x8000004D;
	s13 =	sshrl.u32 s7, $0x1;
	s10 =	smul.u32 $0x520, s9  }
0xb: {  	s11 =	sshrl.u32 s8, $0x3;
	s9 =	smul.u32 $0x500, s9;
	s12 =	sadd.s32 s8, s12  }
0xc: {  	s13 =	ssub.s32 s7, s13;
	s14 =	sadd.s32 s8, s3;
	s15 =	sadd.s32 s8, s4  }
0xd: {  	s11 =	sadd.s32 s11, s6;
	s12 =	sshrl.u32 s12, $0x3;
	s10 =	sadd.s32 s10, s6  }
0xe: {  	s9 =	sadd.s32 s9, s6;
	s12 =	sadd.s32 s12, s6;
	s6 =	sor.u32 $0x1C03, s31  }
0xf: {  	s7 =	sadd.s32 $0x34800, s11;
	s11 =	smax.u32 s13, $0x1;
	s13 =	simm.s32 $0x3  }
0x10: {  	s8 =	sadd.s32 $0x3EA00, s10;
	s9 =	sadd.s32 $0x2800, s9;
	s10 =	sadd.s32 $0x48E00, s12  }
0x11: {  	s12 =	sshrl.u32 s14, $0x3;
	s14 =	sshrl.u32 s15, $0x3;
	s15 =	simm.s32 $0x2900  }
.LBB2_1:
0x12: {  	[spmem:s12], [sflag:s6] =	dma.local [hbm:s1], $0x500  }
0x13: {  	_ =	swait.ge [sflag:s13], $0x500  }
0x14: {  	[sflag:s13] =	ssyncset.done $0x0  }
0x15: {  	[sflag:s13] =	ssyncadd.s32 $0xFFFFFB00  }
0x16: {  	[spmem:s14], [sflag:s6] =	dma.local [hbm:s7], $0x500  }
0x17: {  	_ =	swait.ge [sflag:s13], $0x500  }
0x18: {  	[sflag:s13] =	ssyncset.done $0x0  }
0x19: {  	[sflag:s13] =	ssyncadd.s32 $0xFFFFFB00  }
0x1a: {  	[tilespmem:s5], [sflag:$0x3] =	stream.linear.gather [hbm4b:s8+s5], $0x2900, $0x38;
	[tilespmem:$0xB100] =	vst v63  }
0x1b: {  	_ =	swait.ge [sflag:s13], $0x2900  }
0x1c: {  	[sflag:s13] =	ssyncset.done $0x0  }
0x1d: {  	[sflag:s13] =	ssyncadd.s32 $0xFFFFD700  }
0x1e: {  	[tilespmem:s15], [sflag:$0x3] =	stream.linear.gather [hbm4b:s9+s5], $0x2800, $0x38;
	[tilespmem:$0xB100] =	vst v63  }
0x1f: {  	_ =	swait.ge [sflag:s13], $0x2800  }
0x20: {  	[sflag:s13] =	ssyncset.done $0x0  }
0x21: {  	[sflag:s13] =	ssyncadd.s32 $0xFFFFD800  }
0x22: {  	[bflag:$0x0] =	sbarrier.arrive $0xFFFF  }
0x23: {  	[tilespmem:s17], [sflag:$0x1] =	stream.indirect.gather [spmem:s4], $0x10, s5, s16, $0xb8;
	[tilespmem:$0xB100] =	vst v63  }
0x24: {  	_ = 	snop  }
0x25: {  	[tilespmem:s18], [sflag:$0x2] =	stream.indirect.gather [spmem:s4], $0x10, s16, s16, $0xb8;
	[tilespmem:$0xB100] =	vst v63  }
0x26: {  	_ =	swait.ge [sflag:s19], $0x800  }
0x27: {  	[sflag:s19] =	ssyncset.done $0x0  }
0x28: {  	s22 =	simm.s32 $0x2900;
	[sflag:s19] =	ssyncadd.s32 $0xFFFFF800  }
0x29: {  	[spmem:s3] =	stream.indirect.scatter.add.f32 [tilespmem:s17], [sflag:$0x3], $0x10, s22, s16, $0xb8;
	[tilespmem:$0xB100] =	vst v63  }
0x2a: {  	_ =	swait.ge [sflag:s13], $0x800  }
0x2b: {  	[sflag:s13] =	ssyncset.done $0x0  }
0x2c: {  	s30 =	simm.s32 $0x100;
	[sflag:s13] =	ssyncadd.s32 $0xFFFFF800  }
0x2d: {  	[tilespmem:s17], [sflag:$0x1] =	stream.indirect.gather [spmem:s4], $0x10, s30, s16, $0xb8;
	[tilespmem:$0xB100] =	vst v63  }
0x2e: {  	_ =	swait.ge [sflag:s20], $0x800  }
0x2f: {  	[sflag:s20] =	ssyncset.done $0x0  }
0x30: {  	s31 =	simm.s32 $0x2980;
	[sflag:s20] =	ssyncadd.s32 $0xFFFFF800  }
0x31: {  	[spmem:s3] =	stream.indirect.scatter.add.f32 [tilespmem:s18], [sflag:$0x3], $0x10, s31, s16, $0xb8;
	[tilespmem:$0xB100] =	vst v63  }
0x32: {  	_ =	swait.ge [sflag:s13], $0x800  }
0x33: {  	[sflag:s13] =	ssyncset.done $0x0  }
0x34: {  	s23 =	simm.s32 $0x180;
	s22 =	simm.s32 $0x400;
	[sflag:s13] =	ssyncadd.s32 $0xFFFFF800  }
.LBB2_2:
0x35: {  	[tilespmem:s18], [sflag:$0x2] =	stream.indirect.gather [spmem:s4], $0x10, s23, s16, $0xb8;
	[tilespmem:$0xB100] =	vst v63  }
0x36: {  	s23 =	smov.u32 s22  }
0x37: {  	p0 =	sne.s32 s22, $0x9C00;
	s22 =	sadd.s32 $0x400, s22;
	_ =	swait.ge [sflag:s19], $0x800  }
0x38: {  	s23 =	sshra.s32 s23, $0x2;
	[sflag:s19] =	ssyncset.done $0x0  }
0x39: {  	s24 =	sadd.s32 $0x2900, s23;
	[sflag:s19] =	ssyncadd.s32 $0xFFFFF800  }
0x3a: {  	[spmem:s3] =	stream.indirect.scatter.add.f32 [tilespmem:s17], [sflag:$0x3], $0x10, s24, s16, $0xb8;
	[tilespmem:$0xB100] =	vst v63  }
0x3b: {  	_ =	swait.ge [sflag:s13], $0x800  }
0x3c: {  	[sflag:s13] =	ssyncset.done $0x0  }
0x3d: {  	s24 =	sadd.s32 $0x100, s23;
	[sflag:s13] =	ssyncadd.s32 $0xFFFFF800  }
0x3e: {  	[tilespmem:s17], [sflag:$0x1] =	stream.indirect.gather [spmem:s4], $0x10, s24, s16, $0xb8;
	[tilespmem:$0xB100] =	vst v63  }
0x3f: {  	_ =	swait.ge [sflag:s20], $0x800  }
0x40: {  	[sflag:s20] =	ssyncset.done $0x0  }
.Ltmp0:
0x41: {  	s24 =	sadd.s32 $0x2980, s23;
	[sflag:s20] =	ssyncadd.s32 $0xFFFFF800;
	(pc) =	sbr.rel @p0 .LBB2_2-.Ltmp0, $4  }
0x42: {  	[spmem:s3] =	stream.indirect.scatter.add.f32 [tilespmem:s18], [sflag:$0x3], $0x10, s24, s16, $0xb8;
	[tilespmem:$0xB100] =	vst v63  }
0x43: {  	_ =	swait.ge [sflag:s13], $0x800  }
0x44: {  	[sflag:s13] =	ssyncset.done $0x0  }
0x45: {  	s23 =	sadd.s32 $0x180, s23;
	[sflag:s13] =	ssyncadd.s32 $0xFFFFF800  }
0x46: {  	[tilespmem:s18], [sflag:$0x2] =	stream.indirect.gather [spmem:s4], $0x10, s23, s16, $0xb8;
	[tilespmem:$0xB100] =	vst v63  }
0x47: {  	_ =	swait.ge [sflag:s19], $0x800  }
0x48: {  	[sflag:s19] =	ssyncset.done $0x0  }
0x49: {  	[sflag:s19] =	ssyncadd.s32 $0xFFFFF800  }
0x4a: {  	_ =	swait.ge [sflag:s20], $0x800  }
0x4b: {  	s21 =	sadd.s32 $0x1, s21;
	[sflag:s20] =	ssyncset.done $0x0  }
0x4c: {  	p0 =	sne.s32 s21, s11;
	[sflag:s20] =	ssyncadd.s32 $0xFFFFF800  }
.Ltmp1:
0x4d: {  	[bflag:$0x0] =	sbarrier.arrive $0xFFFF;
	(pc) =	sbr.rel @p0 .LBB2_1-.Ltmp1, $4  }
0x4e: {  	[hbm:s10], [sflag:s6] =	dma.local [spmem:s12], $0x500  }
0x4f: {  	_ =	swait.ge [sflag:s13], $0x500  }
0x50: {  	[sflag:s13] =	ssyncset.done $0x0  }
0x51: {  	[sflag:s13] =	ssyncadd.s32 $0xFFFFFB00  }
0x52: {  	_ =	sfence.sel $0x180000  }
0x53: {  	[bflag:$0x0] =	sbarrier.arrive $0xFFFF  }
0x54: {  	p0 =	sne.s32 s0, $0x0;
	_ =	strace $0x9000004D  }
0x55: {  	s0 =	sadd.s32 @!p0 $0x100000, s2;
	[bflag:$0x2] =	sbarrier.arrive $0xFFFF  }
0x56: {  	[sflag:s0] =	ssyncadd.tile.s32 @!p0 $0x1;
	_ =	shalt  }
.Lfunc_end2:
_tile_overlayer_lowered:
.L_overlay_start_2:
0x57: {  	(tag) =	ssettag $0x2  }
0x58: {  	s0 =	rddreg [dreg:$0x0];
	s2 =	stileid.u32  }
0x59: {  	s1 =	rddreg [dreg:$0x1];
	p0 =	sne.s32 s2, $0x0  }
0x5a: {  	s3 =	rddreg [dreg:$0x2];
	[bflag:$0x3] =	sbarrier.arrive $0xFFFF;
	s2 =	simm.s32 @!p0 $0x1C03  }
0x5b: {  	[timem:s3], [sflag:s2] =	dma.local @!p0 [hbm:s0], s1  }
0x5c: {  	s0 =	simm.s32 @!p0 $0x3  }
0x5d: {  	_ =	swait.ge @!p0 [sflag:s0], s1  }
0x5e: {  	s1 =	ssub.s32 @!p0 $0x0, s1;
	[sflag:s0] =	ssyncset.done @!p0 $0x0  }
0x5f: {  	[sflag:s0] =	ssyncadd.s32 @!p0 s1  }
0x60: {  	[bflag:$0x3] =	sbarrier.arrive $0xFFFF  }
0x61: {  	_ =	shalt  }

// kernel: kernel.19.cloned.1.call-start
scs
__scs_entry_jumppad:
0x0: {  	(pc) =	sbr.rel $0x88, $3  }
0x1: {  	(tag) =	ssettag $0x0;
	lr =	simm.s32 $0x1  }
0x2: {  	[smem:$0x3F99] =	sst lr;
	_ =	strace $0xD0000000  }
0x3: {  	_ = 	snop  }
0x4: {  	_ = 	snop  }
0x5: {  	_ = 	snop  }
0x6: {  	_ = 	snop  }
0x7: {  	_ = 	snop  }
__scs_overlays_trampoline_lowered:
0x8: {  	[smem:$0x3FA8] =	sst s0  }
0x9: {  	[smem:$0x3FA9] =	sst s1  }
0xa: {  	[smem:$0x3FAA] =	sst s2  }
0xb: {  	[smem:$0x3FAB] =	sst s3  }
0xc: {  	[smem:$0x3FAC] =	sst s4  }
0xd: {  	[smem:$0x3FAD] =	sst s5  }
0xe: {  	[smem:$0x3FAE] =	sst s6  }
0xf: {  	[smem:$0x3FAF] =	sst s7  }
0x10: {  	[smem:$0x3FB0] =	sst s8  }
0x11: {  	[smem:$0x3FB1] =	sst s9;
	s0 =	simm.s32 @!p0 $0x0  }
0x12: {  	s1 =	sld [smem:$0x3F97];
	s0 =	simm.s32 @p0 $0x1  }
0x13: {  	[smem:$0x3FB2] =	sst s0;
	s0 =	simm.s32 @!p1 $0x0  }
0x14: {  	s2 =	sld [smem:$0x3F96];
	s0 =	simm.s32 @p1 $0x1  }
0x15: {  	[smem:$0x3FB3] =	sst s0;
	s0 =	simm.s32 @!p2 $0x0  }
0x16: {  	s3 =	sld [smem:$0x3FDB];
	s0 =	simm.s32 @p2 $0x1  }
0x17: {  	s4 =	simm.s32 $0x1BF5;
	[smem:$0x3FB5] =	sst s0  }
0x18: {  	s0 =	sld [smem:$0x3F98];
	_ =	swait.ge [sflag:s4], $0x0  }
0x19: {  	s7 =	sld [smem:$0x3F99]  }
0x1a: {  	s8 =	sadd.s32 $0xFFFFE003, lr  }
0x1b: {  	s9 =	sadd.s32 $0xFFFFFEF7, lr;
	s5 =	simm.s32 $0xFFFFFFFF;
	p2 =	slt.u32 s8, $0xFFFFF086  }
0x1c: {  	p1 =	slt.u32 s9, $0xF7A;
	s5 =	simm.s32 @!p2 $0x0  }
0x1d: {  	s5 =	simm.s32 @p1 $0x1;
	p0 =	seq.s32 s7, s2  }
0x1e: {  	s7 =	smul.u32 @!p0 $0xF7A, s2;
	p2 =	seq.s32 @!p0 s5, $0x0  }
0x1f: {  	s9 =	smul.u32 $0xF7A, s1;
	s8 =	simm.s32 @!p0 $0x1BF5;
	p2 =	por !p2, p0  }
0x20: {  	[sflag:s8] =	ssyncset.s32 @!p0 $0xFFFFF086;
	s6 =	sadd.s32 @!p0 s3, s7;
	s7 =	simm.s32 @!p0 $0x108  }
0x21: {  	s3 =	sadd.s32 s3, s9;
	s6 =	sadd.s32 @!p0 $0x88, s6;
	s7 =	simm.s32 @p2 $0x1082  }
0x22: {  	[simem:s7], [sflag:s8] =	dma.local @!p0 [hbm:s6], $0xF7A  }
0x23: {  	s9 =	sor.u32 $0xD0000000, s2;
	s6 =	simm.s32 $0x108;
	_ =	swait.ge @!p0 [sflag:s8], $0x0  }
0x24: {  	s3 =	sadd.s32 $0x88, s3;
	s6 =	simm.s32 @!p1 $0x1082;
	[sflag:s4] =	ssyncset.s32 $0xFFFFF086  }
0x25: {  	[simem:s6], [sflag:s4] =	dma.local [hbm:s3], $0xF7A  }
0x26: {  	[smem:$0x3F99] =	sst s1;
	(tag) =	ssettag s2;
	_ =	strace s9  }
0x27: {  	s1 =	sld [smem:$0x3FA9]  }
0x28: {  	s2 =	sld [smem:$0x3FAA]  }
0x29: {  	s4 =	sld [smem:$0x3FAC]  }
0x2a: {  	p0 =	seq.s32 s5, $0x0;
	s5 =	sld [smem:$0x3FAD]  }
0x2b: {  	s6 =	sld [smem:$0x3FAE]  }
0x2c: {  	s7 =	sld [smem:$0x3FAF]  }
0x2d: {  	s3 =	simm.s32 $0x108;
	s8 =	sld [smem:$0x3FB0]  }
0x2e: {  	s3 =	simm.s32 @!p0 $0x1082;
	s9 =	sld [smem:$0x3FB1]  }
0x2f: {  	lr =	sadd.s32 s0, s3;
	s0 =	sld [smem:$0x3FA8]  }
0x30: {  	s3 =	sld [smem:$0x3FAB]  }
0x31: {  	[smem:$0x3FB4] =	sst s10  }
0x32: {  	s10 =	sld [smem:$0x3FB2];
	_ =	sdelay $0x3  }
0x33: {  	p0 =	seq.s32 s10, $0x1;
	s10 =	sld [smem:$0x3FB4];
	_ =	sdelay $0x3  }
0x34: {  	[smem:$0x3FB4] =	sst s10  }
0x35: {  	s10 =	sld [smem:$0x3FB3];
	_ =	sdelay $0x3  }
0x36: {  	p1 =	seq.s32 s10, $0x1;
	s10 =	sld [smem:$0x3FB4];
	_ =	sdelay $0x3  }
0x37: {  	[smem:$0x3FB4] =	sst s10  }
0x38: {  	s10 =	sld [smem:$0x3FB5]  }
0x39: {  	_ = 	snop;
	(pc) =	sbr.ind lr, $3  }
0x3a: {  	_ = 	snop  }
0x3b: {  	_ = 	snop  }
0x3c: {  	p2 =	seq.s32 s10, $0x1;
	s10 =	sld [smem:$0x3FB4]  }
0x3d: {  	_ =	shalt  }
0x3e: {  	_ =	shalt  }
0x3f: {  	_ =	shalt  }
0x40: {  	_ =	shalt  }
0x41: {  	_ =	shalt  }
0x42: {  	_ =	shalt  }
0x43: {  	_ =	shalt  }
0x44: {  	_ =	shalt  }
0x45: {  	_ =	shalt  }
0x46: {  	_ =	shalt  }
0x47: {  	_ =	shalt  }
0x48: {  	_ =	shalt  }
0x49: {  	_ =	shalt  }
0x4a: {  	_ =	shalt  }
0x4b: {  	_ =	shalt  }
0x4c: {  	_ =	shalt  }
0x4d: {  	_ =	shalt  }
0x4e: {  	_ =	shalt  }
0x4f: {  	_ =	shalt  }
0x50: {  	_ =	shalt  }
0x51: {  	_ =	shalt  }
0x52: {  	_ =	shalt  }
0x53: {  	_ =	shalt  }
0x54: {  	_ =	shalt  }
0x55: {  	_ =	shalt  }
0x56: {  	_ =	shalt  }
0x57: {  	_ =	shalt  }
0x58: {  	_ =	shalt  }
0x59: {  	_ =	shalt  }
0x5a: {  	_ =	shalt  }
0x5b: {  	_ =	shalt  }
0x5c: {  	_ =	shalt  }
0x5d: {  	_ =	shalt  }
0x5e: {  	_ =	shalt  }
0x5f: {  	_ =	shalt  }
0x60: {  	_ =	shalt  }
0x61: {  	_ =	shalt  }
0x62: {  	_ =	shalt  }
0x63: {  	_ =	shalt  }
0x64: {  	_ =	shalt  }
0x65: {  	_ =	shalt  }
0x66: {  	_ =	shalt  }
0x67: {  	_ =	shalt  }
0x68: {  	_ =	shalt  }
0x69: {  	_ =	shalt  }
0x6a: {  	_ =	shalt  }
0x6b: {  	_ =	shalt  }
0x6c: {  	_ =	shalt  }
0x6d: {  	_ =	shalt  }
0x6e: {  	_ =	shalt  }
0x6f: {  	_ =	shalt  }
0x70: {  	_ =	shalt  }
0x71: {  	_ =	shalt  }
0x72: {  	_ =	shalt  }
0x73: {  	_ =	shalt  }
0x74: {  	_ =	shalt  }
0x75: {  	_ =	shalt  }
0x76: {  	_ =	shalt  }
0x77: {  	_ =	shalt  }
0x78: {  	_ =	shalt  }
0x79: {  	_ =	shalt  }
0x7a: {  	_ =	shalt  }
0x7b: {  	_ =	shalt  }
0x7c: {  	_ =	shalt  }
0x7d: {  	_ =	shalt  }
0x7e: {  	_ =	shalt  }
0x7f: {  	_ =	shalt  }
0x80: {  	_ =	shalt  }
0x81: {  	_ =	shalt  }
0x82: {  	_ =	shalt  }
0x83: {  	_ =	shalt  }
0x84: {  	_ =	shalt  }
0x85: {  	_ =	shalt  }
0x86: {  	_ =	shalt  }
0x87: {  	_ =	shalt  }
.Lfunc_end0:
.L_simem_size_0:
called_computation.3_lowered:
.L_overlay_start_0:
0x88: {  	s2 =	sld [smem:$0x3FD9]  }
0x89: {  	s3 =	sld [smem:$0x3FFE];
	_ =	sdelay $0x1  }
0x8a: {  	s1 =	srdreg.scid  }
0x8b: {  	s0 =	sand.u32 $0x1, s1  }
0x8c: {  	s17 =	sshll.u32 s0, $0xA;
	s2 =	sadd.s32 s3, s2  }
0x8d: {  	s2 =	sadd.s32 s2, s17  }
0x8e: {  	[smem:$0x3FC0] =	sst s2  }
0x8f: {  	_ = 	snop  }
0x90: {  	s2 =	sld [smem:$0x3FD0];
	(tm) =	ssettm $0x1  }
0x91: {  	s18 =	sld [smem:$0x3FFB];
	_ =	sdelay $0x3  }
0x92: {  	_ =	strace s18  }
0x93: {  	s3 =	sld [smem:$0x3FFC];
	_ =	sdelay $0x3  }
0x94: {  	_ =	strace s3  }
0x95: {  	s3 =	sld [smem:$0x3FFD];
	_ =	sdelay $0x3  }
0x96: {  	_ =	strace s3  }
0x97: {  	_ =	strace $0x8FFFFFFF  }
0x98: {  	s19 =	sld [smem:$0x3FDB];
	_ =	sdelay $0x1  }
0x99: {  	s4 =	simm.s32 $_scs_section_size  }
0x9a: {  	s5 =	simm.s32 $_size__tile_overlayer_lowered;
	s6 =	simm.s32 $_tile_overlayer_lowered  }
0x9b: {  	s22 =	simm.s32 $0x1BFF;
	s21 =	sshll.u32 s6, $0x1;
	s3 =	sadd.s32 s4, s19  }
0x9c: {  	s7 =	simm.s32 $0x0;
	s20 =	sshll.u32 s5, $0x1;
	s5 =	sadd.s32 s21, s3  }
0x9d: {  	[timem:s7], [sflag:s22] =	dma.local [hbm:s5], s20  }
0x9e: {  	_ =	swait.ge [sflag:s22], s20  }
0x9f: {  	s4 =	ssub.s32 $0x0, s20;
	[sflag:s22] =	ssyncset.done $0x0  }
0xa0: {  	[sflag:s22] =	ssyncadd.s32 s4;
	_ =	sdelay $0x1  }
0xa1: {  	s23 =	simm.s32 $0x1B8B  }
0xa2: {  	_ =	swait.ge [sflag:s23], $0x1  }
0xa3: {  	[sflag:s23] =	ssyncset.done $0x0  }
0xa4: {  	s25 =	simm.s32 $0x1B8E;
	s24 =	sld [smem:$0x3FFE];
	[sflag:s23] =	ssyncadd.s32 $0xFFFFFFFF  }
0xa5: {  	s26 =	simm.s32 $execute0_lowered;
	[smem:$0x3FD2] =	sst s25  }
0xa6: {  	s5 =	sshll.u32 s26, $0x1;
	_ =	strace $0x8000004F;
	[dreg:$0x1] =	wrdreg $0xFFFFFFFF  }
0xa7: {  	s28 =	simm.s32 $_size_execute0_lowered;
	s3 =	sadd.s32 s3, s5;
	[dreg:$0x0] =	wrdreg $0x0  }
0xa8: {  	s5 =	sshll.u32 s28, $0x1;
	[dreg:$0x2] =	wrdreg s3  }
0xa9: {  	[dreg:$0x3] =	wrdreg s5  }
0xaa: {  	[dreg:$0x4] =	wrdreg $0xC0  }
0xab: {  	_ =	task [dreg:s7], $0x5FFFF  }
0xac: {  	[dreg:$0x1] =	wrdreg $0xFFFFFFFF  }
0xad: {  	[dreg:$0x0] =	wrdreg $0x60  }
0xae: {  	[dreg:$0x2] =	wrdreg s24  }
0xaf: {  	[dreg:$0x3] =	wrdreg s2  }
0xb0: {  	[dreg:$0x4] =	wrdreg $0x6D000  }
0xb1: {  	[dreg:$0x5] =	wrdreg $0x59000  }
0xb2: {  	[dreg:$0x6] =	wrdreg $0x9  }
0xb3: {  	_ =	task.clear_ibuf [dreg:s7], $0x7FFFF;
	_ =	strace $0x9000004F  }
0xb4: {  	s29 =	simm.s32 $0x9;
	_ =	strace $0x80000051  }
0xb5: {  	_ =	swait.ge [sflag:s29], $0x1  }
0xb6: {  	[sflag:s29] =	ssyncadd.s32 $0xFFFFFFFF  }
0xb7: {  	_ =	strace $0x90000051  }
0xb8: {  	_ =	sfence  }
0xb9: {  	s30 =	sld [smem:$0x0];
	_ =	sdelay $0x2  }
0xba: {  	s31 =	sshll.u32 s1, $0xD;
	s1 =	sshrl.u32 s1, $0x2  }
0xbb: {  	s3 =	sand.u32 $0x4000, s31;
	s1 =	sadd.s32 s1, s30  }
0xbc: {  	s0 =	sor.u32 s3, s0;
	s1 =	sshll.u32 s1, $0x11  }
0xbd: {  	s0 =	sor.u32 s1, s0  }
0xbe: {  	s0 =	sadd.s32 $0x8F2B, s0  }
0xbf: {  	[sflag:s0] =	ssyncadd.remote.s32 $0x1  }
0xc0: {  	_ =	sfence.sel $0xFFFF  }
0xc1: {  	[dreg:$0x0] =	wrdreg $0xFFFFFFFF;
	(pc) =	sbr.abs _section_cstart, $3  }
0xc2: {  	[dreg:$0x1] =	wrdreg $0xFFFFFFFF  }
0xc3: {  	_ =	task.clear_ibuf [dreg:s7], $0x2FFFF;
	_ =	strace $0x9FFFFFFF  }
0xc4: {  	(tm) =	ssettm $0x7FFFFFFF  }
0xc5: {  	_ =	shalt  }
tec
execute0_lowered:
.L_overlay_start_1:
0x0: {  	(tag) =	ssettag $0x1  }
0x1: {  	s6 =	rddreg [dreg:$0x0]  }
0x2: {  	s1 =	rddreg [dreg:$0x1]  }
0x3: {  	s0 =	srdreg.scid;
	s3 =	rddreg [dreg:$0x2]  }
0x4: {  	s4 =	rddreg [dreg:$0x3];
	s5 =	simm.s32 $0x0;
	s16 =	simm.s32 $0x80  }
0x5: {  	s17 =	simm.s32 $0x5100;
	s18 =	simm.s32 $0x5500;
	s19 =	simm.s32 $0x1  }
0x6: {  	s20 =	simm.s32 $0x2;
	s7 =	sand.u32 $0x1, s0;
	s0 =	stileid.u32  }
0x7: {  	s21 =	simm.s32 $0x0;
	[smem:$0x7FF] =	sst s5;
	s8 =	smul.u32 $0x1400, s0  }
0x8: {  	s2 =	sshll.u32 s7, $0x4;
	s12 =	smul.u32 $0x14000, s7;
	s7 =	ssub.s32 $0x2, s7  }
0x9: {  	s31 =	sshll.u32 s0, $0x6;
	s9 =	sor.u32 s0, s2;
	s2 =	rddreg [dreg:$0x4]  }
0xa: {  	_ =	strace $0x80000050;
	s13 =	sshrl.u32 s7, $0x1;
	s10 =	smul.u32 $0x520, s9  }
0xb: {  	s11 =	sshrl.u32 s8, $0x3;
	s9 =	smul.u32 $0x500, s9;
	s12 =	sadd.s32 s8, s12  }
0xc: {  	s13 =	ssub.s32 s7, s13;
	s14 =	sadd.s32 s8, s3;
	s15 =	sadd.s32 s8, s4  }
0xd: {  	s11 =	sadd.s32 s11, s6;
	s12 =	sshrl.u32 s12, $0x3;
	s10 =	sadd.s32 s10, s6  }
0xe: {  	s9 =	sadd.s32 s9, s6;
	s12 =	sadd.s32 s12, s6;
	s6 =	sor.u32 $0x1C03, s31  }
0xf: {  	s7 =	sadd.s32 $0x34800, s11;
	s11 =	smax.u32 s13, $0x1;
	s13 =	simm.s32 $0x3  }
0x10: {  	s8 =	sadd.s32 $0x3EA00, s10;
	s9 =	sadd.s32 $0x2800, s9;
	s10 =	sadd.s32 $0x37000, s12  }
0x11: {  	s12 =	sshrl.u32 s14, $0x3;
	s14 =	sshrl.u32 s15, $0x3;
	s15 =	simm.s32 $0x2900  }
.LBB2_1:
0x12: {  	[spmem:s12], [sflag:s6] =	dma.local [hbm:s1], $0x280  }
0x13: {  	_ =	swait.ge [sflag:s13], $0x280  }
0x14: {  	[sflag:s13] =	ssyncset.done $0x0  }
0x15: {  	[sflag:s13] =	ssyncadd.s32 $0xFFFFFD80  }
0x16: {  	[spmem:s14], [sflag:s6] =	dma.local [hbm:s7], $0x280  }
0x17: {  	_ =	swait.ge [sflag:s13], $0x280  }
0x18: {  	[sflag:s13] =	ssyncset.done $0x0  }
0x19: {  	[sflag:s13] =	ssyncadd.s32 $0xFFFFFD80  }
0x1a: {  	[tilespmem:s5], [sflag:$0x3] =	stream.linear.gather [hbm4b:s8+s5], $0x2900, $0x38;
	[tilespmem:$0x8100] =	vst v63  }
0x1b: {  	_ =	swait.ge [sflag:s13], $0x2900  }
0x1c: {  	[sflag:s13] =	ssyncset.done $0x0  }
0x1d: {  	[sflag:s13] =	ssyncadd.s32 $0xFFFFD700  }
0x1e: {  	[tilespmem:s15], [sflag:$0x3] =	stream.linear.gather [hbm4b:s9+s5], $0x2800, $0x38;
	[tilespmem:$0x8100] =	vst v63  }
0x1f: {  	_ =	swait.ge [sflag:s13], $0x2800  }
0x20: {  	[sflag:s13] =	ssyncset.done $0x0  }
0x21: {  	[sflag:s13] =	ssyncadd.s32 $0xFFFFD800  }
0x22: {  	[bflag:$0x0] =	sbarrier.arrive $0xFFFF  }
0x23: {  	[tilespmem:s17], [sflag:$0x1] =	stream.indirect.gather [spmem:s4], $0x8, s5, s16, $0xb8;
	[tilespmem:$0x8100] =	vst v63  }
0x24: {  	_ = 	snop  }
0x25: {  	[tilespmem:s18], [sflag:$0x2] =	stream.indirect.gather [spmem:s4], $0x8, s16, s16, $0xb8;
	[tilespmem:$0x8100] =	vst v63  }
0x26: {  	_ =	swait.ge [sflag:s19], $0x400  }
0x27: {  	[sflag:s19] =	ssyncset.done $0x0  }
0x28: {  	s22 =	simm.s32 $0x2900;
	[sflag:s19] =	ssyncadd.s32 $0xFFFFFC00  }
0x29: {  	[spmem:s3] =	stream.indirect.scatter.add.f32 [tilespmem:s17], [sflag:$0x3], $0x8, s22, s16, $0xb8;
	[tilespmem:$0x8100] =	vst v63  }
0x2a: {  	_ =	swait.ge [sflag:s13], $0x400  }
0x2b: {  	[sflag:s13] =	ssyncset.done $0x0  }
0x2c: {  	s30 =	simm.s32 $0x100;
	[sflag:s13] =	ssyncadd.s32 $0xFFFFFC00  }
0x2d: {  	[tilespmem:s17], [sflag:$0x1] =	stream.indirect.gather [spmem:s4], $0x8, s30, s16, $0xb8;
	[tilespmem:$0x8100] =	vst v63  }
0x2e: {  	_ =	swait.ge [sflag:s20], $0x400  }
0x2f: {  	[sflag:s20] =	ssyncset.done $0x0  }
0x30: {  	s31 =	simm.s32 $0x2980;
	[sflag:s20] =	ssyncadd.s32 $0xFFFFFC00  }
0x31: {  	[spmem:s3] =	stream.indirect.scatter.add.f32 [tilespmem:s18], [sflag:$0x3], $0x8, s31, s16, $0xb8;
	[tilespmem:$0x8100] =	vst v63  }
0x32: {  	_ =	swait.ge [sflag:s13], $0x400  }
0x33: {  	[sflag:s13] =	ssyncset.done $0x0  }
0x34: {  	s23 =	simm.s32 $0x180;
	s22 =	simm.s32 $0x400;
	[sflag:s13] =	ssyncadd.s32 $0xFFFFFC00  }
.LBB2_2:
0x35: {  	[tilespmem:s18], [sflag:$0x2] =	stream.indirect.gather [spmem:s4], $0x8, s23, s16, $0xb8;
	[tilespmem:$0x8100] =	vst v63  }
0x36: {  	s23 =	smov.u32 s22  }
0x37: {  	p0 =	sne.s32 s22, $0x9C00;
	s22 =	sadd.s32 $0x400, s22;
	_ =	swait.ge [sflag:s19], $0x400  }
0x38: {  	s23 =	sshra.s32 s23, $0x2;
	[sflag:s19] =	ssyncset.done $0x0  }
0x39: {  	s24 =	sadd.s32 $0x2900, s23;
	[sflag:s19] =	ssyncadd.s32 $0xFFFFFC00  }
0x3a: {  	[spmem:s3] =	stream.indirect.scatter.add.f32 [tilespmem:s17], [sflag:$0x3], $0x8, s24, s16, $0xb8;
	[tilespmem:$0x8100] =	vst v63  }
0x3b: {  	_ =	swait.ge [sflag:s13], $0x400  }
0x3c: {  	[sflag:s13] =	ssyncset.done $0x0  }
0x3d: {  	s24 =	sadd.s32 $0x100, s23;
	[sflag:s13] =	ssyncadd.s32 $0xFFFFFC00  }
0x3e: {  	[tilespmem:s17], [sflag:$0x1] =	stream.indirect.gather [spmem:s4], $0x8, s24, s16, $0xb8;
	[tilespmem:$0x8100] =	vst v63  }
0x3f: {  	_ =	swait.ge [sflag:s20], $0x400  }
0x40: {  	[sflag:s20] =	ssyncset.done $0x0  }
.Ltmp0:
0x41: {  	s24 =	sadd.s32 $0x2980, s23;
	[sflag:s20] =	ssyncadd.s32 $0xFFFFFC00;
	(pc) =	sbr.rel @p0 .LBB2_2-.Ltmp0, $4  }
0x42: {  	[spmem:s3] =	stream.indirect.scatter.add.f32 [tilespmem:s18], [sflag:$0x3], $0x8, s24, s16, $0xb8;
	[tilespmem:$0x8100] =	vst v63  }
0x43: {  	_ =	swait.ge [sflag:s13], $0x400  }
0x44: {  	[sflag:s13] =	ssyncset.done $0x0  }
0x45: {  	s23 =	sadd.s32 $0x180, s23;
	[sflag:s13] =	ssyncadd.s32 $0xFFFFFC00  }
0x46: {  	[tilespmem:s18], [sflag:$0x2] =	stream.indirect.gather [spmem:s4], $0x8, s23, s16, $0xb8;
	[tilespmem:$0x8100] =	vst v63  }
0x47: {  	_ =	swait.ge [sflag:s19], $0x400  }
0x48: {  	[sflag:s19] =	ssyncset.done $0x0  }
0x49: {  	[sflag:s19] =	ssyncadd.s32 $0xFFFFFC00  }
0x4a: {  	_ =	swait.ge [sflag:s20], $0x400  }
0x4b: {  	s21 =	sadd.s32 $0x1, s21;
	[sflag:s20] =	ssyncset.done $0x0  }
0x4c: {  	p0 =	sne.s32 s21, s11;
	[sflag:s20] =	ssyncadd.s32 $0xFFFFFC00  }
.Ltmp1:
0x4d: {  	[bflag:$0x0] =	sbarrier.arrive $0xFFFF;
	(pc) =	sbr.rel @p0 .LBB2_1-.Ltmp1, $4  }
0x4e: {  	[hbm:s10], [sflag:s6] =	dma.local [spmem:s12], $0x280  }
0x4f: {  	_ =	swait.ge [sflag:s13], $0x280  }
0x50: {  	[sflag:s13] =	ssyncset.done $0x0  }
0x51: {  	[sflag:s13] =	ssyncadd.s32 $0xFFFFFD80  }
0x52: {  	_ =	sfence.sel $0x180000  }
0x53: {  	[bflag:$0x0] =	sbarrier.arrive $0xFFFF  }
0x54: {  	p0 =	sne.s32 s0, $0x0;
	_ =	strace $0x90000050  }
0x55: {  	s0 =	sadd.s32 @!p0 $0x100000, s2;
	[bflag:$0x2] =	sbarrier.arrive $0xFFFF  }
0x56: {  	[sflag:s0] =	ssyncadd.tile.s32 @!p0 $0x1;
	_ =	shalt  }
.Lfunc_end2:
_tile_overlayer_lowered:
.L_overlay_start_2:
0x57: {  	(tag) =	ssettag $0x2  }
0x58: {  	s0 =	rddreg [dreg:$0x0];
	s2 =	stileid.u32  }
0x59: {  	s1 =	rddreg [dreg:$0x1];
	p0 =	sne.s32 s2, $0x0  }
0x5a: {  	s3 =	rddreg [dreg:$0x2];
	[bflag:$0x3] =	sbarrier.arrive $0xFFFF;
	s2 =	simm.s32 @!p0 $0x1C03  }
0x5b: {  	[timem:s3], [sflag:s2] =	dma.local @!p0 [hbm:s0], s1  }
0x5c: {  	s0 =	simm.s32 @!p0 $0x3  }
0x5d: {  	_ =	swait.ge @!p0 [sflag:s0], s1  }
0x5e: {  	s1 =	ssub.s32 @!p0 $0x0, s1;
	[sflag:s0] =	ssyncset.done @!p0 $0x0  }
0x5f: {  	[sflag:s0] =	ssyncadd.s32 @!p0 s1  }
0x60: {  	[bflag:$0x3] =	sbarrier.arrive $0xFFFF  }
0x61: {  	_ =	shalt  }

</sc_bundles>
